<compile_context>
chip_gen: v7x
topology: tpu7x:2x2x1
jax: 0.10.2.dev20260603
libtpu: 0.0.44.dev20260713+nightly
codegen_flags: <defaults>
</compile_context>

<pallas_src>
import functools

import jax
import jax.numpy as jnp
from jax import lax
from jax.experimental import pallas as pl
from jax.experimental.pallas import tpu as pltpu
from jax.experimental.pallas import tpu_sc as plsc

_N_NODES = 10000
_N_EDGES = 20000
_N_INC = 320000
_D = 128
_DH = 64
_ALPHA = 0.5
_NTILES = 16
_PPT = _N_INC // _NTILES
_CH = 80
_NCH = _PPT // _CH
_NB = 50
_NBLK = _NCH // _NB
_ZCH = 160
_XE_PAD = 20480
_XE_PT = _XE_PAD // _NTILES
_S_PAD = 10240
_S_PT = _S_PAD // _NTILES
_DEGW = 8

_MESH = plsc.VectorSubcoreMesh(core_axis_name="c", subcore_axis_name="s")
_SC_PARAMS = pltpu.CompilerParams(use_tc_tiling_on_sc=False)


def _mm1_body(x_ref, w_ref, b_ref, o0_ref, o1_ref):
    y = jnp.dot(x_ref[...], w_ref[...], preferred_element_type=jnp.float32)
    y = y + b_ref[...]
    o0_ref[...] = y[:, :_DH]
    o1_ref[...] = y[:, _DH:]


def _xw1(X, W1_w, W1_b):
    blk = 1000
    return pl.pallas_call(
        _mm1_body,
        grid=(_N_NODES // blk,),
        in_specs=[
            pl.BlockSpec((blk, _D), lambda i: (i, 0)),
            pl.BlockSpec((_D, _D), lambda i: (0, 0)),
            pl.BlockSpec((1, _D), lambda i: (0, 0)),
        ],
        out_specs=[
            pl.BlockSpec((blk, _DH), lambda i: (i, 0)),
            pl.BlockSpec((blk, _DH), lambda i: (i, 0)),
        ],
        out_shape=[
            jax.ShapeDtypeStruct((_N_NODES, _DH), jnp.float32),
            jax.ShapeDtypeStruct((_N_NODES, _DH), jnp.float32),
        ],
    )(X, W1_w, W1_b)


def _sc1_body(xw1a, xw1b, vtx3, edg3, zrow, zdeg, ones_h,
              xe0, xe1, deg,
              vtx_v, edg_v, rowbuf, rowbuf2, ones_v, zbuf, zdbuf,
              xe_acc, deg_acc, gsem, gsem2):
    c = lax.axis_index("c")
    s = lax.axis_index("s")
    pltpu.sync_copy(zrow, zbuf)
    for k in range(_XE_PT // _ZCH):
        pltpu.sync_copy(zbuf, xe_acc.at[pl.ds(s * _XE_PT + k * _ZCH, _ZCH)])

    @pl.when(c == 0)
    def _():
        pltpu.sync_copy(zdeg, zdbuf)
        pltpu.sync_copy(zdbuf, deg_acc.at[pl.ds(s * _S_PT, _S_PT)])
        pltpu.sync_copy(ones_h, ones_v)

    plsc.subcore_barrier()

    def run(xw1h, with_deg):
        def block(b, carry):
            pltpu.sync_copy(vtx3.at[s, pl.ds(b * _NB, _NB)], vtx_v)
            pltpu.sync_copy(edg3.at[s, pl.ds(b * _NB, _NB)], edg_v)

            def pair(p, c2):
                j0 = 2 * p
                j1 = j0 + 1
                cp0 = pltpu.async_copy(xw1h.at[vtx_v.at[j0]], rowbuf, gsem)
                cp1 = pltpu.async_copy(xw1h.at[vtx_v.at[j1]], rowbuf2, gsem2)
                cp0.wait()
                pltpu.sync_copy(rowbuf, xe_acc.at[edg_v.at[j0]], add=True)
                if with_deg:
                    pltpu.sync_copy(ones_v, deg_acc.at[vtx_v.at[j0]], add=True)
                cp1.wait()
                pltpu.sync_copy(rowbuf2, xe_acc.at[edg_v.at[j1]], add=True)
                if with_deg:
                    pltpu.sync_copy(ones_v, deg_acc.at[vtx_v.at[j1]], add=True)
                return c2
            lax.fori_loop(0, _NB // 2, pair, 0)
            return carry
        lax.fori_loop(0, _NBLK, block, 0)

    @pl.when(c == 0)
    def _():
        run(xw1a, True)

    @pl.when(c == 1)
    def _():
        run(xw1b, False)

    plsc.subcore_barrier()

    def dump(xe_h):
        for k in range(_XE_PT // _ZCH):
            rows = pl.ds(s * _XE_PT + k * _ZCH, _ZCH)
            pltpu.sync_copy(xe_acc.at[rows], zbuf)
            pltpu.sync_copy(zbuf, xe_h.at[rows])

    @pl.when(c == 0)
    def _():
        dump(xe0)
        pltpu.sync_copy(deg_acc.at[pl.ds(s * _S_PT, _S_PT)], zdbuf)
        pltpu.sync_copy(zdbuf, deg.at[pl.ds(s * _S_PT, _S_PT)])

    @pl.when(c == 1)
    def _():
        dump(xe1)


_sc_phase1 = functools.partial(
    pl.kernel,
    out_type=[
        jax.ShapeDtypeStruct((_XE_PAD, _DH), jnp.float32),
        jax.ShapeDtypeStruct((_XE_PAD, _DH), jnp.float32),
        jax.ShapeDtypeStruct((_S_PAD, _DEGW), jnp.float32),
    ],
    mesh=_MESH,
    compiler_params=_SC_PARAMS,
    scratch_types=[
        pltpu.VMEM((_NB, _CH), jnp.int32),
        pltpu.VMEM((_NB, _CH), jnp.int32),
        pltpu.VMEM((_CH, _DH), jnp.float32),
        pltpu.VMEM((_CH, _DH), jnp.float32),
        pltpu.VMEM((_CH, _DEGW), jnp.float32),
        pltpu.VMEM((_ZCH, _DH), jnp.float32),
        pltpu.VMEM((_S_PT, _DEGW), jnp.float32),
        pltpu.VMEM_SHARED((_XE_PAD, _DH), jnp.float32),
        pltpu.VMEM_SHARED((_S_PAD, _DEGW), jnp.float32),
        pltpu.SemaphoreType.DMA,
        pltpu.SemaphoreType.DMA,
    ],
)(_sc1_body)


def _sc2_body(xe0, xe1, vtx3, edg3, zrow,
              s_out0, s_out1,
              vtx_v, edg_v, rowbuf, rowbuf2, zbuf, s_acc, gsem, gsem2):
    c = lax.axis_index("c")
    s = lax.axis_index("s")
    pltpu.sync_copy(zrow, zbuf)
    for k in range(_S_PT // _ZCH):
        pltpu.sync_copy(zbuf, s_acc.at[pl.ds(s * _S_PT + k * _ZCH, _ZCH)])
    plsc.subcore_barrier()

    def run(xe_h):
        def block(b, carry):
            pltpu.sync_copy(vtx3.at[s, pl.ds(b * _NB, _NB)], vtx_v)
            pltpu.sync_copy(edg3.at[s, pl.ds(b * _NB, _NB)], edg_v)

            def pair(p, c2):
                j0 = 2 * p
                j1 = j0 + 1
                cp0 = pltpu.async_copy(xe_h.at[edg_v.at[j0]], rowbuf, gsem)
                cp1 = pltpu.async_copy(xe_h.at[edg_v.at[j1]], rowbuf2, gsem2)
                cp0.wait()
                pltpu.sync_copy(rowbuf, s_acc.at[vtx_v.at[j0]], add=True)
                cp1.wait()
                pltpu.sync_copy(rowbuf2, s_acc.at[vtx_v.at[j1]], add=True)
                return c2
            lax.fori_loop(0, _NB // 2, pair, 0)
            return carry
        lax.fori_loop(0, _NBLK, block, 0)

    @pl.when(c == 0)
    def _():
        run(xe0)

    @pl.when(c == 1)
    def _():
        run(xe1)

    plsc.subcore_barrier()
    for k in range(_S_PT // _ZCH):
        rows = pl.ds(s * _S_PT + k * _ZCH, _ZCH)
        pltpu.sync_copy(s_acc.at[rows], zbuf)

        @pl.when(c == 0)
        def _():
            pltpu.sync_copy(zbuf, s_out0.at[rows])

        @pl.when(c == 1)
        def _():
            pltpu.sync_copy(zbuf, s_out1.at[rows])


_sc_phase2 = functools.partial(
    pl.kernel,
    out_type=[
        jax.ShapeDtypeStruct((_S_PAD, _DH), jnp.float32),
        jax.ShapeDtypeStruct((_S_PAD, _DH), jnp.float32),
    ],
    mesh=_MESH,
    compiler_params=_SC_PARAMS,
    scratch_types=[
        pltpu.VMEM((_NB, _CH), jnp.int32),
        pltpu.VMEM((_NB, _CH), jnp.int32),
        pltpu.VMEM((_CH, _DH), jnp.float32),
        pltpu.VMEM((_CH, _DH), jnp.float32),
        pltpu.VMEM((_ZCH, _DH), jnp.float32),
        pltpu.VMEM_SHARED((_S_PAD, _DH), jnp.float32),
        pltpu.SemaphoreType.DMA,
        pltpu.SemaphoreType.DMA,
    ],
)(_sc2_body)


def _final_body(x_ref, x0_ref, s0_ref, s1_ref, deg_ref,
                w2a_ref, w2b_ref, b2_ref, ww_ref, wb_ref, o_ref):
    d = deg_ref[...][:, 0:1]
    s_all = jnp.concatenate([s0_ref[...], s1_ref[...]], axis=-1)
    xv = jnp.dot(x_ref[...] * d, w2a_ref[...], preferred_element_type=jnp.float32)
    xv = xv + jnp.dot(s_all, w2b_ref[...], preferred_element_type=jnp.float32)
    xv = xv + d * b2_ref[...]
    xmix = (1.0 - _ALPHA) * xv + _ALPHA * x0_ref[...]
    o_ref[...] = jnp.dot(xmix, ww_ref[...], preferred_element_type=jnp.float32) + wb_ref[...]


def _final(X, X0, S0, S1, deg, W2a, W2b, b2, W_w, W_b):
    blk = 1000
    full = lambda i: (0, 0)
    return pl.pallas_call(
        _final_body,
        grid=(_N_NODES // blk,),
        in_specs=[
            pl.BlockSpec((blk, _D), lambda i: (i, 0)),
            pl.BlockSpec((blk, _D), lambda i: (i, 0)),
            pl.BlockSpec((blk, _DH), lambda i: (i, 0)),
            pl.BlockSpec((blk, _DH), lambda i: (i, 0)),
            pl.BlockSpec((blk, _DEGW), lambda i: (i, 0)),
            pl.BlockSpec((_D, _D), full),
            pl.BlockSpec((_D, _D), full),
            pl.BlockSpec((1, _D), full),
            pl.BlockSpec((_D, _D), full),
            pl.BlockSpec((1, _D), full),
        ],
        out_specs=pl.BlockSpec((blk, _D), lambda i: (i, 0)),
        out_shape=jax.ShapeDtypeStruct((_N_NODES, _D), jnp.float32),
    )(X, X0, S0, S1, deg, W2a, W2b, b2, W_w, W_b)


def kernel(X, vertex, edges, X0, W1_w, W1_b, W2_w, W2_b, W_w, W_b):
    vertex = vertex.astype(jnp.int32)
    edges = edges.astype(jnp.int32)
    vtx3 = vertex.reshape(_NTILES, _NCH, _CH)
    edg3 = edges.reshape(_NTILES, _NCH, _CH)

    xw1a, xw1b = _xw1(X, W1_w, W1_b.reshape(1, _D))

    zrow = jnp.zeros((_ZCH, _DH), jnp.float32)
    zdeg = jnp.zeros((_S_PT, _DEGW), jnp.float32)
    ones_h = jnp.ones((_CH, _DEGW), jnp.float32)

    xe0, xe1, deg = _sc_phase1(xw1a, xw1b, vtx3, edg3, zrow, zdeg, ones_h)
    S0, S1 = _sc_phase2(xe0, xe1, vtx3, edg3, zrow)
    S0 = S0[:_N_NODES]
    S1 = S1[:_N_NODES]
    deg = deg[:_N_NODES]

    out = _final(X, X0, S0, S1, deg,
                 W2_w[:_D], W2_w[_D:],
                 W2_b.reshape(1, _D), W_w, W_b.reshape(1, _D))
    return out

# --- scband reference (transcript-rebuilt; emitter-appended) ---
"""Pipeline reference for scband-equiv-set-conv-4355096839068 (READ-ONLY COPY).

The authoritative reference and input builder live on the scoring server;
editing this copy changes nothing except your own understanding.
"""

import jax, jax.numpy as jnp
import numpy as np

N_NODES = 10000
N_INC = 320000
N_HYPEREDGES = 20000
D = 128
ALPHA = 0.5


def setup_inputs(seed: int = 0) -> dict:
    key = jax.random.key(seed)
    ks = jax.random.split(key, 10)
    X = jax.random.normal(ks[0], (N_NODES, D), dtype=jnp.float32)
    X0 = jax.random.normal(ks[1], (N_NODES, D), dtype=jnp.float32)
    vertex = jax.random.randint(ks[2], (N_INC,), 0, N_NODES, dtype=jnp.int64 if jax.config.jax_enable_x64 else jnp.int32)
    edges = jax.random.randint(ks[3], (N_INC,), 0, N_HYPEREDGES, dtype=jnp.int64 if jax.config.jax_enable_x64 else jnp.int32)
    # MLP with num_layers=1 is a single Linear layer (AllSet-style MLP)
    W1_w = jax.random.normal(ks[4], (D, D), dtype=jnp.float32) * 0.05
    W1_b = jnp.zeros((D,), dtype=jnp.float32)
    W2_w = jax.random.normal(ks[5], (2 * D, D), dtype=jnp.float32) * 0.05
    W2_b = jnp.zeros((D,), dtype=jnp.float32)
    W_w = jax.random.normal(ks[6], (D, D), dtype=jnp.float32) * 0.05
    W_b = jnp.zeros((D,), dtype=jnp.float32)
    return {"X": X, "vertex": vertex, "edges": edges, "X0": X0,
            "W1_w": W1_w, "W1_b": W1_b, "W2_w": W2_w, "W2_b": W2_b,
            "W_w": W_w, "W_b": W_b}


def reference(X, vertex, edges, X0, W1_w, W1_b, W2_w, W2_b, W_w, W_b):
    N = X.shape[-2]
    # Xve = W1(X)[vertex]
    XW1 = X @ W1_w + W1_b
    Xve = jnp.take(XW1, vertex, axis=0)
    # Xe = scatter_add(Xve, edges)  (aggr='add')
    Xe = jax.ops.segment_sum(Xve, edges, num_segments=N_HYPEREDGES)
    # Xev = Xe[edges]
    Xev = jnp.take(Xe, edges, axis=0)
    # Xev = W2(cat([X[vertex], Xev]))
    Xcat = jnp.concatenate([jnp.take(X, vertex, axis=0), Xev], axis=-1)
    Xev2 = Xcat @ W2_w + W2_b
    # Xv = scatter_add(Xev2, vertex, dim_size=N)
    Xv = jax.ops.segment_sum(Xev2, vertex, num_segments=N)
    Xmix = (1.0 - ALPHA) * Xv + ALPHA * X0
    out = Xmix @ W_w + W_b
    return out

if __name__ == "__main__":
    import jax
    _d = setup_inputs()
    print(jax.jit(kernel)(*tuple(_d.values())))

</pallas_src>

<mosaic_0001>
#map = affine_map<(d0, d1) -> (0, 0)>
#map1 = affine_map<(d0, d1) -> (0, 0, 0)>
module attributes {stable_mosaic.version = 14 : i64} {
  func.func @_sc1_body(%arg0: i32, %arg1: i32, %arg2: memref<10000x64xf32, #tpu.memory_space<hbm>>, %arg3: memref<10000x64xf32, #tpu.memory_space<hbm>>, %arg4: memref<16x250x80xi32, #tpu.memory_space<hbm>>, %arg5: memref<16x250x80xi32, #tpu.memory_space<hbm>>, %arg6: memref<160x64xf32, #tpu.memory_space<hbm>>, %arg7: memref<640x8xf32, #tpu.memory_space<hbm>>, %arg8: memref<80x8xf32, #tpu.memory_space<hbm>>, %arg9: memref<20480x64xf32, #tpu.memory_space<hbm>>, %arg10: memref<20480x64xf32, #tpu.memory_space<hbm>>, %arg11: memref<10240x8xf32, #tpu.memory_space<hbm>>, %arg12: memref<50x80xi32, #tpu.memory_space<vmem>>, %arg13: memref<50x80xi32, #tpu.memory_space<vmem>>, %arg14: memref<80x64xf32, #tpu.memory_space<vmem>>, %arg15: memref<80x64xf32, #tpu.memory_space<vmem>>, %arg16: memref<80x8xf32, #tpu.memory_space<vmem>>, %arg17: memref<160x64xf32, #tpu.memory_space<vmem>>, %arg18: memref<640x8xf32, #tpu.memory_space<vmem>>, %arg19: memref<20480x64xf32, #tpu.memory_space<vmem_shared>>, %arg20: memref<10240x8xf32, #tpu.memory_space<vmem_shared>>, %arg21: memref<!tpu.dma_semaphore, #tpu.memory_space<semaphore_mem>>, %arg22: memref<!tpu.dma_semaphore, #tpu.memory_space<semaphore_mem>>) attributes {dimension_semantics = [#tpu.dimension_semantics<core_parallel>, #tpu.dimension_semantics<subcore_parallel>], iteration_bounds = array<i64: 2, 16>, scalar_prefetch = 0 : i64, scratch_operands = 11 : i64, tpu.core_type = #tpu.core_type<sc_vector_subcore>, window_params = [{transform_indices = #map}, {transform_indices = #map}, {transform_indices = #map1}, {transform_indices = #map1}, {transform_indices = #map}, {transform_indices = #map}, {transform_indices = #map}, {transform_indices = #map}, {transform_indices = #map}, {transform_indices = #map}]} {
    "tpu.region"() ({
      %run_scoped3A = tpu.sem_alloc : memref<!tpu.dma_semaphore, #tpu.memory_space<semaphore_mem>>
      tpu.enqueue_dma source(%arg6 : memref<160x64xf32, #tpu.memory_space<hbm>>) target(%arg17 : memref<160x64xf32, #tpu.memory_space<vmem>>) target_semaphore(%run_scoped3A : memref<!tpu.dma_semaphore, #tpu.memory_space<semaphore_mem>>)
      tpu.wait_dma2 semaphore(%run_scoped3A : memref<!tpu.dma_semaphore, #tpu.memory_space<semaphore_mem>>) src(%arg6 : memref<160x64xf32, #tpu.memory_space<hbm>>) dst(%arg17 : memref<160x64xf32, #tpu.memory_space<vmem>>)
      tpu.yield
    }) : () -> ()
    %mul3A = arith.constant 1280 : i32
    %mul3A_0 = arith.muli %arg1, %mul3A : i32
    %add3A = arith.constant 0 : i32
    %add3A_1 = arith.addi %mul3A_0, %add3A : i32
    "tpu.region"() ({
      %run_scoped3A = tpu.sem_alloc : memref<!tpu.dma_semaphore, #tpu.memory_space<semaphore_mem>>
      %dma_start3A = arith.constant 0 : i32
      %dma_start3A_53 = tpu.memref_slice %arg19[%add3A_1, %dma_start3A] : memref<20480x64xf32, #tpu.memory_space<vmem_shared>> -> memref<160x64xf32, #tpu.memory_space<vmem_shared>>
      %dma_start3A_54 = arith.constant 0 : i32
      %dma_start3A_55 = tpu.memref_slice %arg19[%add3A_1, %dma_start3A_54] : memref<20480x64xf32, #tpu.memory_space<vmem_shared>> -> memref<160x64xf32, #tpu.memory_space<vmem_shared>>
      tpu.enqueue_dma source(%arg17 : memref<160x64xf32, #tpu.memory_space<vmem>>) target(%dma_start3A_55 : memref<160x64xf32, #tpu.memory_space<vmem_shared>>) target_semaphore(%run_scoped3A : memref<!tpu.dma_semaphore, #tpu.memory_space<semaphore_mem>>)
      %dma_wait3A = arith.constant 0 : i32
      %dma_wait3A_56 = tpu.memref_slice %arg19[%add3A_1, %dma_wait3A] : memref<20480x64xf32, #tpu.memory_space<vmem_shared>> -> memref<160x64xf32, #tpu.memory_space<vmem_shared>>
      %dma_wait3A_57 = arith.constant 0 : i32
      %dma_wait3A_58 = tpu.memref_slice %arg19[%add3A_1, %dma_wait3A_57] : memref<20480x64xf32, #tpu.memory_space<vmem_shared>> -> memref<160x64xf32, #tpu.memory_space<vmem_shared>>
      tpu.wait_dma2 semaphore(%run_scoped3A : memref<!tpu.dma_semaphore, #tpu.memory_space<semaphore_mem>>) src(%arg17 : memref<160x64xf32, #tpu.memory_space<vmem>>) dst(%dma_wait3A_58 : memref<160x64xf32, #tpu.memory_space<vmem_shared>>)
      tpu.yield
    }) : () -> ()
    %mul3A_2 = arith.constant 1280 : i32
    %mul3A_3 = arith.muli %arg1, %mul3A_2 : i32
    %add3A_4 = arith.constant 160 : i32
    %add3A_5 = arith.addi %mul3A_3, %add3A_4 : i32
    "tpu.region"() ({
      %run_scoped3A = tpu.sem_alloc : memref<!tpu.dma_semaphore, #tpu.memory_space<semaphore_mem>>
      %dma_start3A = arith.constant 0 : i32
      %dma_start3A_53 = tpu.memref_slice %arg19[%add3A_5, %dma_start3A] : memref<20480x64xf32, #tpu.memory_space<vmem_shared>> -> memref<160x64xf32, #tpu.memory_space<vmem_shared>>
      %dma_start3A_54 = arith.constant 0 : i32
      %dma_start3A_55 = tpu.memref_slice %arg19[%add3A_5, %dma_start3A_54] : memref<20480x64xf32, #tpu.memory_space<vmem_shared>> -> memref<160x64xf32, #tpu.memory_space<vmem_shared>>
      tpu.enqueue_dma source(%arg17 : memref<160x64xf32, #tpu.memory_space<vmem>>) target(%dma_start3A_55 : memref<160x64xf32, #tpu.memory_space<vmem_shared>>) target_semaphore(%run_scoped3A : memref<!tpu.dma_semaphore, #tpu.memory_space<semaphore_mem>>)
      %dma_wait3A = arith.constant 0 : i32
      %dma_wait3A_56 = tpu.memref_slice %arg19[%add3A_5, %dma_wait3A] : memref<20480x64xf32, #tpu.memory_space<vmem_shared>> -> memref<160x64xf32, #tpu.memory_space<vmem_shared>>
      %dma_wait3A_57 = arith.constant 0 : i32
      %dma_wait3A_58 = tpu.memref_slice %arg19[%add3A_5, %dma_wait3A_57] : memref<20480x64xf32, #tpu.memory_space<vmem_shared>> -> memref<160x64xf32, #tpu.memory_space<vmem_shared>>
      tpu.wait_dma2 semaphore(%run_scoped3A : memref<!tpu.dma_semaphore, #tpu.memory_space<semaphore_mem>>) src(%arg17 : memref<160x64xf32, #tpu.memory_space<vmem>>) dst(%dma_wait3A_58 : memref<160x64xf32, #tpu.memory_space<vmem_shared>>)
      tpu.yield
    }) : () -> ()
    %mul3A_6 = arith.constant 1280 : i32
    %mul3A_7 = arith.muli %arg1, %mul3A_6 : i32
    %add3A_8 = arith.constant 320 : i32
    %add3A_9 = arith.addi %mul3A_7, %add3A_8 : i32
    "tpu.region"() ({
      %run_scoped3A = tpu.sem_alloc : memref<!tpu.dma_semaphore, #tpu.memory_space<semaphore_mem>>
      %dma_start3A = arith.constant 0 : i32
      %dma_start3A_53 = tpu.memref_slice %arg19[%add3A_9, %dma_start3A] : memref<20480x64xf32, #tpu.memory_space<vmem_shared>> -> memref<160x64xf32, #tpu.memory_space<vmem_shared>>
      %dma_start3A_54 = arith.constant 0 : i32
      %dma_start3A_55 = tpu.memref_slice %arg19[%add3A_9, %dma_start3A_54] : memref<20480x64xf32, #tpu.memory_space<vmem_shared>> -> memref<160x64xf32, #tpu.memory_space<vmem_shared>>
      tpu.enqueue_dma source(%arg17 : memref<160x64xf32, #tpu.memory_space<vmem>>) target(%dma_start3A_55 : memref<160x64xf32, #tpu.memory_space<vmem_shared>>) target_semaphore(%run_scoped3A : memref<!tpu.dma_semaphore, #tpu.memory_space<semaphore_mem>>)
      %dma_wait3A = arith.constant 0 : i32
      %dma_wait3A_56 = tpu.memref_slice %arg19[%add3A_9, %dma_wait3A] : memref<20480x64xf32, #tpu.memory_space<vmem_shared>> -> memref<160x64xf32, #tpu.memory_space<vmem_shared>>
      %dma_wait3A_57 = arith.constant 0 : i32
      %dma_wait3A_58 = tpu.memref_slice %arg19[%add3A_9, %dma_wait3A_57] : memref<20480x64xf32, #tpu.memory_space<vmem_shared>> -> memref<160x64xf32, #tpu.memory_space<vmem_shared>>
      tpu.wait_dma2 semaphore(%run_scoped3A : memref<!tpu.dma_semaphore, #tpu.memory_space<semaphore_mem>>) src(%arg17 : memref<160x64xf32, #tpu.memory_space<vmem>>) dst(%dma_wait3A_58 : memref<160x64xf32, #tpu.memory_space<vmem_shared>>)
      tpu.yield
    }) : () -> ()
    %mul3A_10 = arith.constant 1280 : i32
    %mul3A_11 = arith.muli %arg1, %mul3A_10 : i32
    %add3A_12 = arith.constant 480 : i32
    %add3A_13 = arith.addi %mul3A_11, %add3A_12 : i32
    "tpu.region"() ({
      %run_scoped3A = tpu.sem_alloc : memref<!tpu.dma_semaphore, #tpu.memory_space<semaphore_mem>>
      %dma_start3A = arith.constant 0 : i32
      %dma_start3A_53 = tpu.memref_slice %arg19[%add3A_13, %dma_start3A] : memref<20480x64xf32, #tpu.memory_space<vmem_shared>> -> memref<160x64xf32, #tpu.memory_space<vmem_shared>>
      %dma_start3A_54 = arith.constant 0 : i32
      %dma_start3A_55 = tpu.memref_slice %arg19[%add3A_13, %dma_start3A_54] : memref<20480x64xf32, #tpu.memory_space<vmem_shared>> -> memref<160x64xf32, #tpu.memory_space<vmem_shared>>
      tpu.enqueue_dma source(%arg17 : memref<160x64xf32, #tpu.memory_space<vmem>>) target(%dma_start3A_55 : memref<160x64xf32, #tpu.memory_space<vmem_shared>>) target_semaphore(%run_scoped3A : memref<!tpu.dma_semaphore, #tpu.memory_space<semaphore_mem>>)
      %dma_wait3A = arith.constant 0 : i32
      %dma_wait3A_56 = tpu.memref_slice %arg19[%add3A_13, %dma_wait3A] : memref<20480x64xf32, #tpu.memory_space<vmem_shared>> -> memref<160x64xf32, #tpu.memory_space<vmem_shared>>
      %dma_wait3A_57 = arith.constant 0 : i32
      %dma_wait3A_58 = tpu.memref_slice %arg19[%add3A_13, %dma_wait3A_57] : memref<20480x64xf32, #tpu.memory_space<vmem_shared>> -> memref<160x64xf32, #tpu.memory_space<vmem_shared>>
      tpu.wait_dma2 semaphore(%run_scoped3A : memref<!tpu.dma_semaphore, #tpu.memory_space<semaphore_mem>>) src(%arg17 : memref<160x64xf32, #tpu.memory_space<vmem>>) dst(%dma_wait3A_58 : memref<160x64xf32, #tpu.memory_space<vmem_shared>>)
      tpu.yield
    }) : () -> ()
    %mul3A_14 = arith.constant 1280 : i32
    %mul3A_15 = arith.muli %arg1, %mul3A_14 : i32
    %add3A_16 = arith.constant 640 : i32
    %add3A_17 = arith.addi %mul3A_15, %add3A_16 : i32
    "tpu.region"() ({
      %run_scoped3A = tpu.sem_alloc : memref<!tpu.dma_semaphore, #tpu.memory_space<semaphore_mem>>
      %dma_start3A = arith.constant 0 : i32
      %dma_start3A_53 = tpu.memref_slice %arg19[%add3A_17, %dma_start3A] : memref<20480x64xf32, #tpu.memory_space<vmem_shared>> -> memref<160x64xf32, #tpu.memory_space<vmem_shared>>
      %dma_start3A_54 = arith.constant 0 : i32
      %dma_start3A_55 = tpu.memref_slice %arg19[%add3A_17, %dma_start3A_54] : memref<20480x64xf32, #tpu.memory_space<vmem_shared>> -> memref<160x64xf32, #tpu.memory_space<vmem_shared>>
      tpu.enqueue_dma source(%arg17 : memref<160x64xf32, #tpu.memory_space<vmem>>) target(%dma_start3A_55 : memref<160x64xf32, #tpu.memory_space<vmem_shared>>) target_semaphore(%run_scoped3A : memref<!tpu.dma_semaphore, #tpu.memory_space<semaphore_mem>>)
      %dma_wait3A = arith.constant 0 : i32
      %dma_wait3A_56 = tpu.memref_slice %arg19[%add3A_17, %dma_wait3A] : memref<20480x64xf32, #tpu.memory_space<vmem_shared>> -> memref<160x64xf32, #tpu.memory_space<vmem_shared>>
      %dma_wait3A_57 = arith.constant 0 : i32
      %dma_wait3A_58 = tpu.memref_slice %arg19[%add3A_17, %dma_wait3A_57] : memref<20480x64xf32, #tpu.memory_space<vmem_shared>> -> memref<160x64xf32, #tpu.memory_space<vmem_shared>>
      tpu.wait_dma2 semaphore(%run_scoped3A : memref<!tpu.dma_semaphore, #tpu.memory_space<semaphore_mem>>) src(%arg17 : memref<160x64xf32, #tpu.memory_space<vmem>>) dst(%dma_wait3A_58 : memref<160x64xf32, #tpu.memory_space<vmem_shared>>)
      tpu.yield
    }) : () -> ()
    %mul3A_18 = arith.constant 1280 : i32
    %mul3A_19 = arith.muli %arg1, %mul3A_18 : i32
    %add3A_20 = arith.constant 800 : i32
    %add3A_21 = arith.addi %mul3A_19, %add3A_20 : i32
    "tpu.region"() ({
      %run_scoped3A = tpu.sem_alloc : memref<!tpu.dma_semaphore, #tpu.memory_space<semaphore_mem>>
      %dma_start3A = arith.constant 0 : i32
      %dma_start3A_53 = tpu.memref_slice %arg19[%add3A_21, %dma_start3A] : memref<20480x64xf32, #tpu.memory_space<vmem_shared>> -> memref<160x64xf32, #tpu.memory_space<vmem_shared>>
      %dma_start3A_54 = arith.constant 0 : i32
      %dma_start3A_55 = tpu.memref_slice %arg19[%add3A_21, %dma_start3A_54] : memref<20480x64xf32, #tpu.memory_space<vmem_shared>> -> memref<160x64xf32, #tpu.memory_space<vmem_shared>>
      tpu.enqueue_dma source(%arg17 : memref<160x64xf32, #tpu.memory_space<vmem>>) target(%dma_start3A_55 : memref<160x64xf32, #tpu.memory_space<vmem_shared>>) target_semaphore(%run_scoped3A : memref<!tpu.dma_semaphore, #tpu.memory_space<semaphore_mem>>)
      %dma_wait3A = arith.constant 0 : i32
      %dma_wait3A_56 = tpu.memref_slice %arg19[%add3A_21, %dma_wait3A] : memref<20480x64xf32, #tpu.memory_space<vmem_shared>> -> memref<160x64xf32, #tpu.memory_space<vmem_shared>>
      %dma_wait3A_57 = arith.constant 0 : i32
      %dma_wait3A_58 = tpu.memref_slice %arg19[%add3A_21, %dma_wait3A_57] : memref<20480x64xf32, #tpu.memory_space<vmem_shared>> -> memref<160x64xf32, #tpu.memory_space<vmem_shared>>
      tpu.wait_dma2 semaphore(%run_scoped3A : memref<!tpu.dma_semaphore, #tpu.memory_space<semaphore_mem>>) src(%arg17 : memref<160x64xf32, #tpu.memory_space<vmem>>) dst(%dma_wait3A_58 : memref<160x64xf32, #tpu.memory_space<vmem_shared>>)
      tpu.yield
    }) : () -> ()
    %mul3A_22 = arith.constant 1280 : i32
    %mul3A_23 = arith.muli %arg1, %mul3A_22 : i32
    %add3A_24 = arith.constant 960 : i32
    %add3A_25 = arith.addi %mul3A_23, %add3A_24 : i32
    "tpu.region"() ({
      %run_scoped3A = tpu.sem_alloc : memref<!tpu.dma_semaphore, #tpu.memory_space<semaphore_mem>>
      %dma_start3A = arith.constant 0 : i32
      %dma_start3A_53 = tpu.memref_slice %arg19[%add3A_25, %dma_start3A] : memref<20480x64xf32, #tpu.memory_space<vmem_shared>> -> memref<160x64xf32, #tpu.memory_space<vmem_shared>>
      %dma_start3A_54 = arith.constant 0 : i32
      %dma_start3A_55 = tpu.memref_slice %arg19[%add3A_25, %dma_start3A_54] : memref<20480x64xf32, #tpu.memory_space<vmem_shared>> -> memref<160x64xf32, #tpu.memory_space<vmem_shared>>
      tpu.enqueue_dma source(%arg17 : memref<160x64xf32, #tpu.memory_space<vmem>>) target(%dma_start3A_55 : memref<160x64xf32, #tpu.memory_space<vmem_shared>>) target_semaphore(%run_scoped3A : memref<!tpu.dma_semaphore, #tpu.memory_space<semaphore_mem>>)
      %dma_wait3A = arith.constant 0 : i32
      %dma_wait3A_56 = tpu.memref_slice %arg19[%add3A_25, %dma_wait3A] : memref<20480x64xf32, #tpu.memory_space<vmem_shared>> -> memref<160x64xf32, #tpu.memory_space<vmem_shared>>
      %dma_wait3A_57 = arith.constant 0 : i32
      %dma_wait3A_58 = tpu.memref_slice %arg19[%add3A_25, %dma_wait3A_57] : memref<20480x64xf32, #tpu.memory_space<vmem_shared>> -> memref<160x64xf32, #tpu.memory_space<vmem_shared>>
      tpu.wait_dma2 semaphore(%run_scoped3A : memref<!tpu.dma_semaphore, #tpu.memory_space<semaphore_mem>>) src(%arg17 : memref<160x64xf32, #tpu.memory_space<vmem>>) dst(%dma_wait3A_58 : memref<160x64xf32, #tpu.memory_space<vmem_shared>>)
      tpu.yield
    }) : () -> ()
    %mul3A_26 = arith.constant 1280 : i32
    %mul3A_27 = arith.muli %arg1, %mul3A_26 : i32
    %add3A_28 = arith.constant 1120 : i32
    %add3A_29 = arith.addi %mul3A_27, %add3A_28 : i32
    "tpu.region"() ({
      %run_scoped3A = tpu.sem_alloc : memref<!tpu.dma_semaphore, #tpu.memory_space<semaphore_mem>>
      %dma_start3A = arith.constant 0 : i32
      %dma_start3A_53 = tpu.memref_slice %arg19[%add3A_29, %dma_start3A] : memref<20480x64xf32, #tpu.memory_space<vmem_shared>> -> memref<160x64xf32, #tpu.memory_space<vmem_shared>>
      %dma_start3A_54 = arith.constant 0 : i32
      %dma_start3A_55 = tpu.memref_slice %arg19[%add3A_29, %dma_start3A_54] : memref<20480x64xf32, #tpu.memory_space<vmem_shared>> -> memref<160x64xf32, #tpu.memory_space<vmem_shared>>
      tpu.enqueue_dma source(%arg17 : memref<160x64xf32, #tpu.memory_space<vmem>>) target(%dma_start3A_55 : memref<160x64xf32, #tpu.memory_space<vmem_shared>>) target_semaphore(%run_scoped3A : memref<!tpu.dma_semaphore, #tpu.memory_space<semaphore_mem>>)
      %dma_wait3A = arith.constant 0 : i32
      %dma_wait3A_56 = tpu.memref_slice %arg19[%add3A_29, %dma_wait3A] : memref<20480x64xf32, #tpu.memory_space<vmem_shared>> -> memref<160x64xf32, #tpu.memory_space<vmem_shared>>
      %dma_wait3A_57 = arith.constant 0 : i32
      %dma_wait3A_58 = tpu.memref_slice %arg19[%add3A_29, %dma_wait3A_57] : memref<20480x64xf32, #tpu.memory_space<vmem_shared>> -> memref<160x64xf32, #tpu.memory_space<vmem_shared>>
      tpu.wait_dma2 semaphore(%run_scoped3A : memref<!tpu.dma_semaphore, #tpu.memory_space<semaphore_mem>>) src(%arg17 : memref<160x64xf32, #tpu.memory_space<vmem>>) dst(%dma_wait3A_58 : memref<160x64xf32, #tpu.memory_space<vmem_shared>>)
      tpu.yield
    }) : () -> ()
    %eq3A = arith.constant 0 : i32
    %eq3A_30 = arith.cmpi eq, %arg0, %eq3A : i32
    %convert_element_type3A = arith.extui %eq3A_30 : i1 to i32
    %cond3A = arith.constant 0 : i32
    %cond3A_31 = arith.cmpi ne, %convert_element_type3A, %cond3A : i32
    scf.if %cond3A_31 {
      "tpu.region"() ({
        %run_scoped3A = tpu.sem_alloc : memref<!tpu.dma_semaphore, #tpu.memory_space<semaphore_mem>>
        tpu.enqueue_dma source(%arg7 : memref<640x8xf32, #tpu.memory_space<hbm>>) target(%arg18 : memref<640x8xf32, #tpu.memory_space<vmem>>) target_semaphore(%run_scoped3A : memref<!tpu.dma_semaphore, #tpu.memory_space<semaphore_mem>>)
        tpu.wait_dma2 semaphore(%run_scoped3A : memref<!tpu.dma_semaphore, #tpu.memory_space<semaphore_mem>>) src(%arg7 : memref<640x8xf32, #tpu.memory_space<hbm>>) dst(%arg18 : memref<640x8xf32, #tpu.memory_space<vmem>>)
        tpu.yield
      }) : () -> ()
      %mul3A_53 = arith.constant 640 : i32
      %mul3A_54 = arith.muli %arg1, %mul3A_53 : i32
      "tpu.region"() ({
        %run_scoped3A = tpu.sem_alloc : memref<!tpu.dma_semaphore, #tpu.memory_space<semaphore_mem>>
        %dma_start3A = arith.constant 0 : i32
        %dma_start3A_55 = tpu.memref_slice %arg20[%mul3A_54, %dma_start3A] : memref<10240x8xf32, #tpu.memory_space<vmem_shared>> -> memref<640x8xf32, #tpu.memory_space<vmem_shared>>
        %dma_start3A_56 = arith.constant 0 : i32
        %dma_start3A_57 = tpu.memref_slice %arg20[%mul3A_54, %dma_start3A_56] : memref<10240x8xf32, #tpu.memory_space<vmem_shared>> -> memref<640x8xf32, #tpu.memory_space<vmem_shared>>
        tpu.enqueue_dma source(%arg18 : memref<640x8xf32, #tpu.memory_space<vmem>>) target(%dma_start3A_57 : memref<640x8xf32, #tpu.memory_space<vmem_shared>>) target_semaphore(%run_scoped3A : memref<!tpu.dma_semaphore, #tpu.memory_space<semaphore_mem>>)
        %dma_wait3A = arith.constant 0 : i32
        %dma_wait3A_58 = tpu.memref_slice %arg20[%mul3A_54, %dma_wait3A] : memref<10240x8xf32, #tpu.memory_space<vmem_shared>> -> memref<640x8xf32, #tpu.memory_space<vmem_shared>>
        %dma_wait3A_59 = arith.constant 0 : i32
        %dma_wait3A_60 = tpu.memref_slice %arg20[%mul3A_54, %dma_wait3A_59] : memref<10240x8xf32, #tpu.memory_space<vmem_shared>> -> memref<640x8xf32, #tpu.memory_space<vmem_shared>>
        tpu.wait_dma2 semaphore(%run_scoped3A : memref<!tpu.dma_semaphore, #tpu.memory_space<semaphore_mem>>) src(%arg18 : memref<640x8xf32, #tpu.memory_space<vmem>>) dst(%dma_wait3A_60 : memref<640x8xf32, #tpu.memory_space<vmem_shared>>)
        tpu.yield
      }) : () -> ()
      "tpu.region"() ({
        %run_scoped3A = tpu.sem_alloc : memref<!tpu.dma_semaphore, #tpu.memory_space<semaphore_mem>>
        tpu.enqueue_dma source(%arg8 : memref<80x8xf32, #tpu.memory_space<hbm>>) target(%arg16 : memref<80x8xf32, #tpu.memory_space<vmem>>) target_semaphore(%run_scoped3A : memref<!tpu.dma_semaphore, #tpu.memory_space<semaphore_mem>>)
        tpu.wait_dma2 semaphore(%run_scoped3A : memref<!tpu.dma_semaphore, #tpu.memory_space<semaphore_mem>>) src(%arg8 : memref<80x8xf32, #tpu.memory_space<hbm>>) dst(%arg16 : memref<80x8xf32, #tpu.memory_space<vmem>>)
        tpu.yield
      }) : () -> ()
    } else {
    }
    %barrier3A = arith.constant 0 : index
    tpu.barrier barrier_id(%barrier3A)
    %eq3A_32 = arith.constant 0 : i32
    %eq3A_33 = arith.cmpi eq, %arg0, %eq3A_32 : i32
    %convert_element_type3A_34 = arith.extui %eq3A_33 : i1 to i32
    %cond3A_35 = arith.constant 0 : i32
    %cond3A_36 = arith.cmpi ne, %convert_element_type3A_34, %cond3A_35 : i32
    scf.if %cond3A_36 {
      %scan3A = arith.constant 0 : i32
      %scan3A_53 = arith.constant 0 : i32
      %scan3A_54 = arith.constant 5 : i32
      %scan3A_55 = arith.addi %scan3A_53, %scan3A_54 : i32
      %scan3A_56 = arith.constant 1 : i32
      scf.for %scan3A_58 = %scan3A_53 to %scan3A_55 step %scan3A_56  : i32 {
        %mul3A_59 = arith.constant 50 : i32
        %mul3A_60 = arith.muli %scan3A_58, %mul3A_59 : i32
        "tpu.region"() ({
          %run_scoped3A = tpu.sem_alloc : memref<!tpu.dma_semaphore, #tpu.memory_space<semaphore_mem>>
          %dma_start3A = arith.constant 0 : i32
          %dma_start3A_69 = tpu.memref_slice %arg4[%arg1, %mul3A_60, %dma_start3A] : memref<16x250x80xi32, #tpu.memory_space<hbm>> -> memref<1x50x80xi32, #tpu.memory_space<hbm>>
          %dma_start3A_70 = tpu.memref_squeeze %dma_start3A_69 : memref<1x50x80xi32, #tpu.memory_space<hbm>> -> memref<50x80xi32, #tpu.memory_space<hbm>>
          %dma_start3A_71 = arith.constant 0 : i32
          %dma_start3A_72 = tpu.memref_slice %arg4[%arg1, %mul3A_60, %dma_start3A_71] : memref<16x250x80xi32, #tpu.memory_space<hbm>> -> memref<1x50x80xi32, #tpu.memory_space<hbm>>
          %dma_start3A_73 = tpu.memref_squeeze %dma_start3A_72 : memref<1x50x80xi32, #tpu.memory_space<hbm>> -> memref<50x80xi32, #tpu.memory_space<hbm>>
          tpu.enqueue_dma source(%dma_start3A_73 : memref<50x80xi32, #tpu.memory_space<hbm>>) target(%arg12 : memref<50x80xi32, #tpu.memory_space<vmem>>) target_semaphore(%run_scoped3A : memref<!tpu.dma_semaphore, #tpu.memory_space<semaphore_mem>>)
          %dma_wait3A = arith.constant 0 : i32
          %dma_wait3A_74 = tpu.memref_slice %arg4[%arg1, %mul3A_60, %dma_wait3A] : memref<16x250x80xi32, #tpu.memory_space<hbm>> -> memref<1x50x80xi32, #tpu.memory_space<hbm>>
          %dma_wait3A_75 = tpu.memref_squeeze %dma_wait3A_74 : memref<1x50x80xi32, #tpu.memory_space<hbm>> -> memref<50x80xi32, #tpu.memory_space<hbm>>
          %dma_wait3A_76 = arith.constant 0 : i32
          %dma_wait3A_77 = tpu.memref_slice %arg4[%arg1, %mul3A_60, %dma_wait3A_76] : memref<16x250x80xi32, #tpu.memory_space<hbm>> -> memref<1x50x80xi32, #tpu.memory_space<hbm>>
          %dma_wait3A_78 = tpu.memref_squeeze %dma_wait3A_77 : memref<1x50x80xi32, #tpu.memory_space<hbm>> -> memref<50x80xi32, #tpu.memory_space<hbm>>
          tpu.wait_dma2 semaphore(%run_scoped3A : memref<!tpu.dma_semaphore, #tpu.memory_space<semaphore_mem>>) src(%dma_wait3A_78 : memref<50x80xi32, #tpu.memory_space<hbm>>) dst(%arg12 : memref<50x80xi32, #tpu.memory_space<vmem>>)
          tpu.yield
        }) : () -> ()
        %mul3A_61 = arith.constant 50 : i32
        %mul3A_62 = arith.muli %scan3A_58, %mul3A_61 : i32
        "tpu.region"() ({
          %run_scoped3A = tpu.sem_alloc : memref<!tpu.dma_semaphore, #tpu.memory_space<semaphore_mem>>
          %dma_start3A = arith.constant 0 : i32
          %dma_start3A_69 = tpu.memref_slice %arg5[%arg1, %mul3A_62, %dma_start3A] : memref<16x250x80xi32, #tpu.memory_space<hbm>> -> memref<1x50x80xi32, #tpu.memory_space<hbm>>
          %dma_start3A_70 = tpu.memref_squeeze %dma_start3A_69 : memref<1x50x80xi32, #tpu.memory_space<hbm>> -> memref<50x80xi32, #tpu.memory_space<hbm>>
          %dma_start3A_71 = arith.constant 0 : i32
          %dma_start3A_72 = tpu.memref_slice %arg5[%arg1, %mul3A_62, %dma_start3A_71] : memref<16x250x80xi32, #tpu.memory_space<hbm>> -> memref<1x50x80xi32, #tpu.memory_space<hbm>>
          %dma_start3A_73 = tpu.memref_squeeze %dma_start3A_72 : memref<1x50x80xi32, #tpu.memory_space<hbm>> -> memref<50x80xi32, #tpu.memory_space<hbm>>
          tpu.enqueue_dma source(%dma_start3A_73 : memref<50x80xi32, #tpu.memory_space<hbm>>) target(%arg13 : memref<50x80xi32, #tpu.memory_space<vmem>>) target_semaphore(%run_scoped3A : memref<!tpu.dma_semaphore, #tpu.memory_space<semaphore_mem>>)
          %dma_wait3A = arith.constant 0 : i32
          %dma_wait3A_74 = tpu.memref_slice %arg5[%arg1, %mul3A_62, %dma_wait3A] : memref<16x250x80xi32, #tpu.memory_space<hbm>> -> memref<1x50x80xi32, #tpu.memory_space<hbm>>
          %dma_wait3A_75 = tpu.memref_squeeze %dma_wait3A_74 : memref<1x50x80xi32, #tpu.memory_space<hbm>> -> memref<50x80xi32, #tpu.memory_space<hbm>>
          %dma_wait3A_76 = arith.constant 0 : i32
          %dma_wait3A_77 = tpu.memref_slice %arg5[%arg1, %mul3A_62, %dma_wait3A_76] : memref<16x250x80xi32, #tpu.memory_space<hbm>> -> memref<1x50x80xi32, #tpu.memory_space<hbm>>
          %dma_wait3A_78 = tpu.memref_squeeze %dma_wait3A_77 : memref<1x50x80xi32, #tpu.memory_space<hbm>> -> memref<50x80xi32, #tpu.memory_space<hbm>>
          tpu.wait_dma2 semaphore(%run_scoped3A : memref<!tpu.dma_semaphore, #tpu.memory_space<semaphore_mem>>) src(%dma_wait3A_78 : memref<50x80xi32, #tpu.memory_space<hbm>>) dst(%arg13 : memref<50x80xi32, #tpu.memory_space<vmem>>)
          tpu.yield
        }) : () -> ()
        %scan3A_63 = arith.constant 0 : i32
        %scan3A_64 = arith.constant 0 : i32
        %scan3A_65 = arith.constant 25 : i32
        %scan3A_66 = arith.addi %scan3A_64, %scan3A_65 : i32
        %scan3A_67 = arith.constant 1 : i32
        scf.for %scan3A_69 = %scan3A_64 to %scan3A_66 step %scan3A_67  : i32 {
          %mul3A_70 = arith.constant 2 : i32
          %mul3A_71 = arith.muli %mul3A_70, %scan3A_69 : i32
          %add3A_72 = arith.constant 1 : i32
          %add3A_73 = arith.addi %mul3A_71, %add3A_72 : i32
          %dma_start3A = arith.constant 0 : i32
          %dma_start3A_74 = tpu.memref_slice %arg12[%mul3A_71, %dma_start3A] : memref<50x80xi32, #tpu.memory_space<vmem>> -> memref<1x80xi32, #tpu.memory_space<vmem>>
          %dma_start3A_75 = tpu.memref_squeeze %dma_start3A_74 : memref<1x80xi32, #tpu.memory_space<vmem>> -> memref<80xi32, #tpu.memory_space<vmem>>
          %dma_start3A_76 = arith.constant 0 : i32
          %dma_start3A_77 = arith.constant 0 : i32
          %dma_start3A_78 = tpu.memref_slice %arg2[%dma_start3A_76, %dma_start3A_77] : memref<10000x64xf32, #tpu.memory_space<hbm>> -> memref<10000x64xf32, #tpu.memory_space<hbm>>
          tpu.enqueue_indirect_dma source(%dma_start3A_78 : memref<10000x64xf32, #tpu.memory_space<hbm>>) target(%arg14 : memref<80x64xf32, #tpu.memory_space<vmem>>) offsets(%dma_start3A_75 : memref<80xi32, #tpu.memory_space<vmem>>) semaphore(%arg21 : memref<!tpu.dma_semaphore, #tpu.memory_space<semaphore_mem>>)
          %dma_start3A_79 = arith.constant 0 : i32
          %dma_start3A_80 = tpu.memref_slice %arg12[%add3A_73, %dma_start3A_79] : memref<50x80xi32, #tpu.memory_space<vmem>> -> memref<1x80xi32, #tpu.memory_space<vmem>>
          %dma_start3A_81 = tpu.memref_squeeze %dma_start3A_80 : memref<1x80xi32, #tpu.memory_space<vmem>> -> memref<80xi32, #tpu.memory_space<vmem>>
          %dma_start3A_82 = arith.constant 0 : i32
          %dma_start3A_83 = arith.constant 0 : i32
          %dma_start3A_84 = tpu.memref_slice %arg2[%dma_start3A_82, %dma_start3A_83] : memref<10000x64xf32, #tpu.memory_space<hbm>> -> memref<10000x64xf32, #tpu.memory_space<hbm>>
          tpu.enqueue_indirect_dma source(%dma_start3A_84 : memref<10000x64xf32, #tpu.memory_space<hbm>>) target(%arg15 : memref<80x64xf32, #tpu.memory_space<vmem>>) offsets(%dma_start3A_81 : memref<80xi32, #tpu.memory_space<vmem>>) semaphore(%arg22 : memref<!tpu.dma_semaphore, #tpu.memory_space<semaphore_mem>>)
          %dma_wait3A = arith.constant 0 : i32
          %dma_wait3A_85 = tpu.memref_slice %arg12[%mul3A_71, %dma_wait3A] : memref<50x80xi32, #tpu.memory_space<vmem>> -> memref<1x80xi32, #tpu.memory_space<vmem>>
          %dma_wait3A_86 = tpu.memref_squeeze %dma_wait3A_85 : memref<1x80xi32, #tpu.memory_space<vmem>> -> memref<80xi32, #tpu.memory_space<vmem>>
          %dma_wait3A_87 = arith.constant 0 : i32
          %dma_wait3A_88 = arith.constant 0 : i32
          %dma_wait3A_89 = tpu.memref_slice %arg2[%dma_wait3A_87, %dma_wait3A_88] : memref<10000x64xf32, #tpu.memory_space<hbm>> -> memref<10000x64xf32, #tpu.memory_space<hbm>>
          tpu.wait_indirect_dma semaphore(%arg21 : memref<!tpu.dma_semaphore, #tpu.memory_space<semaphore_mem>>) src(%dma_wait3A_89 : memref<10000x64xf32, #tpu.memory_space<hbm>>) dst(%arg14 : memref<80x64xf32, #tpu.memory_space<vmem>>)
          "tpu.region"() ({
            %run_scoped3A = tpu.sem_alloc : memref<!tpu.dma_semaphore, #tpu.memory_space<semaphore_mem>>
            %dma_start3A_96 = arith.constant 0 : i32
            %dma_start3A_97 = tpu.memref_slice %arg13[%mul3A_71, %dma_start3A_96] : memref<50x80xi32, #tpu.memory_space<vmem>> -> memref<1x80xi32, #tpu.memory_space<vmem>>
            %dma_start3A_98 = tpu.memref_squeeze %dma_start3A_97 : memref<1x80xi32, #tpu.memory_space<vmem>> -> memref<80xi32, #tpu.memory_space<vmem>>
            %dma_start3A_99 = arith.constant 0 : i32
            %dma_start3A_100 = arith.constant 0 : i32
            %dma_start3A_101 = tpu.memref_slice %arg19[%dma_start3A_99, %dma_start3A_100] : memref<20480x64xf32, #tpu.memory_space<vmem_shared>> -> memref<20480x64xf32, #tpu.memory_space<vmem_shared>>
            tpu.enqueue_indirect_dma source(%arg14 : memref<80x64xf32, #tpu.memory_space<vmem>>) target(%dma_start3A_101 : memref<20480x64xf32, #tpu.memory_space<vmem_shared>>) offsets(%dma_start3A_98 : memref<80xi32, #tpu.memory_space<vmem>>) semaphore(%run_scoped3A : memref<!tpu.dma_semaphore, #tpu.memory_space<semaphore_mem>>) {add = true}
            %dma_wait3A_102 = arith.constant 0 : i32
            %dma_wait3A_103 = tpu.memref_slice %arg13[%mul3A_71, %dma_wait3A_102] : memref<50x80xi32, #tpu.memory_space<vmem>> -> memref<1x80xi32, #tpu.memory_space<vmem>>
            %dma_wait3A_104 = tpu.memref_squeeze %dma_wait3A_103 : memref<1x80xi32, #tpu.memory_space<vmem>> -> memref<80xi32, #tpu.memory_space<vmem>>
            %dma_wait3A_105 = arith.constant 0 : i32
            %dma_wait3A_106 = arith.constant 0 : i32
            %dma_wait3A_107 = tpu.memref_slice %arg19[%dma_wait3A_105, %dma_wait3A_106] : memref<20480x64xf32, #tpu.memory_space<vmem_shared>> -> memref<20480x64xf32, #tpu.memory_space<vmem_shared>>
            tpu.wait_indirect_dma semaphore(%run_scoped3A : memref<!tpu.dma_semaphore, #tpu.memory_space<semaphore_mem>>) src(%arg14 : memref<80x64xf32, #tpu.memory_space<vmem>>) dst(%dma_wait3A_107 : memref<20480x64xf32, #tpu.memory_space<vmem_shared>>)
            tpu.yield
          }) : () -> ()
          "tpu.region"() ({
            %run_scoped3A = tpu.sem_alloc : memref<!tpu.dma_semaphore, #tpu.memory_space<semaphore_mem>>
            %dma_start3A_96 = arith.constant 0 : i32
            %dma_start3A_97 = tpu.memref_slice %arg12[%mul3A_71, %dma_start3A_96] : memref<50x80xi32, #tpu.memory_space<vmem>> -> memref<1x80xi32, #tpu.memory_space<vmem>>
            %dma_start3A_98 = tpu.memref_squeeze %dma_start3A_97 : memref<1x80xi32, #tpu.memory_space<vmem>> -> memref<80xi32, #tpu.memory_space<vmem>>
            %dma_start3A_99 = arith.constant 0 : i32
            %dma_start3A_100 = arith.constant 0 : i32
            %dma_start3A_101 = tpu.memref_slice %arg20[%dma_start3A_99, %dma_start3A_100] : memref<10240x8xf32, #tpu.memory_space<vmem_shared>> -> memref<10240x8xf32, #tpu.memory_space<vmem_shared>>
            tpu.enqueue_indirect_dma source(%arg16 : memref<80x8xf32, #tpu.memory_space<vmem>>) target(%dma_start3A_101 : memref<10240x8xf32, #tpu.memory_space<vmem_shared>>) offsets(%dma_start3A_98 : memref<80xi32, #tpu.memory_space<vmem>>) semaphore(%run_scoped3A : memref<!tpu.dma_semaphore, #tpu.memory_space<semaphore_mem>>) {add = true}
            %dma_wait3A_102 = arith.constant 0 : i32
            %dma_wait3A_103 = tpu.memref_slice %arg12[%mul3A_71, %dma_wait3A_102] : memref<50x80xi32, #tpu.memory_space<vmem>> -> memref<1x80xi32, #tpu.memory_space<vmem>>
            %dma_wait3A_104 = tpu.memref_squeeze %dma_wait3A_103 : memref<1x80xi32, #tpu.memory_space<vmem>> -> memref<80xi32, #tpu.memory_space<vmem>>
            %dma_wait3A_105 = arith.constant 0 : i32
            %dma_wait3A_106 = arith.constant 0 : i32
            %dma_wait3A_107 = tpu.memref_slice %arg20[%dma_wait3A_105, %dma_wait3A_106] : memref<10240x8xf32, #tpu.memory_space<vmem_shared>> -> memref<10240x8xf32, #tpu.memory_space<vmem_shared>>
            tpu.wait_indirect_dma semaphore(%run_scoped3A : memref<!tpu.dma_semaphore, #tpu.memory_space<semaphore_mem>>) src(%arg16 : memref<80x8xf32, #tpu.memory_space<vmem>>) dst(%dma_wait3A_107 : memref<10240x8xf32, #tpu.memory_space<vmem_shared>>)
            tpu.yield
          }) : () -> ()
          %dma_wait3A_90 = arith.constant 0 : i32
          %dma_wait3A_91 = tpu.memref_slice %arg12[%add3A_73, %dma_wait3A_90] : memref<50x80xi32, #tpu.memory_space<vmem>> -> memref<1x80xi32, #tpu.memory_space<vmem>>
          %dma_wait3A_92 = tpu.memref_squeeze %dma_wait3A_91 : memref<1x80xi32, #tpu.memory_space<vmem>> -> memref<80xi32, #tpu.memory_space<vmem>>
          %dma_wait3A_93 = arith.constant 0 : i32
          %dma_wait3A_94 = arith.constant 0 : i32
          %dma_wait3A_95 = tpu.memref_slice %arg2[%dma_wait3A_93, %dma_wait3A_94] : memref<10000x64xf32, #tpu.memory_space<hbm>> -> memref<10000x64xf32, #tpu.memory_space<hbm>>
          tpu.wait_indirect_dma semaphore(%arg22 : memref<!tpu.dma_semaphore, #tpu.memory_space<semaphore_mem>>) src(%dma_wait3A_95 : memref<10000x64xf32, #tpu.memory_space<hbm>>) dst(%arg15 : memref<80x64xf32, #tpu.memory_space<vmem>>)
          "tpu.region"() ({
            %run_scoped3A = tpu.sem_alloc : memref<!tpu.dma_semaphore, #tpu.memory_space<semaphore_mem>>
            %dma_start3A_96 = arith.constant 0 : i32
            %dma_start3A_97 = tpu.memref_slice %arg13[%add3A_73, %dma_start3A_96] : memref<50x80xi32, #tpu.memory_space<vmem>> -> memref<1x80xi32, #tpu.memory_space<vmem>>
            %dma_start3A_98 = tpu.memref_squeeze %dma_start3A_97 : memref<1x80xi32, #tpu.memory_space<vmem>> -> memref<80xi32, #tpu.memory_space<vmem>>
            %dma_start3A_99 = arith.constant 0 : i32
            %dma_start3A_100 = arith.constant 0 : i32
            %dma_start3A_101 = tpu.memref_slice %arg19[%dma_start3A_99, %dma_start3A_100] : memref<20480x64xf32, #tpu.memory_space<vmem_shared>> -> memref<20480x64xf32, #tpu.memory_space<vmem_shared>>
            tpu.enqueue_indirect_dma source(%arg15 : memref<80x64xf32, #tpu.memory_space<vmem>>) target(%dma_start3A_101 : memref<20480x64xf32, #tpu.memory_space<vmem_shared>>) offsets(%dma_start3A_98 : memref<80xi32, #tpu.memory_space<vmem>>) semaphore(%run_scoped3A : memref<!tpu.dma_semaphore, #tpu.memory_space<semaphore_mem>>) {add = true}
            %dma_wait3A_102 = arith.constant 0 : i32
            %dma_wait3A_103 = tpu.memref_slice %arg13[%add3A_73, %dma_wait3A_102] : memref<50x80xi32, #tpu.memory_space<vmem>> -> memref<1x80xi32, #tpu.memory_space<vmem>>
            %dma_wait3A_104 = tpu.memref_squeeze %dma_wait3A_103 : memref<1x80xi32, #tpu.memory_space<vmem>> -> memref<80xi32, #tpu.memory_space<vmem>>
            %dma_wait3A_105 = arith.constant 0 : i32
            %dma_wait3A_106 = arith.constant 0 : i32
            %dma_wait3A_107 = tpu.memref_slice %arg19[%dma_wait3A_105, %dma_wait3A_106] : memref<20480x64xf32, #tpu.memory_space<vmem_shared>> -> memref<20480x64xf32, #tpu.memory_space<vmem_shared>>
            tpu.wait_indirect_dma semaphore(%run_scoped3A : memref<!tpu.dma_semaphore, #tpu.memory_space<semaphore_mem>>) src(%arg15 : memref<80x64xf32, #tpu.memory_space<vmem>>) dst(%dma_wait3A_107 : memref<20480x64xf32, #tpu.memory_space<vmem_shared>>)
            tpu.yield
          }) : () -> ()
          "tpu.region"() ({
            %run_scoped3A = tpu.sem_alloc : memref<!tpu.dma_semaphore, #tpu.memory_space<semaphore_mem>>
            %dma_start3A_96 = arith.constant 0 : i32
            %dma_start3A_97 = tpu.memref_slice %arg12[%add3A_73, %dma_start3A_96] : memref<50x80xi32, #tpu.memory_space<vmem>> -> memref<1x80xi32, #tpu.memory_space<vmem>>
            %dma_start3A_98 = tpu.memref_squeeze %dma_start3A_97 : memref<1x80xi32, #tpu.memory_space<vmem>> -> memref<80xi32, #tpu.memory_space<vmem>>
            %dma_start3A_99 = arith.constant 0 : i32
            %dma_start3A_100 = arith.constant 0 : i32
            %dma_start3A_101 = tpu.memref_slice %arg20[%dma_start3A_99, %dma_start3A_100] : memref<10240x8xf32, #tpu.memory_space<vmem_shared>> -> memref<10240x8xf32, #tpu.memory_space<vmem_shared>>
            tpu.enqueue_indirect_dma source(%arg16 : memref<80x8xf32, #tpu.memory_space<vmem>>) target(%dma_start3A_101 : memref<10240x8xf32, #tpu.memory_space<vmem_shared>>) offsets(%dma_start3A_98 : memref<80xi32, #tpu.memory_space<vmem>>) semaphore(%run_scoped3A : memref<!tpu.dma_semaphore, #tpu.memory_space<semaphore_mem>>) {add = true}
            %dma_wait3A_102 = arith.constant 0 : i32
            %dma_wait3A_103 = tpu.memref_slice %arg12[%add3A_73, %dma_wait3A_102] : memref<50x80xi32, #tpu.memory_space<vmem>> -> memref<1x80xi32, #tpu.memory_space<vmem>>
            %dma_wait3A_104 = tpu.memref_squeeze %dma_wait3A_103 : memref<1x80xi32, #tpu.memory_space<vmem>> -> memref<80xi32, #tpu.memory_space<vmem>>
            %dma_wait3A_105 = arith.constant 0 : i32
            %dma_wait3A_106 = arith.constant 0 : i32
            %dma_wait3A_107 = tpu.memref_slice %arg20[%dma_wait3A_105, %dma_wait3A_106] : memref<10240x8xf32, #tpu.memory_space<vmem_shared>> -> memref<10240x8xf32, #tpu.memory_space<vmem_shared>>
            tpu.wait_indirect_dma semaphore(%run_scoped3A : memref<!tpu.dma_semaphore, #tpu.memory_space<semaphore_mem>>) src(%arg16 : memref<80x8xf32, #tpu.memory_space<vmem>>) dst(%dma_wait3A_107 : memref<10240x8xf32, #tpu.memory_space<vmem_shared>>)
            tpu.yield
          }) : () -> ()
        }
        %scan3A_68 = arith.constant 25 : i32
      }
      %scan3A_57 = arith.constant 5 : i32
    } else {
    }
    %eq3A_37 = arith.constant 1 : i32
    %eq3A_38 = arith.cmpi eq, %arg0, %eq3A_37 : i32
    %convert_element_type3A_39 = arith.extui %eq3A_38 : i1 to i32
    %cond3A_40 = arith.constant 0 : i32
    %cond3A_41 = arith.cmpi ne, %convert_element_type3A_39, %cond3A_40 : i32
    scf.if %cond3A_41 {
      %scan3A = arith.constant 0 : i32
      %scan3A_53 = arith.constant 0 : i32
      %scan3A_54 = arith.constant 5 : i32
      %scan3A_55 = arith.addi %scan3A_53, %scan3A_54 : i32
      %scan3A_56 = arith.constant 1 : i32
      scf.for %scan3A_58 = %scan3A_53 to %scan3A_55 step %scan3A_56  : i32 {
        %mul3A_59 = arith.constant 50 : i32
        %mul3A_60 = arith.muli %scan3A_58, %mul3A_59 : i32
        "tpu.region"() ({
          %run_scoped3A = tpu.sem_alloc : memref<!tpu.dma_semaphore, #tpu.memory_space<semaphore_mem>>
          %dma_start3A = arith.constant 0 : i32
          %dma_start3A_69 = tpu.memref_slice %arg4[%arg1, %mul3A_60, %dma_start3A] : memref<16x250x80xi32, #tpu.memory_space<hbm>> -> memref<1x50x80xi32, #tpu.memory_space<hbm>>
          %dma_start3A_70 = tpu.memref_squeeze %dma_start3A_69 : memref<1x50x80xi32, #tpu.memory_space<hbm>> -> memref<50x80xi32, #tpu.memory_space<hbm>>
          %dma_start3A_71 = arith.constant 0 : i32
          %dma_start3A_72 = tpu.memref_slice %arg4[%arg1, %mul3A_60, %dma_start3A_71] : memref<16x250x80xi32, #tpu.memory_space<hbm>> -> memref<1x50x80xi32, #tpu.memory_space<hbm>>
          %dma_start3A_73 = tpu.memref_squeeze %dma_start3A_72 : memref<1x50x80xi32, #tpu.memory_space<hbm>> -> memref<50x80xi32, #tpu.memory_space<hbm>>
          tpu.enqueue_dma source(%dma_start3A_73 : memref<50x80xi32, #tpu.memory_space<hbm>>) target(%arg12 : memref<50x80xi32, #tpu.memory_space<vmem>>) target_semaphore(%run_scoped3A : memref<!tpu.dma_semaphore, #tpu.memory_space<semaphore_mem>>)
          %dma_wait3A = arith.constant 0 : i32
          %dma_wait3A_74 = tpu.memref_slice %arg4[%arg1, %mul3A_60, %dma_wait3A] : memref<16x250x80xi32, #tpu.memory_space<hbm>> -> memref<1x50x80xi32, #tpu.memory_space<hbm>>
          %dma_wait3A_75 = tpu.memref_squeeze %dma_wait3A_74 : memref<1x50x80xi32, #tpu.memory_space<hbm>> -> memref<50x80xi32, #tpu.memory_space<hbm>>
          %dma_wait3A_76 = arith.constant 0 : i32
          %dma_wait3A_77 = tpu.memref_slice %arg4[%arg1, %mul3A_60, %dma_wait3A_76] : memref<16x250x80xi32, #tpu.memory_space<hbm>> -> memref<1x50x80xi32, #tpu.memory_space<hbm>>
          %dma_wait3A_78 = tpu.memref_squeeze %dma_wait3A_77 : memref<1x50x80xi32, #tpu.memory_space<hbm>> -> memref<50x80xi32, #tpu.memory_space<hbm>>
          tpu.wait_dma2 semaphore(%run_scoped3A : memref<!tpu.dma_semaphore, #tpu.memory_space<semaphore_mem>>) src(%dma_wait3A_78 : memref<50x80xi32, #tpu.memory_space<hbm>>) dst(%arg12 : memref<50x80xi32, #tpu.memory_space<vmem>>)
          tpu.yield
        }) : () -> ()
        %mul3A_61 = arith.constant 50 : i32
        %mul3A_62 = arith.muli %scan3A_58, %mul3A_61 : i32
        "tpu.region"() ({
          %run_scoped3A = tpu.sem_alloc : memref<!tpu.dma_semaphore, #tpu.memory_space<semaphore_mem>>
          %dma_start3A = arith.constant 0 : i32
          %dma_start3A_69 = tpu.memref_slice %arg5[%arg1, %mul3A_62, %dma_start3A] : memref<16x250x80xi32, #tpu.memory_space<hbm>> -> memref<1x50x80xi32, #tpu.memory_space<hbm>>
          %dma_start3A_70 = tpu.memref_squeeze %dma_start3A_69 : memref<1x50x80xi32, #tpu.memory_space<hbm>> -> memref<50x80xi32, #tpu.memory_space<hbm>>
          %dma_start3A_71 = arith.constant 0 : i32
          %dma_start3A_72 = tpu.memref_slice %arg5[%arg1, %mul3A_62, %dma_start3A_71] : memref<16x250x80xi32, #tpu.memory_space<hbm>> -> memref<1x50x80xi32, #tpu.memory_space<hbm>>
          %dma_start3A_73 = tpu.memref_squeeze %dma_start3A_72 : memref<1x50x80xi32, #tpu.memory_space<hbm>> -> memref<50x80xi32, #tpu.memory_space<hbm>>
          tpu.enqueue_dma source(%dma_start3A_73 : memref<50x80xi32, #tpu.memory_space<hbm>>) target(%arg13 : memref<50x80xi32, #tpu.memory_space<vmem>>) target_semaphore(%run_scoped3A : memref<!tpu.dma_semaphore, #tpu.memory_space<semaphore_mem>>)
          %dma_wait3A = arith.constant 0 : i32
          %dma_wait3A_74 = tpu.memref_slice %arg5[%arg1, %mul3A_62, %dma_wait3A] : memref<16x250x80xi32, #tpu.memory_space<hbm>> -> memref<1x50x80xi32, #tpu.memory_space<hbm>>
          %dma_wait3A_75 = tpu.memref_squeeze %dma_wait3A_74 : memref<1x50x80xi32, #tpu.memory_space<hbm>> -> memref<50x80xi32, #tpu.memory_space<hbm>>
          %dma_wait3A_76 = arith.constant 0 : i32
          %dma_wait3A_77 = tpu.memref_slice %arg5[%arg1, %mul3A_62, %dma_wait3A_76] : memref<16x250x80xi32, #tpu.memory_space<hbm>> -> memref<1x50x80xi32, #tpu.memory_space<hbm>>
          %dma_wait3A_78 = tpu.memref_squeeze %dma_wait3A_77 : memref<1x50x80xi32, #tpu.memory_space<hbm>> -> memref<50x80xi32, #tpu.memory_space<hbm>>
          tpu.wait_dma2 semaphore(%run_scoped3A : memref<!tpu.dma_semaphore, #tpu.memory_space<semaphore_mem>>) src(%dma_wait3A_78 : memref<50x80xi32, #tpu.memory_space<hbm>>) dst(%arg13 : memref<50x80xi32, #tpu.memory_space<vmem>>)
          tpu.yield
        }) : () -> ()
        %scan3A_63 = arith.constant 0 : i32
        %scan3A_64 = arith.constant 0 : i32
        %scan3A_65 = arith.constant 25 : i32
        %scan3A_66 = arith.addi %scan3A_64, %scan3A_65 : i32
        %scan3A_67 = arith.constant 1 : i32
        scf.for %scan3A_69 = %scan3A_64 to %scan3A_66 step %scan3A_67  : i32 {
          %mul3A_70 = arith.constant 2 : i32
          %mul3A_71 = arith.muli %mul3A_70, %scan3A_69 : i32
          %add3A_72 = arith.constant 1 : i32
          %add3A_73 = arith.addi %mul3A_71, %add3A_72 : i32
          %dma_start3A = arith.constant 0 : i32
          %dma_start3A_74 = tpu.memref_slice %arg12[%mul3A_71, %dma_start3A] : memref<50x80xi32, #tpu.memory_space<vmem>> -> memref<1x80xi32, #tpu.memory_space<vmem>>
          %dma_start3A_75 = tpu.memref_squeeze %dma_start3A_74 : memref<1x80xi32, #tpu.memory_space<vmem>> -> memref<80xi32, #tpu.memory_space<vmem>>
          %dma_start3A_76 = arith.constant 0 : i32
          %dma_start3A_77 = arith.constant 0 : i32
          %dma_start3A_78 = tpu.memref_slice %arg3[%dma_start3A_76, %dma_start3A_77] : memref<10000x64xf32, #tpu.memory_space<hbm>> -> memref<10000x64xf32, #tpu.memory_space<hbm>>
          tpu.enqueue_indirect_dma source(%dma_start3A_78 : memref<10000x64xf32, #tpu.memory_space<hbm>>) target(%arg14 : memref<80x64xf32, #tpu.memory_space<vmem>>) offsets(%dma_start3A_75 : memref<80xi32, #tpu.memory_space<vmem>>) semaphore(%arg21 : memref<!tpu.dma_semaphore, #tpu.memory_space<semaphore_mem>>)
          %dma_start3A_79 = arith.constant 0 : i32
          %dma_start3A_80 = tpu.memref_slice %arg12[%add3A_73, %dma_start3A_79] : memref<50x80xi32, #tpu.memory_space<vmem>> -> memref<1x80xi32, #tpu.memory_space<vmem>>
          %dma_start3A_81 = tpu.memref_squeeze %dma_start3A_80 : memref<1x80xi32, #tpu.memory_space<vmem>> -> memref<80xi32, #tpu.memory_space<vmem>>
          %dma_start3A_82 = arith.constant 0 : i32
          %dma_start3A_83 = arith.constant 0 : i32
          %dma_start3A_84 = tpu.memref_slice %arg3[%dma_start3A_82, %dma_start3A_83] : memref<10000x64xf32, #tpu.memory_space<hbm>> -> memref<10000x64xf32, #tpu.memory_space<hbm>>
          tpu.enqueue_indirect_dma source(%dma_start3A_84 : memref<10000x64xf32, #tpu.memory_space<hbm>>) target(%arg15 : memref<80x64xf32, #tpu.memory_space<vmem>>) offsets(%dma_start3A_81 : memref<80xi32, #tpu.memory_space<vmem>>) semaphore(%arg22 : memref<!tpu.dma_semaphore, #tpu.memory_space<semaphore_mem>>)
          %dma_wait3A = arith.constant 0 : i32
          %dma_wait3A_85 = tpu.memref_slice %arg12[%mul3A_71, %dma_wait3A] : memref<50x80xi32, #tpu.memory_space<vmem>> -> memref<1x80xi32, #tpu.memory_space<vmem>>
          %dma_wait3A_86 = tpu.memref_squeeze %dma_wait3A_85 : memref<1x80xi32, #tpu.memory_space<vmem>> -> memref<80xi32, #tpu.memory_space<vmem>>
          %dma_wait3A_87 = arith.constant 0 : i32
          %dma_wait3A_88 = arith.constant 0 : i32
          %dma_wait3A_89 = tpu.memref_slice %arg3[%dma_wait3A_87, %dma_wait3A_88] : memref<10000x64xf32, #tpu.memory_space<hbm>> -> memref<10000x64xf32, #tpu.memory_space<hbm>>
          tpu.wait_indirect_dma semaphore(%arg21 : memref<!tpu.dma_semaphore, #tpu.memory_space<semaphore_mem>>) src(%dma_wait3A_89 : memref<10000x64xf32, #tpu.memory_space<hbm>>) dst(%arg14 : memref<80x64xf32, #tpu.memory_space<vmem>>)
          "tpu.region"() ({
            %run_scoped3A = tpu.sem_alloc : memref<!tpu.dma_semaphore, #tpu.memory_space<semaphore_mem>>
            %dma_start3A_96 = arith.constant 0 : i32
            %dma_start3A_97 = tpu.memref_slice %arg13[%mul3A_71, %dma_start3A_96] : memref<50x80xi32, #tpu.memory_space<vmem>> -> memref<1x80xi32, #tpu.memory_space<vmem>>
            %dma_start3A_98 = tpu.memref_squeeze %dma_start3A_97 : memref<1x80xi32, #tpu.memory_space<vmem>> -> memref<80xi32, #tpu.memory_space<vmem>>
            %dma_start3A_99 = arith.constant 0 : i32
            %dma_start3A_100 = arith.constant 0 : i32
            %dma_start3A_101 = tpu.memref_slice %arg19[%dma_start3A_99, %dma_start3A_100] : memref<20480x64xf32, #tpu.memory_space<vmem_shared>> -> memref<20480x64xf32, #tpu.memory_space<vmem_shared>>
            tpu.enqueue_indirect_dma source(%arg14 : memref<80x64xf32, #tpu.memory_space<vmem>>) target(%dma_start3A_101 : memref<20480x64xf32, #tpu.memory_space<vmem_shared>>) offsets(%dma_start3A_98 : memref<80xi32, #tpu.memory_space<vmem>>) semaphore(%run_scoped3A : memref<!tpu.dma_semaphore, #tpu.memory_space<semaphore_mem>>) {add = true}
            %dma_wait3A_102 = arith.constant 0 : i32
            %dma_wait3A_103 = tpu.memref_slice %arg13[%mul3A_71, %dma_wait3A_102] : memref<50x80xi32, #tpu.memory_space<vmem>> -> memref<1x80xi32, #tpu.memory_space<vmem>>
            %dma_wait3A_104 = tpu.memref_squeeze %dma_wait3A_103 : memref<1x80xi32, #tpu.memory_space<vmem>> -> memref<80xi32, #tpu.memory_space<vmem>>
            %dma_wait3A_105 = arith.constant 0 : i32
            %dma_wait3A_106 = arith.constant 0 : i32
            %dma_wait3A_107 = tpu.memref_slice %arg19[%dma_wait3A_105, %dma_wait3A_106] : memref<20480x64xf32, #tpu.memory_space<vmem_shared>> -> memref<20480x64xf32, #tpu.memory_space<vmem_shared>>
            tpu.wait_indirect_dma semaphore(%run_scoped3A : memref<!tpu.dma_semaphore, #tpu.memory_space<semaphore_mem>>) src(%arg14 : memref<80x64xf32, #tpu.memory_space<vmem>>) dst(%dma_wait3A_107 : memref<20480x64xf32, #tpu.memory_space<vmem_shared>>)
            tpu.yield
          }) : () -> ()
          %dma_wait3A_90 = arith.constant 0 : i32
          %dma_wait3A_91 = tpu.memref_slice %arg12[%add3A_73, %dma_wait3A_90] : memref<50x80xi32, #tpu.memory_space<vmem>> -> memref<1x80xi32, #tpu.memory_space<vmem>>
          %dma_wait3A_92 = tpu.memref_squeeze %dma_wait3A_91 : memref<1x80xi32, #tpu.memory_space<vmem>> -> memref<80xi32, #tpu.memory_space<vmem>>
          %dma_wait3A_93 = arith.constant 0 : i32
          %dma_wait3A_94 = arith.constant 0 : i32
          %dma_wait3A_95 = tpu.memref_slice %arg3[%dma_wait3A_93, %dma_wait3A_94] : memref<10000x64xf32, #tpu.memory_space<hbm>> -> memref<10000x64xf32, #tpu.memory_space<hbm>>
          tpu.wait_indirect_dma semaphore(%arg22 : memref<!tpu.dma_semaphore, #tpu.memory_space<semaphore_mem>>) src(%dma_wait3A_95 : memref<10000x64xf32, #tpu.memory_space<hbm>>) dst(%arg15 : memref<80x64xf32, #tpu.memory_space<vmem>>)
          "tpu.region"() ({
            %run_scoped3A = tpu.sem_alloc : memref<!tpu.dma_semaphore, #tpu.memory_space<semaphore_mem>>
            %dma_start3A_96 = arith.constant 0 : i32
            %dma_start3A_97 = tpu.memref_slice %arg13[%add3A_73, %dma_start3A_96] : memref<50x80xi32, #tpu.memory_space<vmem>> -> memref<1x80xi32, #tpu.memory_space<vmem>>
            %dma_start3A_98 = tpu.memref_squeeze %dma_start3A_97 : memref<1x80xi32, #tpu.memory_space<vmem>> -> memref<80xi32, #tpu.memory_space<vmem>>
            %dma_start3A_99 = arith.constant 0 : i32
            %dma_start3A_100 = arith.constant 0 : i32
            %dma_start3A_101 = tpu.memref_slice %arg19[%dma_start3A_99, %dma_start3A_100] : memref<20480x64xf32, #tpu.memory_space<vmem_shared>> -> memref<20480x64xf32, #tpu.memory_space<vmem_shared>>
            tpu.enqueue_indirect_dma source(%arg15 : memref<80x64xf32, #tpu.memory_space<vmem>>) target(%dma_start3A_101 : memref<20480x64xf32, #tpu.memory_space<vmem_shared>>) offsets(%dma_start3A_98 : memref<80xi32, #tpu.memory_space<vmem>>) semaphore(%run_scoped3A : memref<!tpu.dma_semaphore, #tpu.memory_space<semaphore_mem>>) {add = true}
            %dma_wait3A_102 = arith.constant 0 : i32
            %dma_wait3A_103 = tpu.memref_slice %arg13[%add3A_73, %dma_wait3A_102] : memref<50x80xi32, #tpu.memory_space<vmem>> -> memref<1x80xi32, #tpu.memory_space<vmem>>
            %dma_wait3A_104 = tpu.memref_squeeze %dma_wait3A_103 : memref<1x80xi32, #tpu.memory_space<vmem>> -> memref<80xi32, #tpu.memory_space<vmem>>
            %dma_wait3A_105 = arith.constant 0 : i32
            %dma_wait3A_106 = arith.constant 0 : i32
            %dma_wait3A_107 = tpu.memref_slice %arg19[%dma_wait3A_105, %dma_wait3A_106] : memref<20480x64xf32, #tpu.memory_space<vmem_shared>> -> memref<20480x64xf32, #tpu.memory_space<vmem_shared>>
            tpu.wait_indirect_dma semaphore(%run_scoped3A : memref<!tpu.dma_semaphore, #tpu.memory_space<semaphore_mem>>) src(%arg15 : memref<80x64xf32, #tpu.memory_space<vmem>>) dst(%dma_wait3A_107 : memref<20480x64xf32, #tpu.memory_space<vmem_shared>>)
            tpu.yield
          }) : () -> ()
        }
        %scan3A_68 = arith.constant 25 : i32
      }
      %scan3A_57 = arith.constant 5 : i32
    } else {
    }
    %barrier3A_42 = arith.constant 0 : index
    tpu.barrier barrier_id(%barrier3A_42)
    %eq3A_43 = arith.constant 0 : i32
    %eq3A_44 = arith.cmpi eq, %arg0, %eq3A_43 : i32
    %convert_element_type3A_45 = arith.extui %eq3A_44 : i1 to i32
    %cond3A_46 = arith.constant 0 : i32
    %cond3A_47 = arith.cmpi ne, %convert_element_type3A_45, %cond3A_46 : i32
    scf.if %cond3A_47 {
      %mul3A_53 = arith.constant 1280 : i32
      %mul3A_54 = arith.muli %arg1, %mul3A_53 : i32
      %add3A_55 = arith.constant 0 : i32
      %add3A_56 = arith.addi %mul3A_54, %add3A_55 : i32
      "tpu.region"() ({
        %run_scoped3A = tpu.sem_alloc : memref<!tpu.dma_semaphore, #tpu.memory_space<semaphore_mem>>
        %dma_start3A = arith.constant 0 : i32
        %dma_start3A_89 = tpu.memref_slice %arg19[%add3A_56, %dma_start3A] : memref<20480x64xf32, #tpu.memory_space<vmem_shared>> -> memref<160x64xf32, #tpu.memory_space<vmem_shared>>
        %dma_start3A_90 = arith.constant 0 : i32
        %dma_start3A_91 = tpu.memref_slice %arg19[%add3A_56, %dma_start3A_90] : memref<20480x64xf32, #tpu.memory_space<vmem_shared>> -> memref<160x64xf32, #tpu.memory_space<vmem_shared>>
        tpu.enqueue_dma source(%dma_start3A_91 : memref<160x64xf32, #tpu.memory_space<vmem_shared>>) target(%arg17 : memref<160x64xf32, #tpu.memory_space<vmem>>) target_semaphore(%run_scoped3A : memref<!tpu.dma_semaphore, #tpu.memory_space<semaphore_mem>>)
        %dma_wait3A = arith.constant 0 : i32
        %dma_wait3A_92 = tpu.memref_slice %arg19[%add3A_56, %dma_wait3A] : memref<20480x64xf32, #tpu.memory_space<vmem_shared>> -> memref<160x64xf32, #tpu.memory_space<vmem_shared>>
        %dma_wait3A_93 = arith.constant 0 : i32
        %dma_wait3A_94 = tpu.memref_slice %arg19[%add3A_56, %dma_wait3A_93] : memref<20480x64xf32, #tpu.memory_space<vmem_shared>> -> memref<160x64xf32, #tpu.memory_space<vmem_shared>>
        tpu.wait_dma2 semaphore(%run_scoped3A : memref<!tpu.dma_semaphore, #tpu.memory_space<semaphore_mem>>) src(%dma_wait3A_94 : memref<160x64xf32, #tpu.memory_space<vmem_shared>>) dst(%arg17 : memref<160x64xf32, #tpu.memory_space<vmem>>)
        tpu.yield
      }) : () -> ()
      "tpu.region"() ({
        %run_scoped3A = tpu.sem_alloc : memref<!tpu.dma_semaphore, #tpu.memory_space<semaphore_mem>>
        %dma_start3A = arith.constant 0 : i32
        %dma_start3A_89 = tpu.memref_slice %arg9[%add3A_56, %dma_start3A] : memref<20480x64xf32, #tpu.memory_space<hbm>> -> memref<160x64xf32, #tpu.memory_space<hbm>>
        %dma_start3A_90 = arith.constant 0 : i32
        %dma_start3A_91 = tpu.memref_slice %arg9[%add3A_56, %dma_start3A_90] : memref<20480x64xf32, #tpu.memory_space<hbm>> -> memref<160x64xf32, #tpu.memory_space<hbm>>
        tpu.enqueue_dma source(%arg17 : memref<160x64xf32, #tpu.memory_space<vmem>>) target(%dma_start3A_91 : memref<160x64xf32, #tpu.memory_space<hbm>>) target_semaphore(%run_scoped3A : memref<!tpu.dma_semaphore, #tpu.memory_space<semaphore_mem>>)
        %dma_wait3A = arith.constant 0 : i32
        %dma_wait3A_92 = tpu.memref_slice %arg9[%add3A_56, %dma_wait3A] : memref<20480x64xf32, #tpu.memory_space<hbm>> -> memref<160x64xf32, #tpu.memory_space<hbm>>
        %dma_wait3A_93 = arith.constant 0 : i32
        %dma_wait3A_94 = tpu.memref_slice %arg9[%add3A_56, %dma_wait3A_93] : memref<20480x64xf32, #tpu.memory_space<hbm>> -> memref<160x64xf32, #tpu.memory_space<hbm>>
        tpu.wait_dma2 semaphore(%run_scoped3A : memref<!tpu.dma_semaphore, #tpu.memory_space<semaphore_mem>>) src(%arg17 : memref<160x64xf32, #tpu.memory_space<vmem>>) dst(%dma_wait3A_94 : memref<160x64xf32, #tpu.memory_space<hbm>>)
        tpu.yield
      }) : () -> ()
      %mul3A_57 = arith.constant 1280 : i32
      %mul3A_58 = arith.muli %arg1, %mul3A_57 : i32
      %add3A_59 = arith.constant 160 : i32
      %add3A_60 = arith.addi %mul3A_58, %add3A_59 : i32
      "tpu.region"() ({
        %run_scoped3A = tpu.sem_alloc : memref<!tpu.dma_semaphore, #tpu.memory_space<semaphore_mem>>
        %dma_start3A = arith.constant 0 : i32
        %dma_start3A_89 = tpu.memref_slice %arg19[%add3A_60, %dma_start3A] : memref<20480x64xf32, #tpu.memory_space<vmem_shared>> -> memref<160x64xf32, #tpu.memory_space<vmem_shared>>
        %dma_start3A_90 = arith.constant 0 : i32
        %dma_start3A_91 = tpu.memref_slice %arg19[%add3A_60, %dma_start3A_90] : memref<20480x64xf32, #tpu.memory_space<vmem_shared>> -> memref<160x64xf32, #tpu.memory_space<vmem_shared>>
        tpu.enqueue_dma source(%dma_start3A_91 : memref<160x64xf32, #tpu.memory_space<vmem_shared>>) target(%arg17 : memref<160x64xf32, #tpu.memory_space<vmem>>) target_semaphore(%run_scoped3A : memref<!tpu.dma_semaphore, #tpu.memory_space<semaphore_mem>>)
        %dma_wait3A = arith.constant 0 : i32
        %dma_wait3A_92 = tpu.memref_slice %arg19[%add3A_60, %dma_wait3A] : memref<20480x64xf32, #tpu.memory_space<vmem_shared>> -> memref<160x64xf32, #tpu.memory_space<vmem_shared>>
        %dma_wait3A_93 = arith.constant 0 : i32
        %dma_wait3A_94 = tpu.memref_slice %arg19[%add3A_60, %dma_wait3A_93] : memref<20480x64xf32, #tpu.memory_space<vmem_shared>> -> memref<160x64xf32, #tpu.memory_space<vmem_shared>>
        tpu.wait_dma2 semaphore(%run_scoped3A : memref<!tpu.dma_semaphore, #tpu.memory_space<semaphore_mem>>) src(%dma_wait3A_94 : memref<160x64xf32, #tpu.memory_space<vmem_shared>>) dst(%arg17 : memref<160x64xf32, #tpu.memory_space<vmem>>)
        tpu.yield
      }) : () -> ()
      "tpu.region"() ({
        %run_scoped3A = tpu.sem_alloc : memref<!tpu.dma_semaphore, #tpu.memory_space<semaphore_mem>>
        %dma_start3A = arith.constant 0 : i32
        %dma_start3A_89 = tpu.memref_slice %arg9[%add3A_60, %dma_start3A] : memref<20480x64xf32, #tpu.memory_space<hbm>> -> memref<160x64xf32, #tpu.memory_space<hbm>>
        %dma_start3A_90 = arith.constant 0 : i32
        %dma_start3A_91 = tpu.memref_slice %arg9[%add3A_60, %dma_start3A_90] : memref<20480x64xf32, #tpu.memory_space<hbm>> -> memref<160x64xf32, #tpu.memory_space<hbm>>
        tpu.enqueue_dma source(%arg17 : memref<160x64xf32, #tpu.memory_space<vmem>>) target(%dma_start3A_91 : memref<160x64xf32, #tpu.memory_space<hbm>>) target_semaphore(%run_scoped3A : memref<!tpu.dma_semaphore, #tpu.memory_space<semaphore_mem>>)
        %dma_wait3A = arith.constant 0 : i32
        %dma_wait3A_92 = tpu.memref_slice %arg9[%add3A_60, %dma_wait3A] : memref<20480x64xf32, #tpu.memory_space<hbm>> -> memref<160x64xf32, #tpu.memory_space<hbm>>
        %dma_wait3A_93 = arith.constant 0 : i32
        %dma_wait3A_94 = tpu.memref_slice %arg9[%add3A_60, %dma_wait3A_93] : memref<20480x64xf32, #tpu.memory_space<hbm>> -> memref<160x64xf32, #tpu.memory_space<hbm>>
        tpu.wait_dma2 semaphore(%run_scoped3A : memref<!tpu.dma_semaphore, #tpu.memory_space<semaphore_mem>>) src(%arg17 : memref<160x64xf32, #tpu.memory_space<vmem>>) dst(%dma_wait3A_94 : memref<160x64xf32, #tpu.memory_space<hbm>>)
        tpu.yield
      }) : () -> ()
      %mul3A_61 = arith.constant 1280 : i32
      %mul3A_62 = arith.muli %arg1, %mul3A_61 : i32
      %add3A_63 = arith.constant 320 : i32
      %add3A_64 = arith.addi %mul3A_62, %add3A_63 : i32
      "tpu.region"() ({
        %run_scoped3A = tpu.sem_alloc : memref<!tpu.dma_semaphore, #tpu.memory_space<semaphore_mem>>
        %dma_start3A = arith.constant 0 : i32
        %dma_start3A_89 = tpu.memref_slice %arg19[%add3A_64, %dma_start3A] : memref<20480x64xf32, #tpu.memory_space<vmem_shared>> -> memref<160x64xf32, #tpu.memory_space<vmem_shared>>
        %dma_start3A_90 = arith.constant 0 : i32
        %dma_start3A_91 = tpu.memref_slice %arg19[%add3A_64, %dma_start3A_90] : memref<20480x64xf32, #tpu.memory_space<vmem_shared>> -> memref<160x64xf32, #tpu.memory_space<vmem_shared>>
        tpu.enqueue_dma source(%dma_start3A_91 : memref<160x64xf32, #tpu.memory_space<vmem_shared>>) target(%arg17 : memref<160x64xf32, #tpu.memory_space<vmem>>) target_semaphore(%run_scoped3A : memref<!tpu.dma_semaphore, #tpu.memory_space<semaphore_mem>>)
        %dma_wait3A = arith.constant 0 : i32
        %dma_wait3A_92 = tpu.memref_slice %arg19[%add3A_64, %dma_wait3A] : memref<20480x64xf32, #tpu.memory_space<vmem_shared>> -> memref<160x64xf32, #tpu.memory_space<vmem_shared>>
        %dma_wait3A_93 = arith.constant 0 : i32
        %dma_wait3A_94 = tpu.memref_slice %arg19[%add3A_64, %dma_wait3A_93] : memref<20480x64xf32, #tpu.memory_space<vmem_shared>> -> memref<160x64xf32, #tpu.memory_space<vmem_shared>>
        tpu.wait_dma2 semaphore(%run_scoped3A : memref<!tpu.dma_semaphore, #tpu.memory_space<semaphore_mem>>) src(%dma_wait3A_94 : memref<160x64xf32, #tpu.memory_space<vmem_shared>>) dst(%arg17 : memref<160x64xf32, #tpu.memory_space<vmem>>)
        tpu.yield
      }) : () -> ()
      "tpu.region"() ({
        %run_scoped3A = tpu.sem_alloc : memref<!tpu.dma_semaphore, #tpu.memory_space<semaphore_mem>>
        %dma_start3A = arith.constant 0 : i32
        %dma_start3A_89 = tpu.memref_slice %arg9[%add3A_64, %dma_start3A] : memref<20480x64xf32, #tpu.memory_space<hbm>> -> memref<160x64xf32, #tpu.memory_space<hbm>>
        %dma_start3A_90 = arith.constant 0 : i32
        %dma_start3A_91 = tpu.memref_slice %arg9[%add3A_64, %dma_start3A_90] : memref<20480x64xf32, #tpu.memory_space<hbm>> -> memref<160x64xf32, #tpu.memory_space<hbm>>
        tpu.enqueue_dma source(%arg17 : memref<160x64xf32, #tpu.memory_space<vmem>>) target(%dma_start3A_91 : memref<160x64xf32, #tpu.memory_space<hbm>>) target_semaphore(%run_scoped3A : memref<!tpu.dma_semaphore, #tpu.memory_space<semaphore_mem>>)
        %dma_wait3A = arith.constant 0 : i32
        %dma_wait3A_92 = tpu.memref_slice %arg9[%add3A_64, %dma_wait3A] : memref<20480x64xf32, #tpu.memory_space<hbm>> -> memref<160x64xf32, #tpu.memory_space<hbm>>
        %dma_wait3A_93 = arith.constant 0 : i32
        %dma_wait3A_94 = tpu.memref_slice %arg9[%add3A_64, %dma_wait3A_93] : memref<20480x64xf32, #tpu.memory_space<hbm>> -> memref<160x64xf32, #tpu.memory_space<hbm>>
        tpu.wait_dma2 semaphore(%run_scoped3A : memref<!tpu.dma_semaphore, #tpu.memory_space<semaphore_mem>>) src(%arg17 : memref<160x64xf32, #tpu.memory_space<vmem>>) dst(%dma_wait3A_94 : memref<160x64xf32, #tpu.memory_space<hbm>>)
        tpu.yield
      }) : () -> ()
      %mul3A_65 = arith.constant 1280 : i32
      %mul3A_66 = arith.muli %arg1, %mul3A_65 : i32
      %add3A_67 = arith.constant 480 : i32
      %add3A_68 = arith.addi %mul3A_66, %add3A_67 : i32
      "tpu.region"() ({
        %run_scoped3A = tpu.sem_alloc : memref<!tpu.dma_semaphore, #tpu.memory_space<semaphore_mem>>
        %dma_start3A = arith.constant 0 : i32
        %dma_start3A_89 = tpu.memref_slice %arg19[%add3A_68, %dma_start3A] : memref<20480x64xf32, #tpu.memory_space<vmem_shared>> -> memref<160x64xf32, #tpu.memory_space<vmem_shared>>
        %dma_start3A_90 = arith.constant 0 : i32
        %dma_start3A_91 = tpu.memref_slice %arg19[%add3A_68, %dma_start3A_90] : memref<20480x64xf32, #tpu.memory_space<vmem_shared>> -> memref<160x64xf32, #tpu.memory_space<vmem_shared>>
        tpu.enqueue_dma source(%dma_start3A_91 : memref<160x64xf32, #tpu.memory_space<vmem_shared>>) target(%arg17 : memref<160x64xf32, #tpu.memory_space<vmem>>) target_semaphore(%run_scoped3A : memref<!tpu.dma_semaphore, #tpu.memory_space<semaphore_mem>>)
        %dma_wait3A = arith.constant 0 : i32
        %dma_wait3A_92 = tpu.memref_slice %arg19[%add3A_68, %dma_wait3A] : memref<20480x64xf32, #tpu.memory_space<vmem_shared>> -> memref<160x64xf32, #tpu.memory_space<vmem_shared>>
        %dma_wait3A_93 = arith.constant 0 : i32
        %dma_wait3A_94 = tpu.memref_slice %arg19[%add3A_68, %dma_wait3A_93] : memref<20480x64xf32, #tpu.memory_space<vmem_shared>> -> memref<160x64xf32, #tpu.memory_space<vmem_shared>>
        tpu.wait_dma2 semaphore(%run_scoped3A : memref<!tpu.dma_semaphore, #tpu.memory_space<semaphore_mem>>) src(%dma_wait3A_94 : memref<160x64xf32, #tpu.memory_space<vmem_shared>>) dst(%arg17 : memref<160x64xf32, #tpu.memory_space<vmem>>)
        tpu.yield
      }) : () -> ()
      "tpu.region"() ({
        %run_scoped3A = tpu.sem_alloc : memref<!tpu.dma_semaphore, #tpu.memory_space<semaphore_mem>>
        %dma_start3A = arith.constant 0 : i32
        %dma_start3A_89 = tpu.memref_slice %arg9[%add3A_68, %dma_start3A] : memref<20480x64xf32, #tpu.memory_space<hbm>> -> memref<160x64xf32, #tpu.memory_space<hbm>>
        %dma_start3A_90 = arith.constant 0 : i32
        %dma_start3A_91 = tpu.memref_slice %arg9[%add3A_68, %dma_start3A_90] : memref<20480x64xf32, #tpu.memory_space<hbm>> -> memref<160x64xf32, #tpu.memory_space<hbm>>
        tpu.enqueue_dma source(%arg17 : memref<160x64xf32, #tpu.memory_space<vmem>>) target(%dma_start3A_91 : memref<160x64xf32, #tpu.memory_space<hbm>>) target_semaphore(%run_scoped3A : memref<!tpu.dma_semaphore, #tpu.memory_space<semaphore_mem>>)
        %dma_wait3A = arith.constant 0 : i32
        %dma_wait3A_92 = tpu.memref_slice %arg9[%add3A_68, %dma_wait3A] : memref<20480x64xf32, #tpu.memory_space<hbm>> -> memref<160x64xf32, #tpu.memory_space<hbm>>
        %dma_wait3A_93 = arith.constant 0 : i32
        %dma_wait3A_94 = tpu.memref_slice %arg9[%add3A_68, %dma_wait3A_93] : memref<20480x64xf32, #tpu.memory_space<hbm>> -> memref<160x64xf32, #tpu.memory_space<hbm>>
        tpu.wait_dma2 semaphore(%run_scoped3A : memref<!tpu.dma_semaphore, #tpu.memory_space<semaphore_mem>>) src(%arg17 : memref<160x64xf32, #tpu.memory_space<vmem>>) dst(%dma_wait3A_94 : memref<160x64xf32, #tpu.memory_space<hbm>>)
        tpu.yield
      }) : () -> ()
      %mul3A_69 = arith.constant 1280 : i32
      %mul3A_70 = arith.muli %arg1, %mul3A_69 : i32
      %add3A_71 = arith.constant 640 : i32
      %add3A_72 = arith.addi %mul3A_70, %add3A_71 : i32
      "tpu.region"() ({
        %run_scoped3A = tpu.sem_alloc : memref<!tpu.dma_semaphore, #tpu.memory_space<semaphore_mem>>
        %dma_start3A = arith.constant 0 : i32
        %dma_start3A_89 = tpu.memref_slice %arg19[%add3A_72, %dma_start3A] : memref<20480x64xf32, #tpu.memory_space<vmem_shared>> -> memref<160x64xf32, #tpu.memory_space<vmem_shared>>
        %dma_start3A_90 = arith.constant 0 : i32
        %dma_start3A_91 = tpu.memref_slice %arg19[%add3A_72, %dma_start3A_90] : memref<20480x64xf32, #tpu.memory_space<vmem_shared>> -> memref<160x64xf32, #tpu.memory_space<vmem_shared>>
        tpu.enqueue_dma source(%dma_start3A_91 : memref<160x64xf32, #tpu.memory_space<vmem_shared>>) target(%arg17 : memref<160x64xf32, #tpu.memory_space<vmem>>) target_semaphore(%run_scoped3A : memref<!tpu.dma_semaphore, #tpu.memory_space<semaphore_mem>>)
        %dma_wait3A = arith.constant 0 : i32
        %dma_wait3A_92 = tpu.memref_slice %arg19[%add3A_72, %dma_wait3A] : memref<20480x64xf32, #tpu.memory_space<vmem_shared>> -> memref<160x64xf32, #tpu.memory_space<vmem_shared>>
        %dma_wait3A_93 = arith.constant 0 : i32
        %dma_wait3A_94 = tpu.memref_slice %arg19[%add3A_72, %dma_wait3A_93] : memref<20480x64xf32, #tpu.memory_space<vmem_shared>> -> memref<160x64xf32, #tpu.memory_space<vmem_shared>>
        tpu.wait_dma2 semaphore(%run_scoped3A : memref<!tpu.dma_semaphore, #tpu.memory_space<semaphore_mem>>) src(%dma_wait3A_94 : memref<160x64xf32, #tpu.memory_space<vmem_shared>>) dst(%arg17 : memref<160x64xf32, #tpu.memory_space<vmem>>)
        tpu.yield
      }) : () -> ()
      "tpu.region"() ({
        %run_scoped3A = tpu.sem_alloc : memref<!tpu.dma_semaphore, #tpu.memory_space<semaphore_mem>>
        %dma_start3A = arith.constant 0 : i32
        %dma_start3A_89 = tpu.memref_slice %arg9[%add3A_72, %dma_start3A] : memref<20480x64xf32, #tpu.memory_space<hbm>> -> memref<160x64xf32, #tpu.memory_space<hbm>>
        %dma_start3A_90 = arith.constant 0 : i32
        %dma_start3A_91 = tpu.memref_slice %arg9[%add3A_72, %dma_start3A_90] : memref<20480x64xf32, #tpu.memory_space<hbm>> -> memref<160x64xf32, #tpu.memory_space<hbm>>
        tpu.enqueue_dma source(%arg17 : memref<160x64xf32, #tpu.memory_space<vmem>>) target(%dma_start3A_91 : memref<160x64xf32, #tpu.memory_space<hbm>>) target_semaphore(%run_scoped3A : memref<!tpu.dma_semaphore, #tpu.memory_space<semaphore_mem>>)
        %dma_wait3A = arith.constant 0 : i32
        %dma_wait3A_92 = tpu.memref_slice %arg9[%add3A_72, %dma_wait3A] : memref<20480x64xf32, #tpu.memory_space<hbm>> -> memref<160x64xf32, #tpu.memory_space<hbm>>
        %dma_wait3A_93 = arith.constant 0 : i32
        %dma_wait3A_94 = tpu.memref_slice %arg9[%add3A_72, %dma_wait3A_93] : memref<20480x64xf32, #tpu.memory_space<hbm>> -> memref<160x64xf32, #tpu.memory_space<hbm>>
        tpu.wait_dma2 semaphore(%run_scoped3A : memref<!tpu.dma_semaphore, #tpu.memory_space<semaphore_mem>>) src(%arg17 : memref<160x64xf32, #tpu.memory_space<vmem>>) dst(%dma_wait3A_94 : memref<160x64xf32, #tpu.memory_space<hbm>>)
        tpu.yield
      }) : () -> ()
      %mul3A_73 = arith.constant 1280 : i32
      %mul3A_74 = arith.muli %arg1, %mul3A_73 : i32
      %add3A_75 = arith.constant 800 : i32
      %add3A_76 = arith.addi %mul3A_74, %add3A_75 : i32
      "tpu.region"() ({
        %run_scoped3A = tpu.sem_alloc : memref<!tpu.dma_semaphore, #tpu.memory_space<semaphore_mem>>
        %dma_start3A = arith.constant 0 : i32
        %dma_start3A_89 = tpu.memref_slice %arg19[%add3A_76, %dma_start3A] : memref<20480x64xf32, #tpu.memory_space<vmem_shared>> -> memref<160x64xf32, #tpu.memory_space<vmem_shared>>
        %dma_start3A_90 = arith.constant 0 : i32
        %dma_start3A_91 = tpu.memref_slice %arg19[%add3A_76, %dma_start3A_90] : memref<20480x64xf32, #tpu.memory_space<vmem_shared>> -> memref<160x64xf32, #tpu.memory_space<vmem_shared>>
        tpu.enqueue_dma source(%dma_start3A_91 : memref<160x64xf32, #tpu.memory_space<vmem_shared>>) target(%arg17 : memref<160x64xf32, #tpu.memory_space<vmem>>) target_semaphore(%run_scoped3A : memref<!tpu.dma_semaphore, #tpu.memory_space<semaphore_mem>>)
        %dma_wait3A = arith.constant 0 : i32
        %dma_wait3A_92 = tpu.memref_slice %arg19[%add3A_76, %dma_wait3A] : memref<20480x64xf32, #tpu.memory_space<vmem_shared>> -> memref<160x64xf32, #tpu.memory_space<vmem_shared>>
        %dma_wait3A_93 = arith.constant 0 : i32
        %dma_wait3A_94 = tpu.memref_slice %arg19[%add3A_76, %dma_wait3A_93] : memref<20480x64xf32, #tpu.memory_space<vmem_shared>> -> memref<160x64xf32, #tpu.memory_space<vmem_shared>>
        tpu.wait_dma2 semaphore(%run_scoped3A : memref<!tpu.dma_semaphore, #tpu.memory_space<semaphore_mem>>) src(%dma_wait3A_94 : memref<160x64xf32, #tpu.memory_space<vmem_shared>>) dst(%arg17 : memref<160x64xf32, #tpu.memory_space<vmem>>)
        tpu.yield
      }) : () -> ()
      "tpu.region"() ({
        %run_scoped3A = tpu.sem_alloc : memref<!tpu.dma_semaphore, #tpu.memory_space<semaphore_mem>>
        %dma_start3A = arith.constant 0 : i32
        %dma_start3A_89 = tpu.memref_slice %arg9[%add3A_76, %dma_start3A] : memref<20480x64xf32, #tpu.memory_space<hbm>> -> memref<160x64xf32, #tpu.memory_space<hbm>>
        %dma_start3A_90 = arith.constant 0 : i32
        %dma_start3A_91 = tpu.memref_slice %arg9[%add3A_76, %dma_start3A_90] : memref<20480x64xf32, #tpu.memory_space<hbm>> -> memref<160x64xf32, #tpu.memory_space<hbm>>
        tpu.enqueue_dma source(%arg17 : memref<160x64xf32, #tpu.memory_space<vmem>>) target(%dma_start3A_91 : memref<160x64xf32, #tpu.memory_space<hbm>>) target_semaphore(%run_scoped3A : memref<!tpu.dma_semaphore, #tpu.memory_space<semaphore_mem>>)
        %dma_wait3A = arith.constant 0 : i32
        %dma_wait3A_92 = tpu.memref_slice %arg9[%add3A_76, %dma_wait3A] : memref<20480x64xf32, #tpu.memory_space<hbm>> -> memref<160x64xf32, #tpu.memory_space<hbm>>
        %dma_wait3A_93 = arith.constant 0 : i32
        %dma_wait3A_94 = tpu.memref_slice %arg9[%add3A_76, %dma_wait3A_93] : memref<20480x64xf32, #tpu.memory_space<hbm>> -> memref<160x64xf32, #tpu.memory_space<hbm>>
        tpu.wait_dma2 semaphore(%run_scoped3A : memref<!tpu.dma_semaphore, #tpu.memory_space<semaphore_mem>>) src(%arg17 : memref<160x64xf32, #tpu.memory_space<vmem>>) dst(%dma_wait3A_94 : memref<160x64xf32, #tpu.memory_space<hbm>>)
        tpu.yield
      }) : () -> ()
      %mul3A_77 = arith.constant 1280 : i32
      %mul3A_78 = arith.muli %arg1, %mul3A_77 : i32
      %add3A_79 = arith.constant 960 : i32
      %add3A_80 = arith.addi %mul3A_78, %add3A_79 : i32
      "tpu.region"() ({
        %run_scoped3A = tpu.sem_alloc : memref<!tpu.dma_semaphore, #tpu.memory_space<semaphore_mem>>
        %dma_start3A = arith.constant 0 : i32
        %dma_start3A_89 = tpu.memref_slice %arg19[%add3A_80, %dma_start3A] : memref<20480x64xf32, #tpu.memory_space<vmem_shared>> -> memref<160x64xf32, #tpu.memory_space<vmem_shared>>
        %dma_start3A_90 = arith.constant 0 : i32
        %dma_start3A_91 = tpu.memref_slice %arg19[%add3A_80, %dma_start3A_90] : memref<20480x64xf32, #tpu.memory_space<vmem_shared>> -> memref<160x64xf32, #tpu.memory_space<vmem_shared>>
        tpu.enqueue_dma source(%dma_start3A_91 : memref<160x64xf32, #tpu.memory_space<vmem_shared>>) target(%arg17 : memref<160x64xf32, #tpu.memory_space<vmem>>) target_semaphore(%run_scoped3A : memref<!tpu.dma_semaphore, #tpu.memory_space<semaphore_mem>>)
        %dma_wait3A = arith.constant 0 : i32
        %dma_wait3A_92 = tpu.memref_slice %arg19[%add3A_80, %dma_wait3A] : memref<20480x64xf32, #tpu.memory_space<vmem_shared>> -> memref<160x64xf32, #tpu.memory_space<vmem_shared>>
        %dma_wait3A_93 = arith.constant 0 : i32
        %dma_wait3A_94 = tpu.memref_slice %arg19[%add3A_80, %dma_wait3A_93] : memref<20480x64xf32, #tpu.memory_space<vmem_shared>> -> memref<160x64xf32, #tpu.memory_space<vmem_shared>>
        tpu.wait_dma2 semaphore(%run_scoped3A : memref<!tpu.dma_semaphore, #tpu.memory_space<semaphore_mem>>) src(%dma_wait3A_94 : memref<160x64xf32, #tpu.memory_space<vmem_shared>>) dst(%arg17 : memref<160x64xf32, #tpu.memory_space<vmem>>)
        tpu.yield
      }) : () -> ()
      "tpu.region"() ({
        %run_scoped3A = tpu.sem_alloc : memref<!tpu.dma_semaphore, #tpu.memory_space<semaphore_mem>>
        %dma_start3A = arith.constant 0 : i32
        %dma_start3A_89 = tpu.memref_slice %arg9[%add3A_80, %dma_start3A] : memref<20480x64xf32, #tpu.memory_space<hbm>> -> memref<160x64xf32, #tpu.memory_space<hbm>>
        %dma_start3A_90 = arith.constant 0 : i32
        %dma_start3A_91 = tpu.memref_slice %arg9[%add3A_80, %dma_start3A_90] : memref<20480x64xf32, #tpu.memory_space<hbm>> -> memref<160x64xf32, #tpu.memory_space<hbm>>
        tpu.enqueue_dma source(%arg17 : memref<160x64xf32, #tpu.memory_space<vmem>>) target(%dma_start3A_91 : memref<160x64xf32, #tpu.memory_space<hbm>>) target_semaphore(%run_scoped3A : memref<!tpu.dma_semaphore, #tpu.memory_space<semaphore_mem>>)
        %dma_wait3A = arith.constant 0 : i32
        %dma_wait3A_92 = tpu.memref_slice %arg9[%add3A_80, %dma_wait3A] : memref<20480x64xf32, #tpu.memory_space<hbm>> -> memref<160x64xf32, #tpu.memory_space<hbm>>
        %dma_wait3A_93 = arith.constant 0 : i32
        %dma_wait3A_94 = tpu.memref_slice %arg9[%add3A_80, %dma_wait3A_93] : memref<20480x64xf32, #tpu.memory_space<hbm>> -> memref<160x64xf32, #tpu.memory_space<hbm>>
        tpu.wait_dma2 semaphore(%run_scoped3A : memref<!tpu.dma_semaphore, #tpu.memory_space<semaphore_mem>>) src(%arg17 : memref<160x64xf32, #tpu.memory_space<vmem>>) dst(%dma_wait3A_94 : memref<160x64xf32, #tpu.memory_space<hbm>>)
        tpu.yield
      }) : () -> ()
      %mul3A_81 = arith.constant 1280 : i32
      %mul3A_82 = arith.muli %arg1, %mul3A_81 : i32
      %add3A_83 = arith.constant 1120 : i32
      %add3A_84 = arith.addi %mul3A_82, %add3A_83 : i32
      "tpu.region"() ({
        %run_scoped3A = tpu.sem_alloc : memref<!tpu.dma_semaphore, #tpu.memory_space<semaphore_mem>>
        %dma_start3A = arith.constant 0 : i32
        %dma_start3A_89 = tpu.memref_slice %arg19[%add3A_84, %dma_start3A] : memref<20480x64xf32, #tpu.memory_space<vmem_shared>> -> memref<160x64xf32, #tpu.memory_space<vmem_shared>>
        %dma_start3A_90 = arith.constant 0 : i32
        %dma_start3A_91 = tpu.memref_slice %arg19[%add3A_84, %dma_start3A_90] : memref<20480x64xf32, #tpu.memory_space<vmem_shared>> -> memref<160x64xf32, #tpu.memory_space<vmem_shared>>
        tpu.enqueue_dma source(%dma_start3A_91 : memref<160x64xf32, #tpu.memory_space<vmem_shared>>) target(%arg17 : memref<160x64xf32, #tpu.memory_space<vmem>>) target_semaphore(%run_scoped3A : memref<!tpu.dma_semaphore, #tpu.memory_space<semaphore_mem>>)
        %dma_wait3A = arith.constant 0 : i32
        %dma_wait3A_92 = tpu.memref_slice %arg19[%add3A_84, %dma_wait3A] : memref<20480x64xf32, #tpu.memory_space<vmem_shared>> -> memref<160x64xf32, #tpu.memory_space<vmem_shared>>
        %dma_wait3A_93 = arith.constant 0 : i32
        %dma_wait3A_94 = tpu.memref_slice %arg19[%add3A_84, %dma_wait3A_93] : memref<20480x64xf32, #tpu.memory_space<vmem_shared>> -> memref<160x64xf32, #tpu.memory_space<vmem_shared>>
        tpu.wait_dma2 semaphore(%run_scoped3A : memref<!tpu.dma_semaphore, #tpu.memory_space<semaphore_mem>>) src(%dma_wait3A_94 : memref<160x64xf32, #tpu.memory_space<vmem_shared>>) dst(%arg17 : memref<160x64xf32, #tpu.memory_space<vmem>>)
        tpu.yield
      }) : () -> ()
      "tpu.region"() ({
        %run_scoped3A = tpu.sem_alloc : memref<!tpu.dma_semaphore, #tpu.memory_space<semaphore_mem>>
        %dma_start3A = arith.constant 0 : i32
        %dma_start3A_89 = tpu.memref_slice %arg9[%add3A_84, %dma_start3A] : memref<20480x64xf32, #tpu.memory_space<hbm>> -> memref<160x64xf32, #tpu.memory_space<hbm>>
        %dma_start3A_90 = arith.constant 0 : i32
        %dma_start3A_91 = tpu.memref_slice %arg9[%add3A_84, %dma_start3A_90] : memref<20480x64xf32, #tpu.memory_space<hbm>> -> memref<160x64xf32, #tpu.memory_space<hbm>>
        tpu.enqueue_dma source(%arg17 : memref<160x64xf32, #tpu.memory_space<vmem>>) target(%dma_start3A_91 : memref<160x64xf32, #tpu.memory_space<hbm>>) target_semaphore(%run_scoped3A : memref<!tpu.dma_semaphore, #tpu.memory_space<semaphore_mem>>)
        %dma_wait3A = arith.constant 0 : i32
        %dma_wait3A_92 = tpu.memref_slice %arg9[%add3A_84, %dma_wait3A] : memref<20480x64xf32, #tpu.memory_space<hbm>> -> memref<160x64xf32, #tpu.memory_space<hbm>>
        %dma_wait3A_93 = arith.constant 0 : i32
        %dma_wait3A_94 = tpu.memref_slice %arg9[%add3A_84, %dma_wait3A_93] : memref<20480x64xf32, #tpu.memory_space<hbm>> -> memref<160x64xf32, #tpu.memory_space<hbm>>
        tpu.wait_dma2 semaphore(%run_scoped3A : memref<!tpu.dma_semaphore, #tpu.memory_space<semaphore_mem>>) src(%arg17 : memref<160x64xf32, #tpu.memory_space<vmem>>) dst(%dma_wait3A_94 : memref<160x64xf32, #tpu.memory_space<hbm>>)
        tpu.yield
      }) : () -> ()
      %mul3A_85 = arith.constant 640 : i32
      %mul3A_86 = arith.muli %arg1, %mul3A_85 : i32
      "tpu.region"() ({
        %run_scoped3A = tpu.sem_alloc : memref<!tpu.dma_semaphore, #tpu.memory_space<semaphore_mem>>
        %dma_start3A = arith.constant 0 : i32
        %dma_start3A_89 = tpu.memref_slice %arg20[%mul3A_86, %dma_start3A] : memref<10240x8xf32, #tpu.memory_space<vmem_shared>> -> memref<640x8xf32, #tpu.memory_space<vmem_shared>>
        %dma_start3A_90 = arith.constant 0 : i32
        %dma_start3A_91 = tpu.memref_slice %arg20[%mul3A_86, %dma_start3A_90] : memref<10240x8xf32, #tpu.memory_space<vmem_shared>> -> memref<640x8xf32, #tpu.memory_space<vmem_shared>>
        tpu.enqueue_dma source(%dma_start3A_91 : memref<640x8xf32, #tpu.memory_space<vmem_shared>>) target(%arg18 : memref<640x8xf32, #tpu.memory_space<vmem>>) target_semaphore(%run_scoped3A : memref<!tpu.dma_semaphore, #tpu.memory_space<semaphore_mem>>)
        %dma_wait3A = arith.constant 0 : i32
        %dma_wait3A_92 = tpu.memref_slice %arg20[%mul3A_86, %dma_wait3A] : memref<10240x8xf32, #tpu.memory_space<vmem_shared>> -> memref<640x8xf32, #tpu.memory_space<vmem_shared>>
        %dma_wait3A_93 = arith.constant 0 : i32
        %dma_wait3A_94 = tpu.memref_slice %arg20[%mul3A_86, %dma_wait3A_93] : memref<10240x8xf32, #tpu.memory_space<vmem_shared>> -> memref<640x8xf32, #tpu.memory_space<vmem_shared>>
        tpu.wait_dma2 semaphore(%run_scoped3A : memref<!tpu.dma_semaphore, #tpu.memory_space<semaphore_mem>>) src(%dma_wait3A_94 : memref<640x8xf32, #tpu.memory_space<vmem_shared>>) dst(%arg18 : memref<640x8xf32, #tpu.memory_space<vmem>>)
        tpu.yield
      }) : () -> ()
      %mul3A_87 = arith.constant 640 : i32
      %mul3A_88 = arith.muli %arg1, %mul3A_87 : i32
      "tpu.region"() ({
        %run_scoped3A = tpu.sem_alloc : memref<!tpu.dma_semaphore, #tpu.memory_space<semaphore_mem>>
        %dma_start3A = arith.constant 0 : i32
        %dma_start3A_89 = tpu.memref_slice %arg11[%mul3A_88, %dma_start3A] : memref<10240x8xf32, #tpu.memory_space<hbm>> -> memref<640x8xf32, #tpu.memory_space<hbm>>
        %dma_start3A_90 = arith.constant 0 : i32
        %dma_start3A_91 = tpu.memref_slice %arg11[%mul3A_88, %dma_start3A_90] : memref<10240x8xf32, #tpu.memory_space<hbm>> -> memref<640x8xf32, #tpu.memory_space<hbm>>
        tpu.enqueue_dma source(%arg18 : memref<640x8xf32, #tpu.memory_space<vmem>>) target(%dma_start3A_91 : memref<640x8xf32, #tpu.memory_space<hbm>>) target_semaphore(%run_scoped3A : memref<!tpu.dma_semaphore, #tpu.memory_space<semaphore_mem>>)
        %dma_wait3A = arith.constant 0 : i32
        %dma_wait3A_92 = tpu.memref_slice %arg11[%mul3A_88, %dma_wait3A] : memref<10240x8xf32, #tpu.memory_space<hbm>> -> memref<640x8xf32, #tpu.memory_space<hbm>>
        %dma_wait3A_93 = arith.constant 0 : i32
        %dma_wait3A_94 = tpu.memref_slice %arg11[%mul3A_88, %dma_wait3A_93] : memref<10240x8xf32, #tpu.memory_space<hbm>> -> memref<640x8xf32, #tpu.memory_space<hbm>>
        tpu.wait_dma2 semaphore(%run_scoped3A : memref<!tpu.dma_semaphore, #tpu.memory_space<semaphore_mem>>) src(%arg18 : memref<640x8xf32, #tpu.memory_space<vmem>>) dst(%dma_wait3A_94 : memref<640x8xf32, #tpu.memory_space<hbm>>)
        tpu.yield
      }) : () -> ()
    } else {
    }
    %eq3A_48 = arith.constant 1 : i32
    %eq3A_49 = arith.cmpi eq, %arg0, %eq3A_48 : i32
    %convert_element_type3A_50 = arith.extui %eq3A_49 : i1 to i32
    %cond3A_51 = arith.constant 0 : i32
    %cond3A_52 = arith.cmpi ne, %convert_element_type3A_50, %cond3A_51 : i32
    scf.if %cond3A_52 {
      %mul3A_53 = arith.constant 1280 : i32
      %mul3A_54 = arith.muli %arg1, %mul3A_53 : i32
      %add3A_55 = arith.constant 0 : i32
      %add3A_56 = arith.addi %mul3A_54, %add3A_55 : i32
      "tpu.region"() ({
        %run_scoped3A = tpu.sem_alloc : memref<!tpu.dma_semaphore, #tpu.memory_space<semaphore_mem>>
        %dma_start3A = arith.constant 0 : i32
        %dma_start3A_85 = tpu.memref_slice %arg19[%add3A_56, %dma_start3A] : memref<20480x64xf32, #tpu.memory_space<vmem_shared>> -> memref<160x64xf32, #tpu.memory_space<vmem_shared>>
        %dma_start3A_86 = arith.constant 0 : i32
        %dma_start3A_87 = tpu.memref_slice %arg19[%add3A_56, %dma_start3A_86] : memref<20480x64xf32, #tpu.memory_space<vmem_shared>> -> memref<160x64xf32, #tpu.memory_space<vmem_shared>>
        tpu.enqueue_dma source(%dma_start3A_87 : memref<160x64xf32, #tpu.memory_space<vmem_shared>>) target(%arg17 : memref<160x64xf32, #tpu.memory_space<vmem>>) target_semaphore(%run_scoped3A : memref<!tpu.dma_semaphore, #tpu.memory_space<semaphore_mem>>)
        %dma_wait3A = arith.constant 0 : i32
        %dma_wait3A_88 = tpu.memref_slice %arg19[%add3A_56, %dma_wait3A] : memref<20480x64xf32, #tpu.memory_space<vmem_shared>> -> memref<160x64xf32, #tpu.memory_space<vmem_shared>>
        %dma_wait3A_89 = arith.constant 0 : i32
        %dma_wait3A_90 = tpu.memref_slice %arg19[%add3A_56, %dma_wait3A_89] : memref<20480x64xf32, #tpu.memory_space<vmem_shared>> -> memref<160x64xf32, #tpu.memory_space<vmem_shared>>
        tpu.wait_dma2 semaphore(%run_scoped3A : memref<!tpu.dma_semaphore, #tpu.memory_space<semaphore_mem>>) src(%dma_wait3A_90 : memref<160x64xf32, #tpu.memory_space<vmem_shared>>) dst(%arg17 : memref<160x64xf32, #tpu.memory_space<vmem>>)
        tpu.yield
      }) : () -> ()
      "tpu.region"() ({
        %run_scoped3A = tpu.sem_alloc : memref<!tpu.dma_semaphore, #tpu.memory_space<semaphore_mem>>
        %dma_start3A = arith.constant 0 : i32
        %dma_start3A_85 = tpu.memref_slice %arg10[%add3A_56, %dma_start3A] : memref<20480x64xf32, #tpu.memory_space<hbm>> -> memref<160x64xf32, #tpu.memory_space<hbm>>
        %dma_start3A_86 = arith.constant 0 : i32
        %dma_start3A_87 = tpu.memref_slice %arg10[%add3A_56, %dma_start3A_86] : memref<20480x64xf32, #tpu.memory_space<hbm>> -> memref<160x64xf32, #tpu.memory_space<hbm>>
        tpu.enqueue_dma source(%arg17 : memref<160x64xf32, #tpu.memory_space<vmem>>) target(%dma_start3A_87 : memref<160x64xf32, #tpu.memory_space<hbm>>) target_semaphore(%run_scoped3A : memref<!tpu.dma_semaphore, #tpu.memory_space<semaphore_mem>>)
        %dma_wait3A = arith.constant 0 : i32
        %dma_wait3A_88 = tpu.memref_slice %arg10[%add3A_56, %dma_wait3A] : memref<20480x64xf32, #tpu.memory_space<hbm>> -> memref<160x64xf32, #tpu.memory_space<hbm>>
        %dma_wait3A_89 = arith.constant 0 : i32
        %dma_wait3A_90 = tpu.memref_slice %arg10[%add3A_56, %dma_wait3A_89] : memref<20480x64xf32, #tpu.memory_space<hbm>> -> memref<160x64xf32, #tpu.memory_space<hbm>>
        tpu.wait_dma2 semaphore(%run_scoped3A : memref<!tpu.dma_semaphore, #tpu.memory_space<semaphore_mem>>) src(%arg17 : memref<160x64xf32, #tpu.memory_space<vmem>>) dst(%dma_wait3A_90 : memref<160x64xf32, #tpu.memory_space<hbm>>)
        tpu.yield
      }) : () -> ()
      %mul3A_57 = arith.constant 1280 : i32
      %mul3A_58 = arith.muli %arg1, %mul3A_57 : i32
      %add3A_59 = arith.constant 160 : i32
      %add3A_60 = arith.addi %mul3A_58, %add3A_59 : i32
      "tpu.region"() ({
        %run_scoped3A = tpu.sem_alloc : memref<!tpu.dma_semaphore, #tpu.memory_space<semaphore_mem>>
        %dma_start3A = arith.constant 0 : i32
        %dma_start3A_85 = tpu.memref_slice %arg19[%add3A_60, %dma_start3A] : memref<20480x64xf32, #tpu.memory_space<vmem_shared>> -> memref<160x64xf32, #tpu.memory_space<vmem_shared>>
        %dma_start3A_86 = arith.constant 0 : i32
        %dma_start3A_87 = tpu.memref_slice %arg19[%add3A_60, %dma_start3A_86] : memref<20480x64xf32, #tpu.memory_space<vmem_shared>> -> memref<160x64xf32, #tpu.memory_space<vmem_shared>>
        tpu.enqueue_dma source(%dma_start3A_87 : memref<160x64xf32, #tpu.memory_space<vmem_shared>>) target(%arg17 : memref<160x64xf32, #tpu.memory_space<vmem>>) target_semaphore(%run_scoped3A : memref<!tpu.dma_semaphore, #tpu.memory_space<semaphore_mem>>)
        %dma_wait3A = arith.constant 0 : i32
        %dma_wait3A_88 = tpu.memref_slice %arg19[%add3A_60, %dma_wait3A] : memref<20480x64xf32, #tpu.memory_space<vmem_shared>> -> memref<160x64xf32, #tpu.memory_space<vmem_shared>>
        %dma_wait3A_89 = arith.constant 0 : i32
        %dma_wait3A_90 = tpu.memref_slice %arg19[%add3A_60, %dma_wait3A_89] : memref<20480x64xf32, #tpu.memory_space<vmem_shared>> -> memref<160x64xf32, #tpu.memory_space<vmem_shared>>
        tpu.wait_dma2 semaphore(%run_scoped3A : memref<!tpu.dma_semaphore, #tpu.memory_space<semaphore_mem>>) src(%dma_wait3A_90 : memref<160x64xf32, #tpu.memory_space<vmem_shared>>) dst(%arg17 : memref<160x64xf32, #tpu.memory_space<vmem>>)
        tpu.yield
      }) : () -> ()
      "tpu.region"() ({
        %run_scoped3A = tpu.sem_alloc : memref<!tpu.dma_semaphore, #tpu.memory_space<semaphore_mem>>
        %dma_start3A = arith.constant 0 : i32
        %dma_start3A_85 = tpu.memref_slice %arg10[%add3A_60, %dma_start3A] : memref<20480x64xf32, #tpu.memory_space<hbm>> -> memref<160x64xf32, #tpu.memory_space<hbm>>
        %dma_start3A_86 = arith.constant 0 : i32
        %dma_start3A_87 = tpu.memref_slice %arg10[%add3A_60, %dma_start3A_86] : memref<20480x64xf32, #tpu.memory_space<hbm>> -> memref<160x64xf32, #tpu.memory_space<hbm>>
        tpu.enqueue_dma source(%arg17 : memref<160x64xf32, #tpu.memory_space<vmem>>) target(%dma_start3A_87 : memref<160x64xf32, #tpu.memory_space<hbm>>) target_semaphore(%run_scoped3A : memref<!tpu.dma_semaphore, #tpu.memory_space<semaphore_mem>>)
        %dma_wait3A = arith.constant 0 : i32
        %dma_wait3A_88 = tpu.memref_slice %arg10[%add3A_60, %dma_wait3A] : memref<20480x64xf32, #tpu.memory_space<hbm>> -> memref<160x64xf32, #tpu.memory_space<hbm>>
        %dma_wait3A_89 = arith.constant 0 : i32
        %dma_wait3A_90 = tpu.memref_slice %arg10[%add3A_60, %dma_wait3A_89] : memref<20480x64xf32, #tpu.memory_space<hbm>> -> memref<160x64xf32, #tpu.memory_space<hbm>>
        tpu.wait_dma2 semaphore(%run_scoped3A : memref<!tpu.dma_semaphore, #tpu.memory_space<semaphore_mem>>) src(%arg17 : memref<160x64xf32, #tpu.memory_space<vmem>>) dst(%dma_wait3A_90 : memref<160x64xf32, #tpu.memory_space<hbm>>)
        tpu.yield
      }) : () -> ()
      %mul3A_61 = arith.constant 1280 : i32
      %mul3A_62 = arith.muli %arg1, %mul3A_61 : i32
      %add3A_63 = arith.constant 320 : i32
      %add3A_64 = arith.addi %mul3A_62, %add3A_63 : i32
      "tpu.region"() ({
        %run_scoped3A = tpu.sem_alloc : memref<!tpu.dma_semaphore, #tpu.memory_space<semaphore_mem>>
        %dma_start3A = arith.constant 0 : i32
        %dma_start3A_85 = tpu.memref_slice %arg19[%add3A_64, %dma_start3A] : memref<20480x64xf32, #tpu.memory_space<vmem_shared>> -> memref<160x64xf32, #tpu.memory_space<vmem_shared>>
        %dma_start3A_86 = arith.constant 0 : i32
        %dma_start3A_87 = tpu.memref_slice %arg19[%add3A_64, %dma_start3A_86] : memref<20480x64xf32, #tpu.memory_space<vmem_shared>> -> memref<160x64xf32, #tpu.memory_space<vmem_shared>>
        tpu.enqueue_dma source(%dma_start3A_87 : memref<160x64xf32, #tpu.memory_space<vmem_shared>>) target(%arg17 : memref<160x64xf32, #tpu.memory_space<vmem>>) target_semaphore(%run_scoped3A : memref<!tpu.dma_semaphore, #tpu.memory_space<semaphore_mem>>)
        %dma_wait3A = arith.constant 0 : i32
        %dma_wait3A_88 = tpu.memref_slice %arg19[%add3A_64, %dma_wait3A] : memref<20480x64xf32, #tpu.memory_space<vmem_shared>> -> memref<160x64xf32, #tpu.memory_space<vmem_shared>>
        %dma_wait3A_89 = arith.constant 0 : i32
        %dma_wait3A_90 = tpu.memref_slice %arg19[%add3A_64, %dma_wait3A_89] : memref<20480x64xf32, #tpu.memory_space<vmem_shared>> -> memref<160x64xf32, #tpu.memory_space<vmem_shared>>
        tpu.wait_dma2 semaphore(%run_scoped3A : memref<!tpu.dma_semaphore, #tpu.memory_space<semaphore_mem>>) src(%dma_wait3A_90 : memref<160x64xf32, #tpu.memory_space<vmem_shared>>) dst(%arg17 : memref<160x64xf32, #tpu.memory_space<vmem>>)
        tpu.yield
      }) : () -> ()
      "tpu.region"() ({
        %run_scoped3A = tpu.sem_alloc : memref<!tpu.dma_semaphore, #tpu.memory_space<semaphore_mem>>
        %dma_start3A = arith.constant 0 : i32
        %dma_start3A_85 = tpu.memref_slice %arg10[%add3A_64, %dma_start3A] : memref<20480x64xf32, #tpu.memory_space<hbm>> -> memref<160x64xf32, #tpu.memory_space<hbm>>
        %dma_start3A_86 = arith.constant 0 : i32
        %dma_start3A_87 = tpu.memref_slice %arg10[%add3A_64, %dma_start3A_86] : memref<20480x64xf32, #tpu.memory_space<hbm>> -> memref<160x64xf32, #tpu.memory_space<hbm>>
        tpu.enqueue_dma source(%arg17 : memref<160x64xf32, #tpu.memory_space<vmem>>) target(%dma_start3A_87 : memref<160x64xf32, #tpu.memory_space<hbm>>) target_semaphore(%run_scoped3A : memref<!tpu.dma_semaphore, #tpu.memory_space<semaphore_mem>>)
        %dma_wait3A = arith.constant 0 : i32
        %dma_wait3A_88 = tpu.memref_slice %arg10[%add3A_64, %dma_wait3A] : memref<20480x64xf32, #tpu.memory_space<hbm>> -> memref<160x64xf32, #tpu.memory_space<hbm>>
        %dma_wait3A_89 = arith.constant 0 : i32
        %dma_wait3A_90 = tpu.memref_slice %arg10[%add3A_64, %dma_wait3A_89] : memref<20480x64xf32, #tpu.memory_space<hbm>> -> memref<160x64xf32, #tpu.memory_space<hbm>>
        tpu.wait_dma2 semaphore(%run_scoped3A : memref<!tpu.dma_semaphore, #tpu.memory_space<semaphore_mem>>) src(%arg17 : memref<160x64xf32, #tpu.memory_space<vmem>>) dst(%dma_wait3A_90 : memref<160x64xf32, #tpu.memory_space<hbm>>)
        tpu.yield
      }) : () -> ()
      %mul3A_65 = arith.constant 1280 : i32
      %mul3A_66 = arith.muli %arg1, %mul3A_65 : i32
      %add3A_67 = arith.constant 480 : i32
      %add3A_68 = arith.addi %mul3A_66, %add3A_67 : i32
      "tpu.region"() ({
        %run_scoped3A = tpu.sem_alloc : memref<!tpu.dma_semaphore, #tpu.memory_space<semaphore_mem>>
        %dma_start3A = arith.constant 0 : i32
        %dma_start3A_85 = tpu.memref_slice %arg19[%add3A_68, %dma_start3A] : memref<20480x64xf32, #tpu.memory_space<vmem_shared>> -> memref<160x64xf32, #tpu.memory_space<vmem_shared>>
        %dma_start3A_86 = arith.constant 0 : i32
        %dma_start3A_87 = tpu.memref_slice %arg19[%add3A_68, %dma_start3A_86] : memref<20480x64xf32, #tpu.memory_space<vmem_shared>> -> memref<160x64xf32, #tpu.memory_space<vmem_shared>>
        tpu.enqueue_dma source(%dma_start3A_87 : memref<160x64xf32, #tpu.memory_space<vmem_shared>>) target(%arg17 : memref<160x64xf32, #tpu.memory_space<vmem>>) target_semaphore(%run_scoped3A : memref<!tpu.dma_semaphore, #tpu.memory_space<semaphore_mem>>)
        %dma_wait3A = arith.constant 0 : i32
        %dma_wait3A_88 = tpu.memref_slice %arg19[%add3A_68, %dma_wait3A] : memref<20480x64xf32, #tpu.memory_space<vmem_shared>> -> memref<160x64xf32, #tpu.memory_space<vmem_shared>>
        %dma_wait3A_89 = arith.constant 0 : i32
        %dma_wait3A_90 = tpu.memref_slice %arg19[%add3A_68, %dma_wait3A_89] : memref<20480x64xf32, #tpu.memory_space<vmem_shared>> -> memref<160x64xf32, #tpu.memory_space<vmem_shared>>
        tpu.wait_dma2 semaphore(%run_scoped3A : memref<!tpu.dma_semaphore, #tpu.memory_space<semaphore_mem>>) src(%dma_wait3A_90 : memref<160x64xf32, #tpu.memory_space<vmem_shared>>) dst(%arg17 : memref<160x64xf32, #tpu.memory_space<vmem>>)
        tpu.yield
      }) : () -> ()
      "tpu.region"() ({
        %run_scoped3A = tpu.sem_alloc : memref<!tpu.dma_semaphore, #tpu.memory_space<semaphore_mem>>
        %dma_start3A = arith.constant 0 : i32
        %dma_start3A_85 = tpu.memref_slice %arg10[%add3A_68, %dma_start3A] : memref<20480x64xf32, #tpu.memory_space<hbm>> -> memref<160x64xf32, #tpu.memory_space<hbm>>
        %dma_start3A_86 = arith.constant 0 : i32
        %dma_start3A_87 = tpu.memref_slice %arg10[%add3A_68, %dma_start3A_86] : memref<20480x64xf32, #tpu.memory_space<hbm>> -> memref<160x64xf32, #tpu.memory_space<hbm>>
        tpu.enqueue_dma source(%arg17 : memref<160x64xf32, #tpu.memory_space<vmem>>) target(%dma_start3A_87 : memref<160x64xf32, #tpu.memory_space<hbm>>) target_semaphore(%run_scoped3A : memref<!tpu.dma_semaphore, #tpu.memory_space<semaphore_mem>>)
        %dma_wait3A = arith.constant 0 : i32
        %dma_wait3A_88 = tpu.memref_slice %arg10[%add3A_68, %dma_wait3A] : memref<20480x64xf32, #tpu.memory_space<hbm>> -> memref<160x64xf32, #tpu.memory_space<hbm>>
        %dma_wait3A_89 = arith.constant 0 : i32
        %dma_wait3A_90 = tpu.memref_slice %arg10[%add3A_68, %dma_wait3A_89] : memref<20480x64xf32, #tpu.memory_space<hbm>> -> memref<160x64xf32, #tpu.memory_space<hbm>>
        tpu.wait_dma2 semaphore(%run_scoped3A : memref<!tpu.dma_semaphore, #tpu.memory_space<semaphore_mem>>) src(%arg17 : memref<160x64xf32, #tpu.memory_space<vmem>>) dst(%dma_wait3A_90 : memref<160x64xf32, #tpu.memory_space<hbm>>)
        tpu.yield
      }) : () -> ()
      %mul3A_69 = arith.constant 1280 : i32
      %mul3A_70 = arith.muli %arg1, %mul3A_69 : i32
      %add3A_71 = arith.constant 640 : i32
      %add3A_72 = arith.addi %mul3A_70, %add3A_71 : i32
      "tpu.region"() ({
        %run_scoped3A = tpu.sem_alloc : memref<!tpu.dma_semaphore, #tpu.memory_space<semaphore_mem>>
        %dma_start3A = arith.constant 0 : i32
        %dma_start3A_85 = tpu.memref_slice %arg19[%add3A_72, %dma_start3A] : memref<20480x64xf32, #tpu.memory_space<vmem_shared>> -> memref<160x64xf32, #tpu.memory_space<vmem_shared>>
        %dma_start3A_86 = arith.constant 0 : i32
        %dma_start3A_87 = tpu.memref_slice %arg19[%add3A_72, %dma_start3A_86] : memref<20480x64xf32, #tpu.memory_space<vmem_shared>> -> memref<160x64xf32, #tpu.memory_space<vmem_shared>>
        tpu.enqueue_dma source(%dma_start3A_87 : memref<160x64xf32, #tpu.memory_space<vmem_shared>>) target(%arg17 : memref<160x64xf32, #tpu.memory_space<vmem>>) target_semaphore(%run_scoped3A : memref<!tpu.dma_semaphore, #tpu.memory_space<semaphore_mem>>)
        %dma_wait3A = arith.constant 0 : i32
        %dma_wait3A_88 = tpu.memref_slice %arg19[%add3A_72, %dma_wait3A] : memref<20480x64xf32, #tpu.memory_space<vmem_shared>> -> memref<160x64xf32, #tpu.memory_space<vmem_shared>>
        %dma_wait3A_89 = arith.constant 0 : i32
        %dma_wait3A_90 = tpu.memref_slice %arg19[%add3A_72, %dma_wait3A_89] : memref<20480x64xf32, #tpu.memory_space<vmem_shared>> -> memref<160x64xf32, #tpu.memory_space<vmem_shared>>
        tpu.wait_dma2 semaphore(%run_scoped3A : memref<!tpu.dma_semaphore, #tpu.memory_space<semaphore_mem>>) src(%dma_wait3A_90 : memref<160x64xf32, #tpu.memory_space<vmem_shared>>) dst(%arg17 : memref<160x64xf32, #tpu.memory_space<vmem>>)
        tpu.yield
      }) : () -> ()
      "tpu.region"() ({
        %run_scoped3A = tpu.sem_alloc : memref<!tpu.dma_semaphore, #tpu.memory_space<semaphore_mem>>
        %dma_start3A = arith.constant 0 : i32
        %dma_start3A_85 = tpu.memref_slice %arg10[%add3A_72, %dma_start3A] : memref<20480x64xf32, #tpu.memory_space<hbm>> -> memref<160x64xf32, #tpu.memory_space<hbm>>
        %dma_start3A_86 = arith.constant 0 : i32
        %dma_start3A_87 = tpu.memref_slice %arg10[%add3A_72, %dma_start3A_86] : memref<20480x64xf32, #tpu.memory_space<hbm>> -> memref<160x64xf32, #tpu.memory_space<hbm>>
        tpu.enqueue_dma source(%arg17 : memref<160x64xf32, #tpu.memory_space<vmem>>) target(%dma_start3A_87 : memref<160x64xf32, #tpu.memory_space<hbm>>) target_semaphore(%run_scoped3A : memref<!tpu.dma_semaphore, #tpu.memory_space<semaphore_mem>>)
        %dma_wait3A = arith.constant 0 : i32
        %dma_wait3A_88 = tpu.memref_slice %arg10[%add3A_72, %dma_wait3A] : memref<20480x64xf32, #tpu.memory_space<hbm>> -> memref<160x64xf32, #tpu.memory_space<hbm>>
        %dma_wait3A_89 = arith.constant 0 : i32
        %dma_wait3A_90 = tpu.memref_slice %arg10[%add3A_72, %dma_wait3A_89] : memref<20480x64xf32, #tpu.memory_space<hbm>> -> memref<160x64xf32, #tpu.memory_space<hbm>>
        tpu.wait_dma2 semaphore(%run_scoped3A : memref<!tpu.dma_semaphore, #tpu.memory_space<semaphore_mem>>) src(%arg17 : memref<160x64xf32, #tpu.memory_space<vmem>>) dst(%dma_wait3A_90 : memref<160x64xf32, #tpu.memory_space<hbm>>)
        tpu.yield
      }) : () -> ()
      %mul3A_73 = arith.constant 1280 : i32
      %mul3A_74 = arith.muli %arg1, %mul3A_73 : i32
      %add3A_75 = arith.constant 800 : i32
      %add3A_76 = arith.addi %mul3A_74, %add3A_75 : i32
      "tpu.region"() ({
        %run_scoped3A = tpu.sem_alloc : memref<!tpu.dma_semaphore, #tpu.memory_space<semaphore_mem>>
        %dma_start3A = arith.constant 0 : i32
        %dma_start3A_85 = tpu.memref_slice %arg19[%add3A_76, %dma_start3A] : memref<20480x64xf32, #tpu.memory_space<vmem_shared>> -> memref<160x64xf32, #tpu.memory_space<vmem_shared>>
        %dma_start3A_86 = arith.constant 0 : i32
        %dma_start3A_87 = tpu.memref_slice %arg19[%add3A_76, %dma_start3A_86] : memref<20480x64xf32, #tpu.memory_space<vmem_shared>> -> memref<160x64xf32, #tpu.memory_space<vmem_shared>>
        tpu.enqueue_dma source(%dma_start3A_87 : memref<160x64xf32, #tpu.memory_space<vmem_shared>>) target(%arg17 : memref<160x64xf32, #tpu.memory_space<vmem>>) target_semaphore(%run_scoped3A : memref<!tpu.dma_semaphore, #tpu.memory_space<semaphore_mem>>)
        %dma_wait3A = arith.constant 0 : i32
        %dma_wait3A_88 = tpu.memref_slice %arg19[%add3A_76, %dma_wait3A] : memref<20480x64xf32, #tpu.memory_space<vmem_shared>> -> memref<160x64xf32, #tpu.memory_space<vmem_shared>>
        %dma_wait3A_89 = arith.constant 0 : i32
        %dma_wait3A_90 = tpu.memref_slice %arg19[%add3A_76, %dma_wait3A_89] : memref<20480x64xf32, #tpu.memory_space<vmem_shared>> -> memref<160x64xf32, #tpu.memory_space<vmem_shared>>
        tpu.wait_dma2 semaphore(%run_scoped3A : memref<!tpu.dma_semaphore, #tpu.memory_space<semaphore_mem>>) src(%dma_wait3A_90 : memref<160x64xf32, #tpu.memory_space<vmem_shared>>) dst(%arg17 : memref<160x64xf32, #tpu.memory_space<vmem>>)
        tpu.yield
      }) : () -> ()
      "tpu.region"() ({
        %run_scoped3A = tpu.sem_alloc : memref<!tpu.dma_semaphore, #tpu.memory_space<semaphore_mem>>
        %dma_start3A = arith.constant 0 : i32
        %dma_start3A_85 = tpu.memref_slice %arg10[%add3A_76, %dma_start3A] : memref<20480x64xf32, #tpu.memory_space<hbm>> -> memref<160x64xf32, #tpu.memory_space<hbm>>
        %dma_start3A_86 = arith.constant 0 : i32
        %dma_start3A_87 = tpu.memref_slice %arg10[%add3A_76, %dma_start3A_86] : memref<20480x64xf32, #tpu.memory_space<hbm>> -> memref<160x64xf32, #tpu.memory_space<hbm>>
        tpu.enqueue_dma source(%arg17 : memref<160x64xf32, #tpu.memory_space<vmem>>) target(%dma_start3A_87 : memref<160x64xf32, #tpu.memory_space<hbm>>) target_semaphore(%run_scoped3A : memref<!tpu.dma_semaphore, #tpu.memory_space<semaphore_mem>>)
        %dma_wait3A = arith.constant 0 : i32
        %dma_wait3A_88 = tpu.memref_slice %arg10[%add3A_76, %dma_wait3A] : memref<20480x64xf32, #tpu.memory_space<hbm>> -> memref<160x64xf32, #tpu.memory_space<hbm>>
        %dma_wait3A_89 = arith.constant 0 : i32
        %dma_wait3A_90 = tpu.memref_slice %arg10[%add3A_76, %dma_wait3A_89] : memref<20480x64xf32, #tpu.memory_space<hbm>> -> memref<160x64xf32, #tpu.memory_space<hbm>>
        tpu.wait_dma2 semaphore(%run_scoped3A : memref<!tpu.dma_semaphore, #tpu.memory_space<semaphore_mem>>) src(%arg17 : memref<160x64xf32, #tpu.memory_space<vmem>>) dst(%dma_wait3A_90 : memref<160x64xf32, #tpu.memory_space<hbm>>)
        tpu.yield
      }) : () -> ()
      %mul3A_77 = arith.constant 1280 : i32
      %mul3A_78 = arith.muli %arg1, %mul3A_77 : i32
      %add3A_79 = arith.constant 960 : i32
      %add3A_80 = arith.addi %mul3A_78, %add3A_79 : i32
      "tpu.region"() ({
        %run_scoped3A = tpu.sem_alloc : memref<!tpu.dma_semaphore, #tpu.memory_space<semaphore_mem>>
        %dma_start3A = arith.constant 0 : i32
        %dma_start3A_85 = tpu.memref_slice %arg19[%add3A_80, %dma_start3A] : memref<20480x64xf32, #tpu.memory_space<vmem_shared>> -> memref<160x64xf32, #tpu.memory_space<vmem_shared>>
        %dma_start3A_86 = arith.constant 0 : i32
        %dma_start3A_87 = tpu.memref_slice %arg19[%add3A_80, %dma_start3A_86] : memref<20480x64xf32, #tpu.memory_space<vmem_shared>> -> memref<160x64xf32, #tpu.memory_space<vmem_shared>>
        tpu.enqueue_dma source(%dma_start3A_87 : memref<160x64xf32, #tpu.memory_space<vmem_shared>>) target(%arg17 : memref<160x64xf32, #tpu.memory_space<vmem>>) target_semaphore(%run_scoped3A : memref<!tpu.dma_semaphore, #tpu.memory_space<semaphore_mem>>)
        %dma_wait3A = arith.constant 0 : i32
        %dma_wait3A_88 = tpu.memref_slice %arg19[%add3A_80, %dma_wait3A] : memref<20480x64xf32, #tpu.memory_space<vmem_shared>> -> memref<160x64xf32, #tpu.memory_space<vmem_shared>>
        %dma_wait3A_89 = arith.constant 0 : i32
        %dma_wait3A_90 = tpu.memref_slice %arg19[%add3A_80, %dma_wait3A_89] : memref<20480x64xf32, #tpu.memory_space<vmem_shared>> -> memref<160x64xf32, #tpu.memory_space<vmem_shared>>
        tpu.wait_dma2 semaphore(%run_scoped3A : memref<!tpu.dma_semaphore, #tpu.memory_space<semaphore_mem>>) src(%dma_wait3A_90 : memref<160x64xf32, #tpu.memory_space<vmem_shared>>) dst(%arg17 : memref<160x64xf32, #tpu.memory_space<vmem>>)
        tpu.yield
      }) : () -> ()
      "tpu.region"() ({
        %run_scoped3A = tpu.sem_alloc : memref<!tpu.dma_semaphore, #tpu.memory_space<semaphore_mem>>
        %dma_start3A = arith.constant 0 : i32
        %dma_start3A_85 = tpu.memref_slice %arg10[%add3A_80, %dma_start3A] : memref<20480x64xf32, #tpu.memory_space<hbm>> -> memref<160x64xf32, #tpu.memory_space<hbm>>
        %dma_start3A_86 = arith.constant 0 : i32
        %dma_start3A_87 = tpu.memref_slice %arg10[%add3A_80, %dma_start3A_86] : memref<20480x64xf32, #tpu.memory_space<hbm>> -> memref<160x64xf32, #tpu.memory_space<hbm>>
        tpu.enqueue_dma source(%arg17 : memref<160x64xf32, #tpu.memory_space<vmem>>) target(%dma_start3A_87 : memref<160x64xf32, #tpu.memory_space<hbm>>) target_semaphore(%run_scoped3A : memref<!tpu.dma_semaphore, #tpu.memory_space<semaphore_mem>>)
        %dma_wait3A = arith.constant 0 : i32
        %dma_wait3A_88 = tpu.memref_slice %arg10[%add3A_80, %dma_wait3A] : memref<20480x64xf32, #tpu.memory_space<hbm>> -> memref<160x64xf32, #tpu.memory_space<hbm>>
        %dma_wait3A_89 = arith.constant 0 : i32
        %dma_wait3A_90 = tpu.memref_slice %arg10[%add3A_80, %dma_wait3A_89] : memref<20480x64xf32, #tpu.memory_space<hbm>> -> memref<160x64xf32, #tpu.memory_space<hbm>>
        tpu.wait_dma2 semaphore(%run_scoped3A : memref<!tpu.dma_semaphore, #tpu.memory_space<semaphore_mem>>) src(%arg17 : memref<160x64xf32, #tpu.memory_space<vmem>>) dst(%dma_wait3A_90 : memref<160x64xf32, #tpu.memory_space<hbm>>)
        tpu.yield
      }) : () -> ()
      %mul3A_81 = arith.constant 1280 : i32
      %mul3A_82 = arith.muli %arg1, %mul3A_81 : i32
      %add3A_83 = arith.constant 1120 : i32
      %add3A_84 = arith.addi %mul3A_82, %add3A_83 : i32
      "tpu.region"() ({
        %run_scoped3A = tpu.sem_alloc : memref<!tpu.dma_semaphore, #tpu.memory_space<semaphore_mem>>
        %dma_start3A = arith.constant 0 : i32
        %dma_start3A_85 = tpu.memref_slice %arg19[%add3A_84, %dma_start3A] : memref<20480x64xf32, #tpu.memory_space<vmem_shared>> -> memref<160x64xf32, #tpu.memory_space<vmem_shared>>
        %dma_start3A_86 = arith.constant 0 : i32
        %dma_start3A_87 = tpu.memref_slice %arg19[%add3A_84, %dma_start3A_86] : memref<20480x64xf32, #tpu.memory_space<vmem_shared>> -> memref<160x64xf32, #tpu.memory_space<vmem_shared>>
        tpu.enqueue_dma source(%dma_start3A_87 : memref<160x64xf32, #tpu.memory_space<vmem_shared>>) target(%arg17 : memref<160x64xf32, #tpu.memory_space<vmem>>) target_semaphore(%run_scoped3A : memref<!tpu.dma_semaphore, #tpu.memory_space<semaphore_mem>>)
        %dma_wait3A = arith.constant 0 : i32
        %dma_wait3A_88 = tpu.memref_slice %arg19[%add3A_84, %dma_wait3A] : memref<20480x64xf32, #tpu.memory_space<vmem_shared>> -> memref<160x64xf32, #tpu.memory_space<vmem_shared>>
        %dma_wait3A_89 = arith.constant 0 : i32
        %dma_wait3A_90 = tpu.memref_slice %arg19[%add3A_84, %dma_wait3A_89] : memref<20480x64xf32, #tpu.memory_space<vmem_shared>> -> memref<160x64xf32, #tpu.memory_space<vmem_shared>>
        tpu.wait_dma2 semaphore(%run_scoped3A : memref<!tpu.dma_semaphore, #tpu.memory_space<semaphore_mem>>) src(%dma_wait3A_90 : memref<160x64xf32, #tpu.memory_space<vmem_shared>>) dst(%arg17 : memref<160x64xf32, #tpu.memory_space<vmem>>)
        tpu.yield
      }) : () -> ()
      "tpu.region"() ({
        %run_scoped3A = tpu.sem_alloc : memref<!tpu.dma_semaphore, #tpu.memory_space<semaphore_mem>>
        %dma_start3A = arith.constant 0 : i32
        %dma_start3A_85 = tpu.memref_slice %arg10[%add3A_84, %dma_start3A] : memref<20480x64xf32, #tpu.memory_space<hbm>> -> memref<160x64xf32, #tpu.memory_space<hbm>>
        %dma_start3A_86 = arith.constant 0 : i32
        %dma_start3A_87 = tpu.memref_slice %arg10[%add3A_84, %dma_start3A_86] : memref<20480x64xf32, #tpu.memory_space<hbm>> -> memref<160x64xf32, #tpu.memory_space<hbm>>
        tpu.enqueue_dma source(%arg17 : memref<160x64xf32, #tpu.memory_space<vmem>>) target(%dma_start3A_87 : memref<160x64xf32, #tpu.memory_space<hbm>>) target_semaphore(%run_scoped3A : memref<!tpu.dma_semaphore, #tpu.memory_space<semaphore_mem>>)
        %dma_wait3A = arith.constant 0 : i32
        %dma_wait3A_88 = tpu.memref_slice %arg10[%add3A_84, %dma_wait3A] : memref<20480x64xf32, #tpu.memory_space<hbm>> -> memref<160x64xf32, #tpu.memory_space<hbm>>
        %dma_wait3A_89 = arith.constant 0 : i32
        %dma_wait3A_90 = tpu.memref_slice %arg10[%add3A_84, %dma_wait3A_89] : memref<20480x64xf32, #tpu.memory_space<hbm>> -> memref<160x64xf32, #tpu.memory_space<hbm>>
        tpu.wait_dma2 semaphore(%run_scoped3A : memref<!tpu.dma_semaphore, #tpu.memory_space<semaphore_mem>>) src(%arg17 : memref<160x64xf32, #tpu.memory_space<vmem>>) dst(%dma_wait3A_90 : memref<160x64xf32, #tpu.memory_space<hbm>>)
        tpu.yield
      }) : () -> ()
    } else {
    }
    return
  }
}

#map = affine_map<(d0, d1) -> (0, 0)>
#map1 = affine_map<(d0, d1) -> (0, 0, 0)>
module attributes {stable_mosaic.version = 14 : i64} {
  func.func @_sc2_body(%arg0: i32, %arg1: i32, %arg2: memref<20480x64xf32, #tpu.memory_space<hbm>>, %arg3: memref<20480x64xf32, #tpu.memory_space<hbm>>, %arg4: memref<16x250x80xi32, #tpu.memory_space<hbm>>, %arg5: memref<16x250x80xi32, #tpu.memory_space<hbm>>, %arg6: memref<160x64xf32, #tpu.memory_space<hbm>>, %arg7: memref<10240x64xf32, #tpu.memory_space<hbm>>, %arg8: memref<10240x64xf32, #tpu.memory_space<hbm>>, %arg9: memref<50x80xi32, #tpu.memory_space<vmem>>, %arg10: memref<50x80xi32, #tpu.memory_space<vmem>>, %arg11: memref<80x64xf32, #tpu.memory_space<vmem>>, %arg12: memref<80x64xf32, #tpu.memory_space<vmem>>, %arg13: memref<160x64xf32, #tpu.memory_space<vmem>>, %arg14: memref<10240x64xf32, #tpu.memory_space<vmem_shared>>, %arg15: memref<!tpu.dma_semaphore, #tpu.memory_space<semaphore_mem>>, %arg16: memref<!tpu.dma_semaphore, #tpu.memory_space<semaphore_mem>>) attributes {dimension_semantics = [#tpu.dimension_semantics<core_parallel>, #tpu.dimension_semantics<subcore_parallel>], iteration_bounds = array<i64: 2, 16>, scalar_prefetch = 0 : i64, scratch_operands = 8 : i64, tpu.core_type = #tpu.core_type<sc_vector_subcore>, window_params = [{transform_indices = #map}, {transform_indices = #map}, {transform_indices = #map1}, {transform_indices = #map1}, {transform_indices = #map}, {transform_indices = #map}, {transform_indices = #map}]} {
    "tpu.region"() ({
      %run_scoped3A = tpu.sem_alloc : memref<!tpu.dma_semaphore, #tpu.memory_space<semaphore_mem>>
      tpu.enqueue_dma source(%arg6 : memref<160x64xf32, #tpu.memory_space<hbm>>) target(%arg13 : memref<160x64xf32, #tpu.memory_space<vmem>>) target_semaphore(%run_scoped3A : memref<!tpu.dma_semaphore, #tpu.memory_space<semaphore_mem>>)
      tpu.wait_dma2 semaphore(%run_scoped3A : memref<!tpu.dma_semaphore, #tpu.memory_space<semaphore_mem>>) src(%arg6 : memref<160x64xf32, #tpu.memory_space<hbm>>) dst(%arg13 : memref<160x64xf32, #tpu.memory_space<vmem>>)
      tpu.yield
    }) : () -> ()
    %mul3A = arith.constant 640 : i32
    %mul3A_0 = arith.muli %arg1, %mul3A : i32
    %add3A = arith.constant 0 : i32
    %add3A_1 = arith.addi %mul3A_0, %add3A : i32
    "tpu.region"() ({
      %run_scoped3A = tpu.sem_alloc : memref<!tpu.dma_semaphore, #tpu.memory_space<semaphore_mem>>
      %dma_start3A = arith.constant 0 : i32
      %dma_start3A_78 = tpu.memref_slice %arg14[%add3A_1, %dma_start3A] : memref<10240x64xf32, #tpu.memory_space<vmem_shared>> -> memref<160x64xf32, #tpu.memory_space<vmem_shared>>
      %dma_start3A_79 = arith.constant 0 : i32
      %dma_start3A_80 = tpu.memref_slice %arg14[%add3A_1, %dma_start3A_79] : memref<10240x64xf32, #tpu.memory_space<vmem_shared>> -> memref<160x64xf32, #tpu.memory_space<vmem_shared>>
      tpu.enqueue_dma source(%arg13 : memref<160x64xf32, #tpu.memory_space<vmem>>) target(%dma_start3A_80 : memref<160x64xf32, #tpu.memory_space<vmem_shared>>) target_semaphore(%run_scoped3A : memref<!tpu.dma_semaphore, #tpu.memory_space<semaphore_mem>>)
      %dma_wait3A = arith.constant 0 : i32
      %dma_wait3A_81 = tpu.memref_slice %arg14[%add3A_1, %dma_wait3A] : memref<10240x64xf32, #tpu.memory_space<vmem_shared>> -> memref<160x64xf32, #tpu.memory_space<vmem_shared>>
      %dma_wait3A_82 = arith.constant 0 : i32
      %dma_wait3A_83 = tpu.memref_slice %arg14[%add3A_1, %dma_wait3A_82] : memref<10240x64xf32, #tpu.memory_space<vmem_shared>> -> memref<160x64xf32, #tpu.memory_space<vmem_shared>>
      tpu.wait_dma2 semaphore(%run_scoped3A : memref<!tpu.dma_semaphore, #tpu.memory_space<semaphore_mem>>) src(%arg13 : memref<160x64xf32, #tpu.memory_space<vmem>>) dst(%dma_wait3A_83 : memref<160x64xf32, #tpu.memory_space<vmem_shared>>)
      tpu.yield
    }) : () -> ()
    %mul3A_2 = arith.constant 640 : i32
    %mul3A_3 = arith.muli %arg1, %mul3A_2 : i32
    %add3A_4 = arith.constant 160 : i32
    %add3A_5 = arith.addi %mul3A_3, %add3A_4 : i32
    "tpu.region"() ({
      %run_scoped3A = tpu.sem_alloc : memref<!tpu.dma_semaphore, #tpu.memory_space<semaphore_mem>>
      %dma_start3A = arith.constant 0 : i32
      %dma_start3A_78 = tpu.memref_slice %arg14[%add3A_5, %dma_start3A] : memref<10240x64xf32, #tpu.memory_space<vmem_shared>> -> memref<160x64xf32, #tpu.memory_space<vmem_shared>>
      %dma_start3A_79 = arith.constant 0 : i32
      %dma_start3A_80 = tpu.memref_slice %arg14[%add3A_5, %dma_start3A_79] : memref<10240x64xf32, #tpu.memory_space<vmem_shared>> -> memref<160x64xf32, #tpu.memory_space<vmem_shared>>
      tpu.enqueue_dma source(%arg13 : memref<160x64xf32, #tpu.memory_space<vmem>>) target(%dma_start3A_80 : memref<160x64xf32, #tpu.memory_space<vmem_shared>>) target_semaphore(%run_scoped3A : memref<!tpu.dma_semaphore, #tpu.memory_space<semaphore_mem>>)
      %dma_wait3A = arith.constant 0 : i32
      %dma_wait3A_81 = tpu.memref_slice %arg14[%add3A_5, %dma_wait3A] : memref<10240x64xf32, #tpu.memory_space<vmem_shared>> -> memref<160x64xf32, #tpu.memory_space<vmem_shared>>
      %dma_wait3A_82 = arith.constant 0 : i32
      %dma_wait3A_83 = tpu.memref_slice %arg14[%add3A_5, %dma_wait3A_82] : memref<10240x64xf32, #tpu.memory_space<vmem_shared>> -> memref<160x64xf32, #tpu.memory_space<vmem_shared>>
      tpu.wait_dma2 semaphore(%run_scoped3A : memref<!tpu.dma_semaphore, #tpu.memory_space<semaphore_mem>>) src(%arg13 : memref<160x64xf32, #tpu.memory_space<vmem>>) dst(%dma_wait3A_83 : memref<160x64xf32, #tpu.memory_space<vmem_shared>>)
      tpu.yield
    }) : () -> ()
    %mul3A_6 = arith.constant 640 : i32
    %mul3A_7 = arith.muli %arg1, %mul3A_6 : i32
    %add3A_8 = arith.constant 320 : i32
    %add3A_9 = arith.addi %mul3A_7, %add3A_8 : i32
    "tpu.region"() ({
      %run_scoped3A = tpu.sem_alloc : memref<!tpu.dma_semaphore, #tpu.memory_space<semaphore_mem>>
      %dma_start3A = arith.constant 0 : i32
      %dma_start3A_78 = tpu.memref_slice %arg14[%add3A_9, %dma_start3A] : memref<10240x64xf32, #tpu.memory_space<vmem_shared>> -> memref<160x64xf32, #tpu.memory_space<vmem_shared>>
      %dma_start3A_79 = arith.constant 0 : i32
      %dma_start3A_80 = tpu.memref_slice %arg14[%add3A_9, %dma_start3A_79] : memref<10240x64xf32, #tpu.memory_space<vmem_shared>> -> memref<160x64xf32, #tpu.memory_space<vmem_shared>>
      tpu.enqueue_dma source(%arg13 : memref<160x64xf32, #tpu.memory_space<vmem>>) target(%dma_start3A_80 : memref<160x64xf32, #tpu.memory_space<vmem_shared>>) target_semaphore(%run_scoped3A : memref<!tpu.dma_semaphore, #tpu.memory_space<semaphore_mem>>)
      %dma_wait3A = arith.constant 0 : i32
      %dma_wait3A_81 = tpu.memref_slice %arg14[%add3A_9, %dma_wait3A] : memref<10240x64xf32, #tpu.memory_space<vmem_shared>> -> memref<160x64xf32, #tpu.memory_space<vmem_shared>>
      %dma_wait3A_82 = arith.constant 0 : i32
      %dma_wait3A_83 = tpu.memref_slice %arg14[%add3A_9, %dma_wait3A_82] : memref<10240x64xf32, #tpu.memory_space<vmem_shared>> -> memref<160x64xf32, #tpu.memory_space<vmem_shared>>
      tpu.wait_dma2 semaphore(%run_scoped3A : memref<!tpu.dma_semaphore, #tpu.memory_space<semaphore_mem>>) src(%arg13 : memref<160x64xf32, #tpu.memory_space<vmem>>) dst(%dma_wait3A_83 : memref<160x64xf32, #tpu.memory_space<vmem_shared>>)
      tpu.yield
    }) : () -> ()
    %mul3A_10 = arith.constant 640 : i32
    %mul3A_11 = arith.muli %arg1, %mul3A_10 : i32
    %add3A_12 = arith.constant 480 : i32
    %add3A_13 = arith.addi %mul3A_11, %add3A_12 : i32
    "tpu.region"() ({
      %run_scoped3A = tpu.sem_alloc : memref<!tpu.dma_semaphore, #tpu.memory_space<semaphore_mem>>
      %dma_start3A = arith.constant 0 : i32
      %dma_start3A_78 = tpu.memref_slice %arg14[%add3A_13, %dma_start3A] : memref<10240x64xf32, #tpu.memory_space<vmem_shared>> -> memref<160x64xf32, #tpu.memory_space<vmem_shared>>
      %dma_start3A_79 = arith.constant 0 : i32
      %dma_start3A_80 = tpu.memref_slice %arg14[%add3A_13, %dma_start3A_79] : memref<10240x64xf32, #tpu.memory_space<vmem_shared>> -> memref<160x64xf32, #tpu.memory_space<vmem_shared>>
      tpu.enqueue_dma source(%arg13 : memref<160x64xf32, #tpu.memory_space<vmem>>) target(%dma_start3A_80 : memref<160x64xf32, #tpu.memory_space<vmem_shared>>) target_semaphore(%run_scoped3A : memref<!tpu.dma_semaphore, #tpu.memory_space<semaphore_mem>>)
      %dma_wait3A = arith.constant 0 : i32
      %dma_wait3A_81 = tpu.memref_slice %arg14[%add3A_13, %dma_wait3A] : memref<10240x64xf32, #tpu.memory_space<vmem_shared>> -> memref<160x64xf32, #tpu.memory_space<vmem_shared>>
      %dma_wait3A_82 = arith.constant 0 : i32
      %dma_wait3A_83 = tpu.memref_slice %arg14[%add3A_13, %dma_wait3A_82] : memref<10240x64xf32, #tpu.memory_space<vmem_shared>> -> memref<160x64xf32, #tpu.memory_space<vmem_shared>>
      tpu.wait_dma2 semaphore(%run_scoped3A : memref<!tpu.dma_semaphore, #tpu.memory_space<semaphore_mem>>) src(%arg13 : memref<160x64xf32, #tpu.memory_space<vmem>>) dst(%dma_wait3A_83 : memref<160x64xf32, #tpu.memory_space<vmem_shared>>)
      tpu.yield
    }) : () -> ()
    %barrier3A = arith.constant 0 : index
    tpu.barrier barrier_id(%barrier3A)
    %eq3A = arith.constant 0 : i32
    %eq3A_14 = arith.cmpi eq, %arg0, %eq3A : i32
    %convert_element_type3A = arith.extui %eq3A_14 : i1 to i32
    %cond3A = arith.constant 0 : i32
    %cond3A_15 = arith.cmpi ne, %convert_element_type3A, %cond3A : i32
    scf.if %cond3A_15 {
      %scan3A = arith.constant 0 : i32
      %scan3A_78 = arith.constant 0 : i32
      %scan3A_79 = arith.constant 5 : i32
      %scan3A_80 = arith.addi %scan3A_78, %scan3A_79 : i32
      %scan3A_81 = arith.constant 1 : i32
      scf.for %scan3A_83 = %scan3A_78 to %scan3A_80 step %scan3A_81  : i32 {
        %mul3A_84 = arith.constant 50 : i32
        %mul3A_85 = arith.muli %scan3A_83, %mul3A_84 : i32
        "tpu.region"() ({
          %run_scoped3A = tpu.sem_alloc : memref<!tpu.dma_semaphore, #tpu.memory_space<semaphore_mem>>
          %dma_start3A = arith.constant 0 : i32
          %dma_start3A_94 = tpu.memref_slice %arg4[%arg1, %mul3A_85, %dma_start3A] : memref<16x250x80xi32, #tpu.memory_space<hbm>> -> memref<1x50x80xi32, #tpu.memory_space<hbm>>
          %dma_start3A_95 = tpu.memref_squeeze %dma_start3A_94 : memref<1x50x80xi32, #tpu.memory_space<hbm>> -> memref<50x80xi32, #tpu.memory_space<hbm>>
          %dma_start3A_96 = arith.constant 0 : i32
          %dma_start3A_97 = tpu.memref_slice %arg4[%arg1, %mul3A_85, %dma_start3A_96] : memref<16x250x80xi32, #tpu.memory_space<hbm>> -> memref<1x50x80xi32, #tpu.memory_space<hbm>>
          %dma_start3A_98 = tpu.memref_squeeze %dma_start3A_97 : memref<1x50x80xi32, #tpu.memory_space<hbm>> -> memref<50x80xi32, #tpu.memory_space<hbm>>
          tpu.enqueue_dma source(%dma_start3A_98 : memref<50x80xi32, #tpu.memory_space<hbm>>) target(%arg9 : memref<50x80xi32, #tpu.memory_space<vmem>>) target_semaphore(%run_scoped3A : memref<!tpu.dma_semaphore, #tpu.memory_space<semaphore_mem>>)
          %dma_wait3A = arith.constant 0 : i32
          %dma_wait3A_99 = tpu.memref_slice %arg4[%arg1, %mul3A_85, %dma_wait3A] : memref<16x250x80xi32, #tpu.memory_space<hbm>> -> memref<1x50x80xi32, #tpu.memory_space<hbm>>
          %dma_wait3A_100 = tpu.memref_squeeze %dma_wait3A_99 : memref<1x50x80xi32, #tpu.memory_space<hbm>> -> memref<50x80xi32, #tpu.memory_space<hbm>>
          %dma_wait3A_101 = arith.constant 0 : i32
          %dma_wait3A_102 = tpu.memref_slice %arg4[%arg1, %mul3A_85, %dma_wait3A_101] : memref<16x250x80xi32, #tpu.memory_space<hbm>> -> memref<1x50x80xi32, #tpu.memory_space<hbm>>
          %dma_wait3A_103 = tpu.memref_squeeze %dma_wait3A_102 : memref<1x50x80xi32, #tpu.memory_space<hbm>> -> memref<50x80xi32, #tpu.memory_space<hbm>>
          tpu.wait_dma2 semaphore(%run_scoped3A : memref<!tpu.dma_semaphore, #tpu.memory_space<semaphore_mem>>) src(%dma_wait3A_103 : memref<50x80xi32, #tpu.memory_space<hbm>>) dst(%arg9 : memref<50x80xi32, #tpu.memory_space<vmem>>)
          tpu.yield
        }) : () -> ()
        %mul3A_86 = arith.constant 50 : i32
        %mul3A_87 = arith.muli %scan3A_83, %mul3A_86 : i32
        "tpu.region"() ({
          %run_scoped3A = tpu.sem_alloc : memref<!tpu.dma_semaphore, #tpu.memory_space<semaphore_mem>>
          %dma_start3A = arith.constant 0 : i32
          %dma_start3A_94 = tpu.memref_slice %arg5[%arg1, %mul3A_87, %dma_start3A] : memref<16x250x80xi32, #tpu.memory_space<hbm>> -> memref<1x50x80xi32, #tpu.memory_space<hbm>>
          %dma_start3A_95 = tpu.memref_squeeze %dma_start3A_94 : memref<1x50x80xi32, #tpu.memory_space<hbm>> -> memref<50x80xi32, #tpu.memory_space<hbm>>
          %dma_start3A_96 = arith.constant 0 : i32
          %dma_start3A_97 = tpu.memref_slice %arg5[%arg1, %mul3A_87, %dma_start3A_96] : memref<16x250x80xi32, #tpu.memory_space<hbm>> -> memref<1x50x80xi32, #tpu.memory_space<hbm>>
          %dma_start3A_98 = tpu.memref_squeeze %dma_start3A_97 : memref<1x50x80xi32, #tpu.memory_space<hbm>> -> memref<50x80xi32, #tpu.memory_space<hbm>>
          tpu.enqueue_dma source(%dma_start3A_98 : memref<50x80xi32, #tpu.memory_space<hbm>>) target(%arg10 : memref<50x80xi32, #tpu.memory_space<vmem>>) target_semaphore(%run_scoped3A : memref<!tpu.dma_semaphore, #tpu.memory_space<semaphore_mem>>)
          %dma_wait3A = arith.constant 0 : i32
          %dma_wait3A_99 = tpu.memref_slice %arg5[%arg1, %mul3A_87, %dma_wait3A] : memref<16x250x80xi32, #tpu.memory_space<hbm>> -> memref<1x50x80xi32, #tpu.memory_space<hbm>>
          %dma_wait3A_100 = tpu.memref_squeeze %dma_wait3A_99 : memref<1x50x80xi32, #tpu.memory_space<hbm>> -> memref<50x80xi32, #tpu.memory_space<hbm>>
          %dma_wait3A_101 = arith.constant 0 : i32
          %dma_wait3A_102 = tpu.memref_slice %arg5[%arg1, %mul3A_87, %dma_wait3A_101] : memref<16x250x80xi32, #tpu.memory_space<hbm>> -> memref<1x50x80xi32, #tpu.memory_space<hbm>>
          %dma_wait3A_103 = tpu.memref_squeeze %dma_wait3A_102 : memref<1x50x80xi32, #tpu.memory_space<hbm>> -> memref<50x80xi32, #tpu.memory_space<hbm>>
          tpu.wait_dma2 semaphore(%run_scoped3A : memref<!tpu.dma_semaphore, #tpu.memory_space<semaphore_mem>>) src(%dma_wait3A_103 : memref<50x80xi32, #tpu.memory_space<hbm>>) dst(%arg10 : memref<50x80xi32, #tpu.memory_space<vmem>>)
          tpu.yield
        }) : () -> ()
        %scan3A_88 = arith.constant 0 : i32
        %scan3A_89 = arith.constant 0 : i32
        %scan3A_90 = arith.constant 25 : i32
        %scan3A_91 = arith.addi %scan3A_89, %scan3A_90 : i32
        %scan3A_92 = arith.constant 1 : i32
        scf.for %scan3A_94 = %scan3A_89 to %scan3A_91 step %scan3A_92  : i32 {
          %mul3A_95 = arith.constant 2 : i32
          %mul3A_96 = arith.muli %mul3A_95, %scan3A_94 : i32
          %add3A_97 = arith.constant 1 : i32
          %add3A_98 = arith.addi %mul3A_96, %add3A_97 : i32
          %dma_start3A = arith.constant 0 : i32
          %dma_start3A_99 = tpu.memref_slice %arg10[%mul3A_96, %dma_start3A] : memref<50x80xi32, #tpu.memory_space<vmem>> -> memref<1x80xi32, #tpu.memory_space<vmem>>
          %dma_start3A_100 = tpu.memref_squeeze %dma_start3A_99 : memref<1x80xi32, #tpu.memory_space<vmem>> -> memref<80xi32, #tpu.memory_space<vmem>>
          %dma_start3A_101 = arith.constant 0 : i32
          %dma_start3A_102 = arith.constant 0 : i32
          %dma_start3A_103 = tpu.memref_slice %arg2[%dma_start3A_101, %dma_start3A_102] : memref<20480x64xf32, #tpu.memory_space<hbm>> -> memref<20480x64xf32, #tpu.memory_space<hbm>>
          tpu.enqueue_indirect_dma source(%dma_start3A_103 : memref<20480x64xf32, #tpu.memory_space<hbm>>) target(%arg11 : memref<80x64xf32, #tpu.memory_space<vmem>>) offsets(%dma_start3A_100 : memref<80xi32, #tpu.memory_space<vmem>>) semaphore(%arg15 : memref<!tpu.dma_semaphore, #tpu.memory_space<semaphore_mem>>)
          %dma_start3A_104 = arith.constant 0 : i32
          %dma_start3A_105 = tpu.memref_slice %arg10[%add3A_98, %dma_start3A_104] : memref<50x80xi32, #tpu.memory_space<vmem>> -> memref<1x80xi32, #tpu.memory_space<vmem>>
          %dma_start3A_106 = tpu.memref_squeeze %dma_start3A_105 : memref<1x80xi32, #tpu.memory_space<vmem>> -> memref<80xi32, #tpu.memory_space<vmem>>
          %dma_start3A_107 = arith.constant 0 : i32
          %dma_start3A_108 = arith.constant 0 : i32
          %dma_start3A_109 = tpu.memref_slice %arg2[%dma_start3A_107, %dma_start3A_108] : memref<20480x64xf32, #tpu.memory_space<hbm>> -> memref<20480x64xf32, #tpu.memory_space<hbm>>
          tpu.enqueue_indirect_dma source(%dma_start3A_109 : memref<20480x64xf32, #tpu.memory_space<hbm>>) target(%arg12 : memref<80x64xf32, #tpu.memory_space<vmem>>) offsets(%dma_start3A_106 : memref<80xi32, #tpu.memory_space<vmem>>) semaphore(%arg16 : memref<!tpu.dma_semaphore, #tpu.memory_space<semaphore_mem>>)
          %dma_wait3A = arith.constant 0 : i32
          %dma_wait3A_110 = tpu.memref_slice %arg10[%mul3A_96, %dma_wait3A] : memref<50x80xi32, #tpu.memory_space<vmem>> -> memref<1x80xi32, #tpu.memory_space<vmem>>
          %dma_wait3A_111 = tpu.memref_squeeze %dma_wait3A_110 : memref<1x80xi32, #tpu.memory_space<vmem>> -> memref<80xi32, #tpu.memory_space<vmem>>
          %dma_wait3A_112 = arith.constant 0 : i32
          %dma_wait3A_113 = arith.constant 0 : i32
          %dma_wait3A_114 = tpu.memref_slice %arg2[%dma_wait3A_112, %dma_wait3A_113] : memref<20480x64xf32, #tpu.memory_space<hbm>> -> memref<20480x64xf32, #tpu.memory_space<hbm>>
          tpu.wait_indirect_dma semaphore(%arg15 : memref<!tpu.dma_semaphore, #tpu.memory_space<semaphore_mem>>) src(%dma_wait3A_114 : memref<20480x64xf32, #tpu.memory_space<hbm>>) dst(%arg11 : memref<80x64xf32, #tpu.memory_space<vmem>>)
          "tpu.region"() ({
            %run_scoped3A = tpu.sem_alloc : memref<!tpu.dma_semaphore, #tpu.memory_space<semaphore_mem>>
            %dma_start3A_121 = arith.constant 0 : i32
            %dma_start3A_122 = tpu.memref_slice %arg9[%mul3A_96, %dma_start3A_121] : memref<50x80xi32, #tpu.memory_space<vmem>> -> memref<1x80xi32, #tpu.memory_space<vmem>>
            %dma_start3A_123 = tpu.memref_squeeze %dma_start3A_122 : memref<1x80xi32, #tpu.memory_space<vmem>> -> memref<80xi32, #tpu.memory_space<vmem>>
            %dma_start3A_124 = arith.constant 0 : i32
            %dma_start3A_125 = arith.constant 0 : i32
            %dma_start3A_126 = tpu.memref_slice %arg14[%dma_start3A_124, %dma_start3A_125] : memref<10240x64xf32, #tpu.memory_space<vmem_shared>> -> memref<10240x64xf32, #tpu.memory_space<vmem_shared>>
            tpu.enqueue_indirect_dma source(%arg11 : memref<80x64xf32, #tpu.memory_space<vmem>>) target(%dma_start3A_126 : memref<10240x64xf32, #tpu.memory_space<vmem_shared>>) offsets(%dma_start3A_123 : memref<80xi32, #tpu.memory_space<vmem>>) semaphore(%run_scoped3A : memref<!tpu.dma_semaphore, #tpu.memory_space<semaphore_mem>>) {add = true}
            %dma_wait3A_127 = arith.constant 0 : i32
            %dma_wait3A_128 = tpu.memref_slice %arg9[%mul3A_96, %dma_wait3A_127] : memref<50x80xi32, #tpu.memory_space<vmem>> -> memref<1x80xi32, #tpu.memory_space<vmem>>
            %dma_wait3A_129 = tpu.memref_squeeze %dma_wait3A_128 : memref<1x80xi32, #tpu.memory_space<vmem>> -> memref<80xi32, #tpu.memory_space<vmem>>
            %dma_wait3A_130 = arith.constant 0 : i32
            %dma_wait3A_131 = arith.constant 0 : i32
            %dma_wait3A_132 = tpu.memref_slice %arg14[%dma_wait3A_130, %dma_wait3A_131] : memref<10240x64xf32, #tpu.memory_space<vmem_shared>> -> memref<10240x64xf32, #tpu.memory_space<vmem_shared>>
            tpu.wait_indirect_dma semaphore(%run_scoped3A : memref<!tpu.dma_semaphore, #tpu.memory_space<semaphore_mem>>) src(%arg11 : memref<80x64xf32, #tpu.memory_space<vmem>>) dst(%dma_wait3A_132 : memref<10240x64xf32, #tpu.memory_space<vmem_shared>>)
            tpu.yield
          }) : () -> ()
          %dma_wait3A_115 = arith.constant 0 : i32
          %dma_wait3A_116 = tpu.memref_slice %arg10[%add3A_98, %dma_wait3A_115] : memref<50x80xi32, #tpu.memory_space<vmem>> -> memref<1x80xi32, #tpu.memory_space<vmem>>
          %dma_wait3A_117 = tpu.memref_squeeze %dma_wait3A_116 : memref<1x80xi32, #tpu.memory_space<vmem>> -> memref<80xi32, #tpu.memory_space<vmem>>
          %dma_wait3A_118 = arith.constant 0 : i32
          %dma_wait3A_119 = arith.constant 0 : i32
          %dma_wait3A_120 = tpu.memref_slice %arg2[%dma_wait3A_118, %dma_wait3A_119] : memref<20480x64xf32, #tpu.memory_space<hbm>> -> memref<20480x64xf32, #tpu.memory_space<hbm>>
          tpu.wait_indirect_dma semaphore(%arg16 : memref<!tpu.dma_semaphore, #tpu.memory_space<semaphore_mem>>) src(%dma_wait3A_120 : memref<20480x64xf32, #tpu.memory_space<hbm>>) dst(%arg12 : memref<80x64xf32, #tpu.memory_space<vmem>>)
          "tpu.region"() ({
            %run_scoped3A = tpu.sem_alloc : memref<!tpu.dma_semaphore, #tpu.memory_space<semaphore_mem>>
            %dma_start3A_121 = arith.constant 0 : i32
            %dma_start3A_122 = tpu.memref_slice %arg9[%add3A_98, %dma_start3A_121] : memref<50x80xi32, #tpu.memory_space<vmem>> -> memref<1x80xi32, #tpu.memory_space<vmem>>
            %dma_start3A_123 = tpu.memref_squeeze %dma_start3A_122 : memref<1x80xi32, #tpu.memory_space<vmem>> -> memref<80xi32, #tpu.memory_space<vmem>>
            %dma_start3A_124 = arith.constant 0 : i32
            %dma_start3A_125 = arith.constant 0 : i32
            %dma_start3A_126 = tpu.memref_slice %arg14[%dma_start3A_124, %dma_start3A_125] : memref<10240x64xf32, #tpu.memory_space<vmem_shared>> -> memref<10240x64xf32, #tpu.memory_space<vmem_shared>>
            tpu.enqueue_indirect_dma source(%arg12 : memref<80x64xf32, #tpu.memory_space<vmem>>) target(%dma_start3A_126 : memref<10240x64xf32, #tpu.memory_space<vmem_shared>>) offsets(%dma_start3A_123 : memref<80xi32, #tpu.memory_space<vmem>>) semaphore(%run_scoped3A : memref<!tpu.dma_semaphore, #tpu.memory_space<semaphore_mem>>) {add = true}
            %dma_wait3A_127 = arith.constant 0 : i32
            %dma_wait3A_128 = tpu.memref_slice %arg9[%add3A_98, %dma_wait3A_127] : memref<50x80xi32, #tpu.memory_space<vmem>> -> memref<1x80xi32, #tpu.memory_space<vmem>>
            %dma_wait3A_129 = tpu.memref_squeeze %dma_wait3A_128 : memref<1x80xi32, #tpu.memory_space<vmem>> -> memref<80xi32, #tpu.memory_space<vmem>>
            %dma_wait3A_130 = arith.constant 0 : i32
            %dma_wait3A_131 = arith.constant 0 : i32
            %dma_wait3A_132 = tpu.memref_slice %arg14[%dma_wait3A_130, %dma_wait3A_131] : memref<10240x64xf32, #tpu.memory_space<vmem_shared>> -> memref<10240x64xf32, #tpu.memory_space<vmem_shared>>
            tpu.wait_indirect_dma semaphore(%run_scoped3A : memref<!tpu.dma_semaphore, #tpu.memory_space<semaphore_mem>>) src(%arg12 : memref<80x64xf32, #tpu.memory_space<vmem>>) dst(%dma_wait3A_132 : memref<10240x64xf32, #tpu.memory_space<vmem_shared>>)
            tpu.yield
          }) : () -> ()
        }
        %scan3A_93 = arith.constant 25 : i32
      }
      %scan3A_82 = arith.constant 5 : i32
    } else {
    }
    %eq3A_16 = arith.constant 1 : i32
    %eq3A_17 = arith.cmpi eq, %arg0, %eq3A_16 : i32
    %convert_element_type3A_18 = arith.extui %eq3A_17 : i1 to i32
    %cond3A_19 = arith.constant 0 : i32
    %cond3A_20 = arith.cmpi ne, %convert_element_type3A_18, %cond3A_19 : i32
    scf.if %cond3A_20 {
      %scan3A = arith.constant 0 : i32
      %scan3A_78 = arith.constant 0 : i32
      %scan3A_79 = arith.constant 5 : i32
      %scan3A_80 = arith.addi %scan3A_78, %scan3A_79 : i32
      %scan3A_81 = arith.constant 1 : i32
      scf.for %scan3A_83 = %scan3A_78 to %scan3A_80 step %scan3A_81  : i32 {
        %mul3A_84 = arith.constant 50 : i32
        %mul3A_85 = arith.muli %scan3A_83, %mul3A_84 : i32
        "tpu.region"() ({
          %run_scoped3A = tpu.sem_alloc : memref<!tpu.dma_semaphore, #tpu.memory_space<semaphore_mem>>
          %dma_start3A = arith.constant 0 : i32
          %dma_start3A_94 = tpu.memref_slice %arg4[%arg1, %mul3A_85, %dma_start3A] : memref<16x250x80xi32, #tpu.memory_space<hbm>> -> memref<1x50x80xi32, #tpu.memory_space<hbm>>
          %dma_start3A_95 = tpu.memref_squeeze %dma_start3A_94 : memref<1x50x80xi32, #tpu.memory_space<hbm>> -> memref<50x80xi32, #tpu.memory_space<hbm>>
          %dma_start3A_96 = arith.constant 0 : i32
          %dma_start3A_97 = tpu.memref_slice %arg4[%arg1, %mul3A_85, %dma_start3A_96] : memref<16x250x80xi32, #tpu.memory_space<hbm>> -> memref<1x50x80xi32, #tpu.memory_space<hbm>>
          %dma_start3A_98 = tpu.memref_squeeze %dma_start3A_97 : memref<1x50x80xi32, #tpu.memory_space<hbm>> -> memref<50x80xi32, #tpu.memory_space<hbm>>
          tpu.enqueue_dma source(%dma_start3A_98 : memref<50x80xi32, #tpu.memory_space<hbm>>) target(%arg9 : memref<50x80xi32, #tpu.memory_space<vmem>>) target_semaphore(%run_scoped3A : memref<!tpu.dma_semaphore, #tpu.memory_space<semaphore_mem>>)
          %dma_wait3A = arith.constant 0 : i32
          %dma_wait3A_99 = tpu.memref_slice %arg4[%arg1, %mul3A_85, %dma_wait3A] : memref<16x250x80xi32, #tpu.memory_space<hbm>> -> memref<1x50x80xi32, #tpu.memory_space<hbm>>
          %dma_wait3A_100 = tpu.memref_squeeze %dma_wait3A_99 : memref<1x50x80xi32, #tpu.memory_space<hbm>> -> memref<50x80xi32, #tpu.memory_space<hbm>>
          %dma_wait3A_101 = arith.constant 0 : i32
          %dma_wait3A_102 = tpu.memref_slice %arg4[%arg1, %mul3A_85, %dma_wait3A_101] : memref<16x250x80xi32, #tpu.memory_space<hbm>> -> memref<1x50x80xi32, #tpu.memory_space<hbm>>
          %dma_wait3A_103 = tpu.memref_squeeze %dma_wait3A_102 : memref<1x50x80xi32, #tpu.memory_space<hbm>> -> memref<50x80xi32, #tpu.memory_space<hbm>>
          tpu.wait_dma2 semaphore(%run_scoped3A : memref<!tpu.dma_semaphore, #tpu.memory_space<semaphore_mem>>) src(%dma_wait3A_103 : memref<50x80xi32, #tpu.memory_space<hbm>>) dst(%arg9 : memref<50x80xi32, #tpu.memory_space<vmem>>)
          tpu.yield
        }) : () -> ()
        %mul3A_86 = arith.constant 50 : i32
        %mul3A_87 = arith.muli %scan3A_83, %mul3A_86 : i32
        "tpu.region"() ({
          %run_scoped3A = tpu.sem_alloc : memref<!tpu.dma_semaphore, #tpu.memory_space<semaphore_mem>>
          %dma_start3A = arith.constant 0 : i32
          %dma_start3A_94 = tpu.memref_slice %arg5[%arg1, %mul3A_87, %dma_start3A] : memref<16x250x80xi32, #tpu.memory_space<hbm>> -> memref<1x50x80xi32, #tpu.memory_space<hbm>>
          %dma_start3A_95 = tpu.memref_squeeze %dma_start3A_94 : memref<1x50x80xi32, #tpu.memory_space<hbm>> -> memref<50x80xi32, #tpu.memory_space<hbm>>
          %dma_start3A_96 = arith.constant 0 : i32
          %dma_start3A_97 = tpu.memref_slice %arg5[%arg1, %mul3A_87, %dma_start3A_96] : memref<16x250x80xi32, #tpu.memory_space<hbm>> -> memref<1x50x80xi32, #tpu.memory_space<hbm>>
          %dma_start3A_98 = tpu.memref_squeeze %dma_start3A_97 : memref<1x50x80xi32, #tpu.memory_space<hbm>> -> memref<50x80xi32, #tpu.memory_space<hbm>>
          tpu.enqueue_dma source(%dma_start3A_98 : memref<50x80xi32, #tpu.memory_space<hbm>>) target(%arg10 : memref<50x80xi32, #tpu.memory_space<vmem>>) target_semaphore(%run_scoped3A : memref<!tpu.dma_semaphore, #tpu.memory_space<semaphore_mem>>)
          %dma_wait3A = arith.constant 0 : i32
          %dma_wait3A_99 = tpu.memref_slice %arg5[%arg1, %mul3A_87, %dma_wait3A] : memref<16x250x80xi32, #tpu.memory_space<hbm>> -> memref<1x50x80xi32, #tpu.memory_space<hbm>>
          %dma_wait3A_100 = tpu.memref_squeeze %dma_wait3A_99 : memref<1x50x80xi32, #tpu.memory_space<hbm>> -> memref<50x80xi32, #tpu.memory_space<hbm>>
          %dma_wait3A_101 = arith.constant 0 : i32
          %dma_wait3A_102 = tpu.memref_slice %arg5[%arg1, %mul3A_87, %dma_wait3A_101] : memref<16x250x80xi32, #tpu.memory_space<hbm>> -> memref<1x50x80xi32, #tpu.memory_space<hbm>>
          %dma_wait3A_103 = tpu.memref_squeeze %dma_wait3A_102 : memref<1x50x80xi32, #tpu.memory_space<hbm>> -> memref<50x80xi32, #tpu.memory_space<hbm>>
          tpu.wait_dma2 semaphore(%run_scoped3A : memref<!tpu.dma_semaphore, #tpu.memory_space<semaphore_mem>>) src(%dma_wait3A_103 : memref<50x80xi32, #tpu.memory_space<hbm>>) dst(%arg10 : memref<50x80xi32, #tpu.memory_space<vmem>>)
          tpu.yield
        }) : () -> ()
        %scan3A_88 = arith.constant 0 : i32
        %scan3A_89 = arith.constant 0 : i32
        %scan3A_90 = arith.constant 25 : i32
        %scan3A_91 = arith.addi %scan3A_89, %scan3A_90 : i32
        %scan3A_92 = arith.constant 1 : i32
        scf.for %scan3A_94 = %scan3A_89 to %scan3A_91 step %scan3A_92  : i32 {
          %mul3A_95 = arith.constant 2 : i32
          %mul3A_96 = arith.muli %mul3A_95, %scan3A_94 : i32
          %add3A_97 = arith.constant 1 : i32
          %add3A_98 = arith.addi %mul3A_96, %add3A_97 : i32
          %dma_start3A = arith.constant 0 : i32
          %dma_start3A_99 = tpu.memref_slice %arg10[%mul3A_96, %dma_start3A] : memref<50x80xi32, #tpu.memory_space<vmem>> -> memref<1x80xi32, #tpu.memory_space<vmem>>
          %dma_start3A_100 = tpu.memref_squeeze %dma_start3A_99 : memref<1x80xi32, #tpu.memory_space<vmem>> -> memref<80xi32, #tpu.memory_space<vmem>>
          %dma_start3A_101 = arith.constant 0 : i32
          %dma_start3A_102 = arith.constant 0 : i32
          %dma_start3A_103 = tpu.memref_slice %arg3[%dma_start3A_101, %dma_start3A_102] : memref<20480x64xf32, #tpu.memory_space<hbm>> -> memref<20480x64xf32, #tpu.memory_space<hbm>>
          tpu.enqueue_indirect_dma source(%dma_start3A_103 : memref<20480x64xf32, #tpu.memory_space<hbm>>) target(%arg11 : memref<80x64xf32, #tpu.memory_space<vmem>>) offsets(%dma_start3A_100 : memref<80xi32, #tpu.memory_space<vmem>>) semaphore(%arg15 : memref<!tpu.dma_semaphore, #tpu.memory_space<semaphore_mem>>)
          %dma_start3A_104 = arith.constant 0 : i32
          %dma_start3A_105 = tpu.memref_slice %arg10[%add3A_98, %dma_start3A_104] : memref<50x80xi32, #tpu.memory_space<vmem>> -> memref<1x80xi32, #tpu.memory_space<vmem>>
          %dma_start3A_106 = tpu.memref_squeeze %dma_start3A_105 : memref<1x80xi32, #tpu.memory_space<vmem>> -> memref<80xi32, #tpu.memory_space<vmem>>
          %dma_start3A_107 = arith.constant 0 : i32
          %dma_start3A_108 = arith.constant 0 : i32
          %dma_start3A_109 = tpu.memref_slice %arg3[%dma_start3A_107, %dma_start3A_108] : memref<20480x64xf32, #tpu.memory_space<hbm>> -> memref<20480x64xf32, #tpu.memory_space<hbm>>
          tpu.enqueue_indirect_dma source(%dma_start3A_109 : memref<20480x64xf32, #tpu.memory_space<hbm>>) target(%arg12 : memref<80x64xf32, #tpu.memory_space<vmem>>) offsets(%dma_start3A_106 : memref<80xi32, #tpu.memory_space<vmem>>) semaphore(%arg16 : memref<!tpu.dma_semaphore, #tpu.memory_space<semaphore_mem>>)
          %dma_wait3A = arith.constant 0 : i32
          %dma_wait3A_110 = tpu.memref_slice %arg10[%mul3A_96, %dma_wait3A] : memref<50x80xi32, #tpu.memory_space<vmem>> -> memref<1x80xi32, #tpu.memory_space<vmem>>
          %dma_wait3A_111 = tpu.memref_squeeze %dma_wait3A_110 : memref<1x80xi32, #tpu.memory_space<vmem>> -> memref<80xi32, #tpu.memory_space<vmem>>
          %dma_wait3A_112 = arith.constant 0 : i32
          %dma_wait3A_113 = arith.constant 0 : i32
          %dma_wait3A_114 = tpu.memref_slice %arg3[%dma_wait3A_112, %dma_wait3A_113] : memref<20480x64xf32, #tpu.memory_space<hbm>> -> memref<20480x64xf32, #tpu.memory_space<hbm>>
          tpu.wait_indirect_dma semaphore(%arg15 : memref<!tpu.dma_semaphore, #tpu.memory_space<semaphore_mem>>) src(%dma_wait3A_114 : memref<20480x64xf32, #tpu.memory_space<hbm>>) dst(%arg11 : memref<80x64xf32, #tpu.memory_space<vmem>>)
          "tpu.region"() ({
            %run_scoped3A = tpu.sem_alloc : memref<!tpu.dma_semaphore, #tpu.memory_space<semaphore_mem>>
            %dma_start3A_121 = arith.constant 0 : i32
            %dma_start3A_122 = tpu.memref_slice %arg9[%mul3A_96, %dma_start3A_121] : memref<50x80xi32, #tpu.memory_space<vmem>> -> memref<1x80xi32, #tpu.memory_space<vmem>>
            %dma_start3A_123 = tpu.memref_squeeze %dma_start3A_122 : memref<1x80xi32, #tpu.memory_space<vmem>> -> memref<80xi32, #tpu.memory_space<vmem>>
            %dma_start3A_124 = arith.constant 0 : i32
            %dma_start3A_125 = arith.constant 0 : i32
            %dma_start3A_126 = tpu.memref_slice %arg14[%dma_start3A_124, %dma_start3A_125] : memref<10240x64xf32, #tpu.memory_space<vmem_shared>> -> memref<10240x64xf32, #tpu.memory_space<vmem_shared>>
            tpu.enqueue_indirect_dma source(%arg11 : memref<80x64xf32, #tpu.memory_space<vmem>>) target(%dma_start3A_126 : memref<10240x64xf32, #tpu.memory_space<vmem_shared>>) offsets(%dma_start3A_123 : memref<80xi32, #tpu.memory_space<vmem>>) semaphore(%run_scoped3A : memref<!tpu.dma_semaphore, #tpu.memory_space<semaphore_mem>>) {add = true}
            %dma_wait3A_127 = arith.constant 0 : i32
            %dma_wait3A_128 = tpu.memref_slice %arg9[%mul3A_96, %dma_wait3A_127] : memref<50x80xi32, #tpu.memory_space<vmem>> -> memref<1x80xi32, #tpu.memory_space<vmem>>
            %dma_wait3A_129 = tpu.memref_squeeze %dma_wait3A_128 : memref<1x80xi32, #tpu.memory_space<vmem>> -> memref<80xi32, #tpu.memory_space<vmem>>
            %dma_wait3A_130 = arith.constant 0 : i32
            %dma_wait3A_131 = arith.constant 0 : i32
            %dma_wait3A_132 = tpu.memref_slice %arg14[%dma_wait3A_130, %dma_wait3A_131] : memref<10240x64xf32, #tpu.memory_space<vmem_shared>> -> memref<10240x64xf32, #tpu.memory_space<vmem_shared>>
            tpu.wait_indirect_dma semaphore(%run_scoped3A : memref<!tpu.dma_semaphore, #tpu.memory_space<semaphore_mem>>) src(%arg11 : memref<80x64xf32, #tpu.memory_space<vmem>>) dst(%dma_wait3A_132 : memref<10240x64xf32, #tpu.memory_space<vmem_shared>>)
            tpu.yield
          }) : () -> ()
          %dma_wait3A_115 = arith.constant 0 : i32
          %dma_wait3A_116 = tpu.memref_slice %arg10[%add3A_98, %dma_wait3A_115] : memref<50x80xi32, #tpu.memory_space<vmem>> -> memref<1x80xi32, #tpu.memory_space<vmem>>
          %dma_wait3A_117 = tpu.memref_squeeze %dma_wait3A_116 : memref<1x80xi32, #tpu.memory_space<vmem>> -> memref<80xi32, #tpu.memory_space<vmem>>
          %dma_wait3A_118 = arith.constant 0 : i32
          %dma_wait3A_119 = arith.constant 0 : i32
          %dma_wait3A_120 = tpu.memref_slice %arg3[%dma_wait3A_118, %dma_wait3A_119] : memref<20480x64xf32, #tpu.memory_space<hbm>> -> memref<20480x64xf32, #tpu.memory_space<hbm>>
          tpu.wait_indirect_dma semaphore(%arg16 : memref<!tpu.dma_semaphore, #tpu.memory_space<semaphore_mem>>) src(%dma_wait3A_120 : memref<20480x64xf32, #tpu.memory_space<hbm>>) dst(%arg12 : memref<80x64xf32, #tpu.memory_space<vmem>>)
          "tpu.region"() ({
            %run_scoped3A = tpu.sem_alloc : memref<!tpu.dma_semaphore, #tpu.memory_space<semaphore_mem>>
            %dma_start3A_121 = arith.constant 0 : i32
            %dma_start3A_122 = tpu.memref_slice %arg9[%add3A_98, %dma_start3A_121] : memref<50x80xi32, #tpu.memory_space<vmem>> -> memref<1x80xi32, #tpu.memory_space<vmem>>
            %dma_start3A_123 = tpu.memref_squeeze %dma_start3A_122 : memref<1x80xi32, #tpu.memory_space<vmem>> -> memref<80xi32, #tpu.memory_space<vmem>>
            %dma_start3A_124 = arith.constant 0 : i32
            %dma_start3A_125 = arith.constant 0 : i32
            %dma_start3A_126 = tpu.memref_slice %arg14[%dma_start3A_124, %dma_start3A_125] : memref<10240x64xf32, #tpu.memory_space<vmem_shared>> -> memref<10240x64xf32, #tpu.memory_space<vmem_shared>>
            tpu.enqueue_indirect_dma source(%arg12 : memref<80x64xf32, #tpu.memory_space<vmem>>) target(%dma_start3A_126 : memref<10240x64xf32, #tpu.memory_space<vmem_shared>>) offsets(%dma_start3A_123 : memref<80xi32, #tpu.memory_space<vmem>>) semaphore(%run_scoped3A : memref<!tpu.dma_semaphore, #tpu.memory_space<semaphore_mem>>) {add = true}
            %dma_wait3A_127 = arith.constant 0 : i32
            %dma_wait3A_128 = tpu.memref_slice %arg9[%add3A_98, %dma_wait3A_127] : memref<50x80xi32, #tpu.memory_space<vmem>> -> memref<1x80xi32, #tpu.memory_space<vmem>>
            %dma_wait3A_129 = tpu.memref_squeeze %dma_wait3A_128 : memref<1x80xi32, #tpu.memory_space<vmem>> -> memref<80xi32, #tpu.memory_space<vmem>>
            %dma_wait3A_130 = arith.constant 0 : i32
            %dma_wait3A_131 = arith.constant 0 : i32
            %dma_wait3A_132 = tpu.memref_slice %arg14[%dma_wait3A_130, %dma_wait3A_131] : memref<10240x64xf32, #tpu.memory_space<vmem_shared>> -> memref<10240x64xf32, #tpu.memory_space<vmem_shared>>
            tpu.wait_indirect_dma semaphore(%run_scoped3A : memref<!tpu.dma_semaphore, #tpu.memory_space<semaphore_mem>>) src(%arg12 : memref<80x64xf32, #tpu.memory_space<vmem>>) dst(%dma_wait3A_132 : memref<10240x64xf32, #tpu.memory_space<vmem_shared>>)
            tpu.yield
          }) : () -> ()
        }
        %scan3A_93 = arith.constant 25 : i32
      }
      %scan3A_82 = arith.constant 5 : i32
    } else {
    }
    %barrier3A_21 = arith.constant 0 : index
    tpu.barrier barrier_id(%barrier3A_21)
    %mul3A_22 = arith.constant 640 : i32
    %mul3A_23 = arith.muli %arg1, %mul3A_22 : i32
    %add3A_24 = arith.constant 0 : i32
    %add3A_25 = arith.addi %mul3A_23, %add3A_24 : i32
    "tpu.region"() ({
      %run_scoped3A = tpu.sem_alloc : memref<!tpu.dma_semaphore, #tpu.memory_space<semaphore_mem>>
      %dma_start3A = arith.constant 0 : i32
      %dma_start3A_78 = tpu.memref_slice %arg14[%add3A_25, %dma_start3A] : memref<10240x64xf32, #tpu.memory_space<vmem_shared>> -> memref<160x64xf32, #tpu.memory_space<vmem_shared>>
      %dma_start3A_79 = arith.constant 0 : i32
      %dma_start3A_80 = tpu.memref_slice %arg14[%add3A_25, %dma_start3A_79] : memref<10240x64xf32, #tpu.memory_space<vmem_shared>> -> memref<160x64xf32, #tpu.memory_space<vmem_shared>>
      tpu.enqueue_dma source(%dma_start3A_80 : memref<160x64xf32, #tpu.memory_space<vmem_shared>>) target(%arg13 : memref<160x64xf32, #tpu.memory_space<vmem>>) target_semaphore(%run_scoped3A : memref<!tpu.dma_semaphore, #tpu.memory_space<semaphore_mem>>)
      %dma_wait3A = arith.constant 0 : i32
      %dma_wait3A_81 = tpu.memref_slice %arg14[%add3A_25, %dma_wait3A] : memref<10240x64xf32, #tpu.memory_space<vmem_shared>> -> memref<160x64xf32, #tpu.memory_space<vmem_shared>>
      %dma_wait3A_82 = arith.constant 0 : i32
      %dma_wait3A_83 = tpu.memref_slice %arg14[%add3A_25, %dma_wait3A_82] : memref<10240x64xf32, #tpu.memory_space<vmem_shared>> -> memref<160x64xf32, #tpu.memory_space<vmem_shared>>
      tpu.wait_dma2 semaphore(%run_scoped3A : memref<!tpu.dma_semaphore, #tpu.memory_space<semaphore_mem>>) src(%dma_wait3A_83 : memref<160x64xf32, #tpu.memory_space<vmem_shared>>) dst(%arg13 : memref<160x64xf32, #tpu.memory_space<vmem>>)
      tpu.yield
    }) : () -> ()
    %eq3A_26 = arith.constant 0 : i32
    %eq3A_27 = arith.cmpi eq, %arg0, %eq3A_26 : i32
    %convert_element_type3A_28 = arith.extui %eq3A_27 : i1 to i32
    %cond3A_29 = arith.constant 0 : i32
    %cond3A_30 = arith.cmpi ne, %convert_element_type3A_28, %cond3A_29 : i32
    scf.if %cond3A_30 {
      "tpu.region"() ({
        %run_scoped3A = tpu.sem_alloc : memref<!tpu.dma_semaphore, #tpu.memory_space<semaphore_mem>>
        %dma_start3A = arith.constant 0 : i32
        %dma_start3A_78 = tpu.memref_slice %arg7[%add3A_25, %dma_start3A] : memref<10240x64xf32, #tpu.memory_space<hbm>> -> memref<160x64xf32, #tpu.memory_space<hbm>>
        %dma_start3A_79 = arith.constant 0 : i32
        %dma_start3A_80 = tpu.memref_slice %arg7[%add3A_25, %dma_start3A_79] : memref<10240x64xf32, #tpu.memory_space<hbm>> -> memref<160x64xf32, #tpu.memory_space<hbm>>
        tpu.enqueue_dma source(%arg13 : memref<160x64xf32, #tpu.memory_space<vmem>>) target(%dma_start3A_80 : memref<160x64xf32, #tpu.memory_space<hbm>>) target_semaphore(%run_scoped3A : memref<!tpu.dma_semaphore, #tpu.memory_space<semaphore_mem>>)
        %dma_wait3A = arith.constant 0 : i32
        %dma_wait3A_81 = tpu.memref_slice %arg7[%add3A_25, %dma_wait3A] : memref<10240x64xf32, #tpu.memory_space<hbm>> -> memref<160x64xf32, #tpu.memory_space<hbm>>
        %dma_wait3A_82 = arith.constant 0 : i32
        %dma_wait3A_83 = tpu.memref_slice %arg7[%add3A_25, %dma_wait3A_82] : memref<10240x64xf32, #tpu.memory_space<hbm>> -> memref<160x64xf32, #tpu.memory_space<hbm>>
        tpu.wait_dma2 semaphore(%run_scoped3A : memref<!tpu.dma_semaphore, #tpu.memory_space<semaphore_mem>>) src(%arg13 : memref<160x64xf32, #tpu.memory_space<vmem>>) dst(%dma_wait3A_83 : memref<160x64xf32, #tpu.memory_space<hbm>>)
        tpu.yield
      }) : () -> ()
    } else {
    }
    %eq3A_31 = arith.constant 1 : i32
    %eq3A_32 = arith.cmpi eq, %arg0, %eq3A_31 : i32
    %convert_element_type3A_33 = arith.extui %eq3A_32 : i1 to i32
    %cond3A_34 = arith.constant 0 : i32
    %cond3A_35 = arith.cmpi ne, %convert_element_type3A_33, %cond3A_34 : i32
    scf.if %cond3A_35 {
      "tpu.region"() ({
        %run_scoped3A = tpu.sem_alloc : memref<!tpu.dma_semaphore, #tpu.memory_space<semaphore_mem>>
        %dma_start3A = arith.constant 0 : i32
        %dma_start3A_78 = tpu.memref_slice %arg8[%add3A_25, %dma_start3A] : memref<10240x64xf32, #tpu.memory_space<hbm>> -> memref<160x64xf32, #tpu.memory_space<hbm>>
        %dma_start3A_79 = arith.constant 0 : i32
        %dma_start3A_80 = tpu.memref_slice %arg8[%add3A_25, %dma_start3A_79] : memref<10240x64xf32, #tpu.memory_space<hbm>> -> memref<160x64xf32, #tpu.memory_space<hbm>>
        tpu.enqueue_dma source(%arg13 : memref<160x64xf32, #tpu.memory_space<vmem>>) target(%dma_start3A_80 : memref<160x64xf32, #tpu.memory_space<hbm>>) target_semaphore(%run_scoped3A : memref<!tpu.dma_semaphore, #tpu.memory_space<semaphore_mem>>)
        %dma_wait3A = arith.constant 0 : i32
        %dma_wait3A_81 = tpu.memref_slice %arg8[%add3A_25, %dma_wait3A] : memref<10240x64xf32, #tpu.memory_space<hbm>> -> memref<160x64xf32, #tpu.memory_space<hbm>>
        %dma_wait3A_82 = arith.constant 0 : i32
        %dma_wait3A_83 = tpu.memref_slice %arg8[%add3A_25, %dma_wait3A_82] : memref<10240x64xf32, #tpu.memory_space<hbm>> -> memref<160x64xf32, #tpu.memory_space<hbm>>
        tpu.wait_dma2 semaphore(%run_scoped3A : memref<!tpu.dma_semaphore, #tpu.memory_space<semaphore_mem>>) src(%arg13 : memref<160x64xf32, #tpu.memory_space<vmem>>) dst(%dma_wait3A_83 : memref<160x64xf32, #tpu.memory_space<hbm>>)
        tpu.yield
      }) : () -> ()
    } else {
    }
    %mul3A_36 = arith.constant 640 : i32
    %mul3A_37 = arith.muli %arg1, %mul3A_36 : i32
    %add3A_38 = arith.constant 160 : i32
    %add3A_39 = arith.addi %mul3A_37, %add3A_38 : i32
    "tpu.region"() ({
      %run_scoped3A = tpu.sem_alloc : memref<!tpu.dma_semaphore, #tpu.memory_space<semaphore_mem>>
      %dma_start3A = arith.constant 0 : i32
      %dma_start3A_78 = tpu.memref_slice %arg14[%add3A_39, %dma_start3A] : memref<10240x64xf32, #tpu.memory_space<vmem_shared>> -> memref<160x64xf32, #tpu.memory_space<vmem_shared>>
      %dma_start3A_79 = arith.constant 0 : i32
      %dma_start3A_80 = tpu.memref_slice %arg14[%add3A_39, %dma_start3A_79] : memref<10240x64xf32, #tpu.memory_space<vmem_shared>> -> memref<160x64xf32, #tpu.memory_space<vmem_shared>>
      tpu.enqueue_dma source(%dma_start3A_80 : memref<160x64xf32, #tpu.memory_space<vmem_shared>>) target(%arg13 : memref<160x64xf32, #tpu.memory_space<vmem>>) target_semaphore(%run_scoped3A : memref<!tpu.dma_semaphore, #tpu.memory_space<semaphore_mem>>)
      %dma_wait3A = arith.constant 0 : i32
      %dma_wait3A_81 = tpu.memref_slice %arg14[%add3A_39, %dma_wait3A] : memref<10240x64xf32, #tpu.memory_space<vmem_shared>> -> memref<160x64xf32, #tpu.memory_space<vmem_shared>>
      %dma_wait3A_82 = arith.constant 0 : i32
      %dma_wait3A_83 = tpu.memref_slice %arg14[%add3A_39, %dma_wait3A_82] : memref<10240x64xf32, #tpu.memory_space<vmem_shared>> -> memref<160x64xf32, #tpu.memory_space<vmem_shared>>
      tpu.wait_dma2 semaphore(%run_scoped3A : memref<!tpu.dma_semaphore, #tpu.memory_space<semaphore_mem>>) src(%dma_wait3A_83 : memref<160x64xf32, #tpu.memory_space<vmem_shared>>) dst(%arg13 : memref<160x64xf32, #tpu.memory_space<vmem>>)
      tpu.yield
    }) : () -> ()
    %eq3A_40 = arith.constant 0 : i32
    %eq3A_41 = arith.cmpi eq, %arg0, %eq3A_40 : i32
    %convert_element_type3A_42 = arith.extui %eq3A_41 : i1 to i32
    %cond3A_43 = arith.constant 0 : i32
    %cond3A_44 = arith.cmpi ne, %convert_element_type3A_42, %cond3A_43 : i32
    scf.if %cond3A_44 {
      "tpu.region"() ({
        %run_scoped3A = tpu.sem_alloc : memref<!tpu.dma_semaphore, #tpu.memory_space<semaphore_mem>>
        %dma_start3A = arith.constant 0 : i32
        %dma_start3A_78 = tpu.memref_slice %arg7[%add3A_39, %dma_start3A] : memref<10240x64xf32, #tpu.memory_space<hbm>> -> memref<160x64xf32, #tpu.memory_space<hbm>>
        %dma_start3A_79 = arith.constant 0 : i32
        %dma_start3A_80 = tpu.memref_slice %arg7[%add3A_39, %dma_start3A_79] : memref<10240x64xf32, #tpu.memory_space<hbm>> -> memref<160x64xf32, #tpu.memory_space<hbm>>
        tpu.enqueue_dma source(%arg13 : memref<160x64xf32, #tpu.memory_space<vmem>>) target(%dma_start3A_80 : memref<160x64xf32, #tpu.memory_space<hbm>>) target_semaphore(%run_scoped3A : memref<!tpu.dma_semaphore, #tpu.memory_space<semaphore_mem>>)
        %dma_wait3A = arith.constant 0 : i32
        %dma_wait3A_81 = tpu.memref_slice %arg7[%add3A_39, %dma_wait3A] : memref<10240x64xf32, #tpu.memory_space<hbm>> -> memref<160x64xf32, #tpu.memory_space<hbm>>
        %dma_wait3A_82 = arith.constant 0 : i32
        %dma_wait3A_83 = tpu.memref_slice %arg7[%add3A_39, %dma_wait3A_82] : memref<10240x64xf32, #tpu.memory_space<hbm>> -> memref<160x64xf32, #tpu.memory_space<hbm>>
        tpu.wait_dma2 semaphore(%run_scoped3A : memref<!tpu.dma_semaphore, #tpu.memory_space<semaphore_mem>>) src(%arg13 : memref<160x64xf32, #tpu.memory_space<vmem>>) dst(%dma_wait3A_83 : memref<160x64xf32, #tpu.memory_space<hbm>>)
        tpu.yield
      }) : () -> ()
    } else {
    }
    %eq3A_45 = arith.constant 1 : i32
    %eq3A_46 = arith.cmpi eq, %arg0, %eq3A_45 : i32
    %convert_element_type3A_47 = arith.extui %eq3A_46 : i1 to i32
    %cond3A_48 = arith.constant 0 : i32
    %cond3A_49 = arith.cmpi ne, %convert_element_type3A_47, %cond3A_48 : i32
    scf.if %cond3A_49 {
      "tpu.region"() ({
        %run_scoped3A = tpu.sem_alloc : memref<!tpu.dma_semaphore, #tpu.memory_space<semaphore_mem>>
        %dma_start3A = arith.constant 0 : i32
        %dma_start3A_78 = tpu.memref_slice %arg8[%add3A_39, %dma_start3A] : memref<10240x64xf32, #tpu.memory_space<hbm>> -> memref<160x64xf32, #tpu.memory_space<hbm>>
        %dma_start3A_79 = arith.constant 0 : i32
        %dma_start3A_80 = tpu.memref_slice %arg8[%add3A_39, %dma_start3A_79] : memref<10240x64xf32, #tpu.memory_space<hbm>> -> memref<160x64xf32, #tpu.memory_space<hbm>>
        tpu.enqueue_dma source(%arg13 : memref<160x64xf32, #tpu.memory_space<vmem>>) target(%dma_start3A_80 : memref<160x64xf32, #tpu.memory_space<hbm>>) target_semaphore(%run_scoped3A : memref<!tpu.dma_semaphore, #tpu.memory_space<semaphore_mem>>)
        %dma_wait3A = arith.constant 0 : i32
        %dma_wait3A_81 = tpu.memref_slice %arg8[%add3A_39, %dma_wait3A] : memref<10240x64xf32, #tpu.memory_space<hbm>> -> memref<160x64xf32, #tpu.memory_space<hbm>>
        %dma_wait3A_82 = arith.constant 0 : i32
        %dma_wait3A_83 = tpu.memref_slice %arg8[%add3A_39, %dma_wait3A_82] : memref<10240x64xf32, #tpu.memory_space<hbm>> -> memref<160x64xf32, #tpu.memory_space<hbm>>
        tpu.wait_dma2 semaphore(%run_scoped3A : memref<!tpu.dma_semaphore, #tpu.memory_space<semaphore_mem>>) src(%arg13 : memref<160x64xf32, #tpu.memory_space<vmem>>) dst(%dma_wait3A_83 : memref<160x64xf32, #tpu.memory_space<hbm>>)
        tpu.yield
      }) : () -> ()
    } else {
    }
    %mul3A_50 = arith.constant 640 : i32
    %mul3A_51 = arith.muli %arg1, %mul3A_50 : i32
    %add3A_52 = arith.constant 320 : i32
    %add3A_53 = arith.addi %mul3A_51, %add3A_52 : i32
    "tpu.region"() ({
      %run_scoped3A = tpu.sem_alloc : memref<!tpu.dma_semaphore, #tpu.memory_space<semaphore_mem>>
      %dma_start3A = arith.constant 0 : i32
      %dma_start3A_78 = tpu.memref_slice %arg14[%add3A_53, %dma_start3A] : memref<10240x64xf32, #tpu.memory_space<vmem_shared>> -> memref<160x64xf32, #tpu.memory_space<vmem_shared>>
      %dma_start3A_79 = arith.constant 0 : i32
      %dma_start3A_80 = tpu.memref_slice %arg14[%add3A_53, %dma_start3A_79] : memref<10240x64xf32, #tpu.memory_space<vmem_shared>> -> memref<160x64xf32, #tpu.memory_space<vmem_shared>>
      tpu.enqueue_dma source(%dma_start3A_80 : memref<160x64xf32, #tpu.memory_space<vmem_shared>>) target(%arg13 : memref<160x64xf32, #tpu.memory_space<vmem>>) target_semaphore(%run_scoped3A : memref<!tpu.dma_semaphore, #tpu.memory_space<semaphore_mem>>)
      %dma_wait3A = arith.constant 0 : i32
      %dma_wait3A_81 = tpu.memref_slice %arg14[%add3A_53, %dma_wait3A] : memref<10240x64xf32, #tpu.memory_space<vmem_shared>> -> memref<160x64xf32, #tpu.memory_space<vmem_shared>>
      %dma_wait3A_82 = arith.constant 0 : i32
      %dma_wait3A_83 = tpu.memref_slice %arg14[%add3A_53, %dma_wait3A_82] : memref<10240x64xf32, #tpu.memory_space<vmem_shared>> -> memref<160x64xf32, #tpu.memory_space<vmem_shared>>
      tpu.wait_dma2 semaphore(%run_scoped3A : memref<!tpu.dma_semaphore, #tpu.memory_space<semaphore_mem>>) src(%dma_wait3A_83 : memref<160x64xf32, #tpu.memory_space<vmem_shared>>) dst(%arg13 : memref<160x64xf32, #tpu.memory_space<vmem>>)
      tpu.yield
    }) : () -> ()
    %eq3A_54 = arith.constant 0 : i32
    %eq3A_55 = arith.cmpi eq, %arg0, %eq3A_54 : i32
    %convert_element_type3A_56 = arith.extui %eq3A_55 : i1 to i32
    %cond3A_57 = arith.constant 0 : i32
    %cond3A_58 = arith.cmpi ne, %convert_element_type3A_56, %cond3A_57 : i32
    scf.if %cond3A_58 {
      "tpu.region"() ({
        %run_scoped3A = tpu.sem_alloc : memref<!tpu.dma_semaphore, #tpu.memory_space<semaphore_mem>>
        %dma_start3A = arith.constant 0 : i32
        %dma_start3A_78 = tpu.memref_slice %arg7[%add3A_53, %dma_start3A] : memref<10240x64xf32, #tpu.memory_space<hbm>> -> memref<160x64xf32, #tpu.memory_space<hbm>>
        %dma_start3A_79 = arith.constant 0 : i32
        %dma_start3A_80 = tpu.memref_slice %arg7[%add3A_53, %dma_start3A_79] : memref<10240x64xf32, #tpu.memory_space<hbm>> -> memref<160x64xf32, #tpu.memory_space<hbm>>
        tpu.enqueue_dma source(%arg13 : memref<160x64xf32, #tpu.memory_space<vmem>>) target(%dma_start3A_80 : memref<160x64xf32, #tpu.memory_space<hbm>>) target_semaphore(%run_scoped3A : memref<!tpu.dma_semaphore, #tpu.memory_space<semaphore_mem>>)
        %dma_wait3A = arith.constant 0 : i32
        %dma_wait3A_81 = tpu.memref_slice %arg7[%add3A_53, %dma_wait3A] : memref<10240x64xf32, #tpu.memory_space<hbm>> -> memref<160x64xf32, #tpu.memory_space<hbm>>
        %dma_wait3A_82 = arith.constant 0 : i32
        %dma_wait3A_83 = tpu.memref_slice %arg7[%add3A_53, %dma_wait3A_82] : memref<10240x64xf32, #tpu.memory_space<hbm>> -> memref<160x64xf32, #tpu.memory_space<hbm>>
        tpu.wait_dma2 semaphore(%run_scoped3A : memref<!tpu.dma_semaphore, #tpu.memory_space<semaphore_mem>>) src(%arg13 : memref<160x64xf32, #tpu.memory_space<vmem>>) dst(%dma_wait3A_83 : memref<160x64xf32, #tpu.memory_space<hbm>>)
        tpu.yield
      }) : () -> ()
    } else {
    }
    %eq3A_59 = arith.constant 1 : i32
    %eq3A_60 = arith.cmpi eq, %arg0, %eq3A_59 : i32
    %convert_element_type3A_61 = arith.extui %eq3A_60 : i1 to i32
    %cond3A_62 = arith.constant 0 : i32
    %cond3A_63 = arith.cmpi ne, %convert_element_type3A_61, %cond3A_62 : i32
    scf.if %cond3A_63 {
      "tpu.region"() ({
        %run_scoped3A = tpu.sem_alloc : memref<!tpu.dma_semaphore, #tpu.memory_space<semaphore_mem>>
        %dma_start3A = arith.constant 0 : i32
        %dma_start3A_78 = tpu.memref_slice %arg8[%add3A_53, %dma_start3A] : memref<10240x64xf32, #tpu.memory_space<hbm>> -> memref<160x64xf32, #tpu.memory_space<hbm>>
        %dma_start3A_79 = arith.constant 0 : i32
        %dma_start3A_80 = tpu.memref_slice %arg8[%add3A_53, %dma_start3A_79] : memref<10240x64xf32, #tpu.memory_space<hbm>> -> memref<160x64xf32, #tpu.memory_space<hbm>>
        tpu.enqueue_dma source(%arg13 : memref<160x64xf32, #tpu.memory_space<vmem>>) target(%dma_start3A_80 : memref<160x64xf32, #tpu.memory_space<hbm>>) target_semaphore(%run_scoped3A : memref<!tpu.dma_semaphore, #tpu.memory_space<semaphore_mem>>)
        %dma_wait3A = arith.constant 0 : i32
        %dma_wait3A_81 = tpu.memref_slice %arg8[%add3A_53, %dma_wait3A] : memref<10240x64xf32, #tpu.memory_space<hbm>> -> memref<160x64xf32, #tpu.memory_space<hbm>>
        %dma_wait3A_82 = arith.constant 0 : i32
        %dma_wait3A_83 = tpu.memref_slice %arg8[%add3A_53, %dma_wait3A_82] : memref<10240x64xf32, #tpu.memory_space<hbm>> -> memref<160x64xf32, #tpu.memory_space<hbm>>
        tpu.wait_dma2 semaphore(%run_scoped3A : memref<!tpu.dma_semaphore, #tpu.memory_space<semaphore_mem>>) src(%arg13 : memref<160x64xf32, #tpu.memory_space<vmem>>) dst(%dma_wait3A_83 : memref<160x64xf32, #tpu.memory_space<hbm>>)
        tpu.yield
      }) : () -> ()
    } else {
    }
    %mul3A_64 = arith.constant 640 : i32
    %mul3A_65 = arith.muli %arg1, %mul3A_64 : i32
    %add3A_66 = arith.constant 480 : i32
    %add3A_67 = arith.addi %mul3A_65, %add3A_66 : i32
    "tpu.region"() ({
      %run_scoped3A = tpu.sem_alloc : memref<!tpu.dma_semaphore, #tpu.memory_space<semaphore_mem>>
      %dma_start3A = arith.constant 0 : i32
      %dma_start3A_78 = tpu.memref_slice %arg14[%add3A_67, %dma_start3A] : memref<10240x64xf32, #tpu.memory_space<vmem_shared>> -> memref<160x64xf32, #tpu.memory_space<vmem_shared>>
      %dma_start3A_79 = arith.constant 0 : i32
      %dma_start3A_80 = tpu.memref_slice %arg14[%add3A_67, %dma_start3A_79] : memref<10240x64xf32, #tpu.memory_space<vmem_shared>> -> memref<160x64xf32, #tpu.memory_space<vmem_shared>>
      tpu.enqueue_dma source(%dma_start3A_80 : memref<160x64xf32, #tpu.memory_space<vmem_shared>>) target(%arg13 : memref<160x64xf32, #tpu.memory_space<vmem>>) target_semaphore(%run_scoped3A : memref<!tpu.dma_semaphore, #tpu.memory_space<semaphore_mem>>)
      %dma_wait3A = arith.constant 0 : i32
      %dma_wait3A_81 = tpu.memref_slice %arg14[%add3A_67, %dma_wait3A] : memref<10240x64xf32, #tpu.memory_space<vmem_shared>> -> memref<160x64xf32, #tpu.memory_space<vmem_shared>>
      %dma_wait3A_82 = arith.constant 0 : i32
      %dma_wait3A_83 = tpu.memref_slice %arg14[%add3A_67, %dma_wait3A_82] : memref<10240x64xf32, #tpu.memory_space<vmem_shared>> -> memref<160x64xf32, #tpu.memory_space<vmem_shared>>
      tpu.wait_dma2 semaphore(%run_scoped3A : memref<!tpu.dma_semaphore, #tpu.memory_space<semaphore_mem>>) src(%dma_wait3A_83 : memref<160x64xf32, #tpu.memory_space<vmem_shared>>) dst(%arg13 : memref<160x64xf32, #tpu.memory_space<vmem>>)
      tpu.yield
    }) : () -> ()
    %eq3A_68 = arith.constant 0 : i32
    %eq3A_69 = arith.cmpi eq, %arg0, %eq3A_68 : i32
    %convert_element_type3A_70 = arith.extui %eq3A_69 : i1 to i32
    %cond3A_71 = arith.constant 0 : i32
    %cond3A_72 = arith.cmpi ne, %convert_element_type3A_70, %cond3A_71 : i32
    scf.if %cond3A_72 {
      "tpu.region"() ({
        %run_scoped3A = tpu.sem_alloc : memref<!tpu.dma_semaphore, #tpu.memory_space<semaphore_mem>>
        %dma_start3A = arith.constant 0 : i32
        %dma_start3A_78 = tpu.memref_slice %arg7[%add3A_67, %dma_start3A] : memref<10240x64xf32, #tpu.memory_space<hbm>> -> memref<160x64xf32, #tpu.memory_space<hbm>>
        %dma_start3A_79 = arith.constant 0 : i32
        %dma_start3A_80 = tpu.memref_slice %arg7[%add3A_67, %dma_start3A_79] : memref<10240x64xf32, #tpu.memory_space<hbm>> -> memref<160x64xf32, #tpu.memory_space<hbm>>
        tpu.enqueue_dma source(%arg13 : memref<160x64xf32, #tpu.memory_space<vmem>>) target(%dma_start3A_80 : memref<160x64xf32, #tpu.memory_space<hbm>>) target_semaphore(%run_scoped3A : memref<!tpu.dma_semaphore, #tpu.memory_space<semaphore_mem>>)
        %dma_wait3A = arith.constant 0 : i32
        %dma_wait3A_81 = tpu.memref_slice %arg7[%add3A_67, %dma_wait3A] : memref<10240x64xf32, #tpu.memory_space<hbm>> -> memref<160x64xf32, #tpu.memory_space<hbm>>
        %dma_wait3A_82 = arith.constant 0 : i32
        %dma_wait3A_83 = tpu.memref_slice %arg7[%add3A_67, %dma_wait3A_82] : memref<10240x64xf32, #tpu.memory_space<hbm>> -> memref<160x64xf32, #tpu.memory_space<hbm>>
        tpu.wait_dma2 semaphore(%run_scoped3A : memref<!tpu.dma_semaphore, #tpu.memory_space<semaphore_mem>>) src(%arg13 : memref<160x64xf32, #tpu.memory_space<vmem>>) dst(%dma_wait3A_83 : memref<160x64xf32, #tpu.memory_space<hbm>>)
        tpu.yield
      }) : () -> ()
    } else {
    }
    %eq3A_73 = arith.constant 1 : i32
    %eq3A_74 = arith.cmpi eq, %arg0, %eq3A_73 : i32
    %convert_element_type3A_75 = arith.extui %eq3A_74 : i1 to i32
    %cond3A_76 = arith.constant 0 : i32
    %cond3A_77 = arith.cmpi ne, %convert_element_type3A_75, %cond3A_76 : i32
    scf.if %cond3A_77 {
      "tpu.region"() ({
        %run_scoped3A = tpu.sem_alloc : memref<!tpu.dma_semaphore, #tpu.memory_space<semaphore_mem>>
        %dma_start3A = arith.constant 0 : i32
        %dma_start3A_78 = tpu.memref_slice %arg8[%add3A_67, %dma_start3A] : memref<10240x64xf32, #tpu.memory_space<hbm>> -> memref<160x64xf32, #tpu.memory_space<hbm>>
        %dma_start3A_79 = arith.constant 0 : i32
        %dma_start3A_80 = tpu.memref_slice %arg8[%add3A_67, %dma_start3A_79] : memref<10240x64xf32, #tpu.memory_space<hbm>> -> memref<160x64xf32, #tpu.memory_space<hbm>>
        tpu.enqueue_dma source(%arg13 : memref<160x64xf32, #tpu.memory_space<vmem>>) target(%dma_start3A_80 : memref<160x64xf32, #tpu.memory_space<hbm>>) target_semaphore(%run_scoped3A : memref<!tpu.dma_semaphore, #tpu.memory_space<semaphore_mem>>)
        %dma_wait3A = arith.constant 0 : i32
        %dma_wait3A_81 = tpu.memref_slice %arg8[%add3A_67, %dma_wait3A] : memref<10240x64xf32, #tpu.memory_space<hbm>> -> memref<160x64xf32, #tpu.memory_space<hbm>>
        %dma_wait3A_82 = arith.constant 0 : i32
        %dma_wait3A_83 = tpu.memref_slice %arg8[%add3A_67, %dma_wait3A_82] : memref<10240x64xf32, #tpu.memory_space<hbm>> -> memref<160x64xf32, #tpu.memory_space<hbm>>
        tpu.wait_dma2 semaphore(%run_scoped3A : memref<!tpu.dma_semaphore, #tpu.memory_space<semaphore_mem>>) src(%arg13 : memref<160x64xf32, #tpu.memory_space<vmem>>) dst(%dma_wait3A_83 : memref<160x64xf32, #tpu.memory_space<hbm>>)
        tpu.yield
      }) : () -> ()
    } else {
    }
    return
  }
}

module attributes {stable_mosaic.version = 14 : i64} {
  func.func @_mm1_body(%arg0: i32, %arg1: memref<1000x128xf32, #tpu.memory_space<vmem>>, %arg2: memref<128x128xf32, #tpu.memory_space<vmem>>, %arg3: memref<1x128xf32, #tpu.memory_space<vmem>>, %arg4: memref<1000x64xf32, #tpu.memory_space<vmem>>, %arg5: memref<1000x64xf32, #tpu.memory_space<vmem>>) attributes {dimension_semantics = [#tpu.dimension_semantics<arbitrary>], iteration_bounds = array<i64: 10>, scalar_prefetch = 0 : i64, scratch_operands = 0 : i64, tpu.core_type = #tpu.core_type<tc>, window_params = [{transform_indices = @transform_0, window_bounds = array<i64: 1000, 128>}, {pipeline_mode = #tpu.pipeline_mode<synchronous>, transform_indices = @transform_1, window_bounds = array<i64: 128, 128>}, {pipeline_mode = #tpu.pipeline_mode<synchronous>, transform_indices = @transform_2, window_bounds = array<i64: 1, 128>}, {transform_indices = @transform_3, window_bounds = array<i64: 1000, 64>}, {transform_indices = @transform_4, window_bounds = array<i64: 1000, 64>}]} {
    %get3A = arith.constant 0 : index
    %get3A_0 = arith.constant 0 : index
    %get3A_1 = vector.load %arg1[%get3A, %get3A_0] : memref<1000x128xf32, #tpu.memory_space<vmem>>, vector<1000x128xf32>
    %get3A_2 = arith.constant 0 : index
    %get3A_3 = arith.constant 0 : index
    %get3A_4 = vector.load %arg2[%get3A_2, %get3A_3] : memref<128x128xf32, #tpu.memory_space<vmem>>, vector<128x128xf32>
    %dot_general3A = arith.constant dense<0.000000e+00> : vector<1000x128xf32>
    %dot_general3A_5 = tpu.matmul %get3A_1, %get3A_4, %dot_general3A {dimension_numbers = #tpu.dot_dimension_numbers<[1], [0], [0], [1], [0, 0, 1, 1], [], []>, transpose_lhs_hint = false} : vector<1000x128xf32>, vector<128x128xf32>, vector<1000x128xf32> -> vector<1000x128xf32>
    %get3A_6 = arith.constant 0 : index
    %get3A_7 = arith.constant 0 : index
    %get3A_8 = vector.load %arg3[%get3A_6, %get3A_7] : memref<1x128xf32, #tpu.memory_space<vmem>>, vector<1x128xf32>
    %add3A = vector.broadcast %get3A_8 : vector<1x128xf32> to vector<1000x128xf32>
    %add3A_9 = arith.addf %dot_general3A_5, %add3A : vector<1000x128xf32>
    %slice3A = vector.extract_strided_slice %add3A_9 {offsets = [0, 0], sizes = [1000, 64], strides = [1, 1]} : vector<1000x128xf32> to vector<1000x64xf32>
    %swap3A = arith.constant 0 : index
    %swap3A_10 = arith.constant 0 : index
    %swap3A_11 = vector.load %arg4[%swap3A, %swap3A_10] : memref<1000x64xf32, #tpu.memory_space<vmem>>, vector<1000x64xf32>
    tpu.vector_store %arg4[%swap3A, %swap3A_10], %slice3A {strides = array<i32>} : memref<1000x64xf32, #tpu.memory_space<vmem>>, vector<1000x64xf32>,
    %slice3A_12 = vector.extract_strided_slice %add3A_9 {offsets = [0, 64], sizes = [1000, 64], strides = [1, 1]} : vector<1000x128xf32> to vector<1000x64xf32>
    %swap3A_13 = arith.constant 0 : index
    %swap3A_14 = arith.constant 0 : index
    %swap3A_15 = vector.load %arg5[%swap3A_13, %swap3A_14] : memref<1000x64xf32, #tpu.memory_space<vmem>>, vector<1000x64xf32>
    tpu.vector_store %arg5[%swap3A_13, %swap3A_14], %slice3A_12 {strides = array<i32>} : memref<1000x64xf32, #tpu.memory_space<vmem>>, vector<1000x64xf32>,
    return
  }
  func.func @transform_0(%arg0: i32) -> (i32, i32) {
    %c0_i32 = arith.constant 0 : i32
    %c0_i32_0 = arith.constant 0 : i32
    return %arg0, %c0_i32 : i32, i32
  }
  func.func @transform_1(%arg0: i32) -> (i32, i32) {
    %c0_i32 = arith.constant 0 : i32
    %c0_i32_0 = arith.constant 0 : i32
    %c0_i32_1 = arith.constant 0 : i32
    return %c0_i32, %c0_i32_0 : i32, i32
  }
  func.func @transform_2(%arg0: i32) -> (i32, i32) {
    %c0_i32 = arith.constant 0 : i32
    %c0_i32_0 = arith.constant 0 : i32
    %c0_i32_1 = arith.constant 0 : i32
    return %c0_i32, %c0_i32_0 : i32, i32
  }
  func.func @transform_3(%arg0: i32) -> (i32, i32) {
    %c0_i32 = arith.constant 0 : i32
    %c0_i32_0 = arith.constant 0 : i32
    return %arg0, %c0_i32 : i32, i32
  }
  func.func @transform_4(%arg0: i32) -> (i32, i32) {
    %c0_i32 = arith.constant 0 : i32
    %c0_i32_0 = arith.constant 0 : i32
    return %arg0, %c0_i32 : i32, i32
  }
}

module attributes {stable_mosaic.version = 14 : i64} {
  func.func @_final_body(%arg0: i32, %arg1: memref<1000x128xf32, #tpu.memory_space<vmem>>, %arg2: memref<1000x128xf32, #tpu.memory_space<vmem>>, %arg3: memref<1000x64xf32, #tpu.memory_space<vmem>>, %arg4: memref<1000x64xf32, #tpu.memory_space<vmem>>, %arg5: memref<1000x8xf32, #tpu.memory_space<vmem>>, %arg6: memref<128x128xf32, #tpu.memory_space<vmem>>, %arg7: memref<128x128xf32, #tpu.memory_space<vmem>>, %arg8: memref<1x128xf32, #tpu.memory_space<vmem>>, %arg9: memref<128x128xf32, #tpu.memory_space<vmem>>, %arg10: memref<1x128xf32, #tpu.memory_space<vmem>>, %arg11: memref<1000x128xf32, #tpu.memory_space<vmem>>) attributes {dimension_semantics = [#tpu.dimension_semantics<arbitrary>], iteration_bounds = array<i64: 10>, scalar_prefetch = 0 : i64, scratch_operands = 0 : i64, tpu.core_type = #tpu.core_type<tc>, window_params = [{transform_indices = @transform_0, window_bounds = array<i64: 1000, 128>}, {transform_indices = @transform_1, window_bounds = array<i64: 1000, 128>}, {transform_indices = @transform_2, window_bounds = array<i64: 1000, 64>}, {transform_indices = @transform_3, window_bounds = array<i64: 1000, 64>}, {transform_indices = @transform_4, window_bounds = array<i64: 1000, 8>}, {pipeline_mode = #tpu.pipeline_mode<synchronous>, transform_indices = @transform_5, window_bounds = array<i64: 128, 128>}, {pipeline_mode = #tpu.pipeline_mode<synchronous>, transform_indices = @transform_6, window_bounds = array<i64: 128, 128>}, {pipeline_mode = #tpu.pipeline_mode<synchronous>, transform_indices = @transform_7, window_bounds = array<i64: 1, 128>}, {pipeline_mode = #tpu.pipeline_mode<synchronous>, transform_indices = @transform_8, window_bounds = array<i64: 128, 128>}, {pipeline_mode = #tpu.pipeline_mode<synchronous>, transform_indices = @transform_9, window_bounds = array<i64: 1, 128>}, {transform_indices = @transform_10, window_bounds = array<i64: 1000, 128>}]} {
    %get3A = arith.constant 0 : index
    %get3A_0 = arith.constant 0 : index
    %get3A_1 = vector.load %arg5[%get3A, %get3A_0] : memref<1000x8xf32, #tpu.memory_space<vmem>>, vector<1000x8xf32>
    %slice3A = vector.extract_strided_slice %get3A_1 {offsets = [0, 0], sizes = [1000, 1], strides = [1, 1]} : vector<1000x8xf32> to vector<1000x1xf32>
    %get3A_2 = arith.constant 0 : index
    %get3A_3 = arith.constant 0 : index
    %get3A_4 = vector.load %arg3[%get3A_2, %get3A_3] : memref<1000x64xf32, #tpu.memory_space<vmem>>, vector<1000x64xf32>
    %get3A_5 = arith.constant 0 : index
    %get3A_6 = arith.constant 0 : index
    %get3A_7 = vector.load %arg4[%get3A_5, %get3A_6] : memref<1000x64xf32, #tpu.memory_space<vmem>>, vector<1000x64xf32>
    %concatenate3A = tpu.concatenate %get3A_4, %get3A_7 in 1 : vector<1000x64xf32>, vector<1000x64xf32> -> vector<1000x128xf32>
    %get3A_8 = arith.constant 0 : index
    %get3A_9 = arith.constant 0 : index
    %get3A_10 = vector.load %arg1[%get3A_8, %get3A_9] : memref<1000x128xf32, #tpu.memory_space<vmem>>, vector<1000x128xf32>
    %mul3A = vector.broadcast %slice3A : vector<1000x1xf32> to vector<1000x128xf32>
    %mul3A_11 = arith.mulf %get3A_10, %mul3A : vector<1000x128xf32>
    %get3A_12 = arith.constant 0 : index
    %get3A_13 = arith.constant 0 : index
    %get3A_14 = vector.load %arg6[%get3A_12, %get3A_13] : memref<128x128xf32, #tpu.memory_space<vmem>>, vector<128x128xf32>
    %dot_general3A = arith.constant dense<0.000000e+00> : vector<1000x128xf32>
    %dot_general3A_15 = tpu.matmul %mul3A_11, %get3A_14, %dot_general3A {dimension_numbers = #tpu.dot_dimension_numbers<[1], [0], [0], [1], [0, 0, 1, 1], [], []>, transpose_lhs_hint = false} : vector<1000x128xf32>, vector<128x128xf32>, vector<1000x128xf32> -> vector<1000x128xf32>
    %get3A_16 = arith.constant 0 : index
    %get3A_17 = arith.constant 0 : index
    %get3A_18 = vector.load %arg7[%get3A_16, %get3A_17] : memref<128x128xf32, #tpu.memory_space<vmem>>, vector<128x128xf32>
    %dot_general3A_19 = arith.constant dense<0.000000e+00> : vector<1000x128xf32>
    %dot_general3A_20 = tpu.matmul %concatenate3A, %get3A_18, %dot_general3A_19 {dimension_numbers = #tpu.dot_dimension_numbers<[1], [0], [0], [1], [0, 0, 1, 1], [], []>, transpose_lhs_hint = false} : vector<1000x128xf32>, vector<128x128xf32>, vector<1000x128xf32> -> vector<1000x128xf32>
    %add3A = arith.addf %dot_general3A_15, %dot_general3A_20 : vector<1000x128xf32>
    %get3A_21 = arith.constant 0 : index
    %get3A_22 = arith.constant 0 : index
    %get3A_23 = vector.load %arg8[%get3A_21, %get3A_22] : memref<1x128xf32, #tpu.memory_space<vmem>>, vector<1x128xf32>
    %mul3A_24 = vector.broadcast %slice3A : vector<1000x1xf32> to vector<1000x128xf32>
    %mul3A_25 = vector.broadcast %get3A_23 : vector<1x128xf32> to vector<1000x128xf32>
    %mul3A_26 = arith.mulf %mul3A_24, %mul3A_25 : vector<1000x128xf32>
    %add3A_27 = arith.addf %add3A, %mul3A_26 : vector<1000x128xf32>
    %mul3A_28 = arith.constant 5.000000e-01 : f32
    %mul3A_29 = vector.broadcast %mul3A_28 : f32 to vector<1000x128xf32>
    %mul3A_30 = arith.mulf %mul3A_29, %add3A_27 : vector<1000x128xf32>
    %get3A_31 = arith.constant 0 : index
    %get3A_32 = arith.constant 0 : index
    %get3A_33 = vector.load %arg2[%get3A_31, %get3A_32] : memref<1000x128xf32, #tpu.memory_space<vmem>>, vector<1000x128xf32>
    %mul3A_34 = arith.constant 5.000000e-01 : f32
    %mul3A_35 = vector.broadcast %mul3A_34 : f32 to vector<1000x128xf32>
    %mul3A_36 = arith.mulf %mul3A_35, %get3A_33 : vector<1000x128xf32>
    %add3A_37 = arith.addf %mul3A_30, %mul3A_36 : vector<1000x128xf32>
    %get3A_38 = arith.constant 0 : index
    %get3A_39 = arith.constant 0 : index
    %get3A_40 = vector.load %arg9[%get3A_38, %get3A_39] : memref<128x128xf32, #tpu.memory_space<vmem>>, vector<128x128xf32>
    %dot_general3A_41 = arith.constant dense<0.000000e+00> : vector<1000x128xf32>
    %dot_general3A_42 = tpu.matmul %add3A_37, %get3A_40, %dot_general3A_41 {dimension_numbers = #tpu.dot_dimension_numbers<[1], [0], [0], [1], [0, 0, 1, 1], [], []>, transpose_lhs_hint = false} : vector<1000x128xf32>, vector<128x128xf32>, vector<1000x128xf32> -> vector<1000x128xf32>
    %get3A_43 = arith.constant 0 : index
    %get3A_44 = arith.constant 0 : index
    %get3A_45 = vector.load %arg10[%get3A_43, %get3A_44] : memref<1x128xf32, #tpu.memory_space<vmem>>, vector<1x128xf32>
    %add3A_46 = vector.broadcast %get3A_45 : vector<1x128xf32> to vector<1000x128xf32>
    %add3A_47 = arith.addf %dot_general3A_42, %add3A_46 : vector<1000x128xf32>
    %swap3A = arith.constant 0 : index
    %swap3A_48 = arith.constant 0 : index
    %swap3A_49 = vector.load %arg11[%swap3A, %swap3A_48] : memref<1000x128xf32, #tpu.memory_space<vmem>>, vector<1000x128xf32>
    tpu.vector_store %arg11[%swap3A, %swap3A_48], %add3A_47 {strides = array<i32>} : memref<1000x128xf32, #tpu.memory_space<vmem>>, vector<1000x128xf32>,
    return
  }
  func.func @transform_0(%arg0: i32) -> (i32, i32) {
    %c0_i32 = arith.constant 0 : i32
    %c0_i32_0 = arith.constant 0 : i32
    return %arg0, %c0_i32 : i32, i32
  }
  func.func @transform_1(%arg0: i32) -> (i32, i32) {
    %c0_i32 = arith.constant 0 : i32
    %c0_i32_0 = arith.constant 0 : i32
    return %arg0, %c0_i32 : i32, i32
  }
  func.func @transform_2(%arg0: i32) -> (i32, i32) {
    %c0_i32 = arith.constant 0 : i32
    %c0_i32_0 = arith.constant 0 : i32
    return %arg0, %c0_i32 : i32, i32
  }
  func.func @transform_3(%arg0: i32) -> (i32, i32) {
    %c0_i32 = arith.constant 0 : i32
    %c0_i32_0 = arith.constant 0 : i32
    return %arg0, %c0_i32 : i32, i32
  }
  func.func @transform_4(%arg0: i32) -> (i32, i32) {
    %c0_i32 = arith.constant 0 : i32
    %c0_i32_0 = arith.constant 0 : i32
    return %arg0, %c0_i32 : i32, i32
  }
  func.func @transform_5(%arg0: i32) -> (i32, i32) {
    %c0_i32 = arith.constant 0 : i32
    %c0_i32_0 = arith.constant 0 : i32
    %c0_i32_1 = arith.constant 0 : i32
    return %c0_i32, %c0_i32_0 : i32, i32
  }
  func.func @transform_6(%arg0: i32) -> (i32, i32) {
    %c0_i32 = arith.constant 0 : i32
    %c0_i32_0 = arith.constant 0 : i32
    %c0_i32_1 = arith.constant 0 : i32
    return %c0_i32, %c0_i32_0 : i32, i32
  }
  func.func @transform_7(%arg0: i32) -> (i32, i32) {
    %c0_i32 = arith.constant 0 : i32
    %c0_i32_0 = arith.constant 0 : i32
    %c0_i32_1 = arith.constant 0 : i32
    return %c0_i32, %c0_i32_0 : i32, i32
  }
  func.func @transform_8(%arg0: i32) -> (i32, i32) {
    %c0_i32 = arith.constant 0 : i32
    %c0_i32_0 = arith.constant 0 : i32
    %c0_i32_1 = arith.constant 0 : i32
    return %c0_i32, %c0_i32_0 : i32, i32
  }
  func.func @transform_9(%arg0: i32) -> (i32, i32) {
    %c0_i32 = arith.constant 0 : i32
    %c0_i32_0 = arith.constant 0 : i32
    %c0_i32_1 = arith.constant 0 : i32
    return %c0_i32, %c0_i32_0 : i32, i32
  }
  func.func @transform_10(%arg0: i32) -> (i32, i32) {
    %c0_i32 = arith.constant 0 : i32
    %c0_i32_0 = arith.constant 0 : i32
    return %arg0, %c0_i32 : i32, i32
  }
}

</mosaic_0001>

<sc_bundles>
// kernel: kernel.6.cloned.1.call-start
scs
__scs_entry_jumppad:
0x0: {  	(pc) =	sbr.rel $0x88, $3  }
0x1: {  	(tag) =	ssettag $0x0;
	lr =	simm.s32 $0x1  }
0x2: {  	[smem:$0x3F97] =	sst lr;
	_ =	strace $0xD0000000  }
0x3: {  	_ = 	snop  }
0x4: {  	_ = 	snop  }
0x5: {  	_ = 	snop  }
0x6: {  	_ = 	snop  }
0x7: {  	_ = 	snop  }
__scs_overlays_trampoline_lowered:
0x8: {  	[smem:$0x3FA6] =	sst s0  }
0x9: {  	[smem:$0x3FA7] =	sst s1  }
0xa: {  	[smem:$0x3FA8] =	sst s2  }
0xb: {  	[smem:$0x3FA9] =	sst s3  }
0xc: {  	[smem:$0x3FAA] =	sst s4  }
0xd: {  	[smem:$0x3FAB] =	sst s5  }
0xe: {  	[smem:$0x3FAC] =	sst s6  }
0xf: {  	[smem:$0x3FAD] =	sst s7  }
0x10: {  	[smem:$0x3FAE] =	sst s8  }
0x11: {  	[smem:$0x3FAF] =	sst s9;
	s0 =	simm.s32 @!p0 $0x0  }
0x12: {  	s1 =	sld [smem:$0x3F95];
	s0 =	simm.s32 @p0 $0x1  }
0x13: {  	[smem:$0x3FB0] =	sst s0;
	s0 =	simm.s32 @!p1 $0x0  }
0x14: {  	s2 =	sld [smem:$0x3F94];
	s0 =	simm.s32 @p1 $0x1  }
0x15: {  	[smem:$0x3FB1] =	sst s0;
	s0 =	simm.s32 @!p2 $0x0  }
0x16: {  	s3 =	sld [smem:$0x3FDB];
	s0 =	simm.s32 @p2 $0x1  }
0x17: {  	s4 =	simm.s32 $0x1BF5;
	[smem:$0x3FB3] =	sst s0  }
0x18: {  	s0 =	sld [smem:$0x3F96];
	_ =	swait.ge [sflag:s4], $0x0  }
0x19: {  	s7 =	sld [smem:$0x3F97]  }
0x1a: {  	s8 =	sadd.s32 $0xFFFFE003, lr  }
0x1b: {  	s9 =	sadd.s32 $0xFFFFFEF7, lr;
	s5 =	simm.s32 $0xFFFFFFFF;
	p2 =	slt.u32 s8, $0xFFFFF086  }
0x1c: {  	p1 =	slt.u32 s9, $0xF7A;
	s5 =	simm.s32 @!p2 $0x0  }
0x1d: {  	s5 =	simm.s32 @p1 $0x1;
	p0 =	seq.s32 s7, s2  }
0x1e: {  	s7 =	smul.u32 @!p0 $0xF7A, s2;
	p2 =	seq.s32 @!p0 s5, $0x0  }
0x1f: {  	s9 =	smul.u32 $0xF7A, s1;
	s8 =	simm.s32 @!p0 $0x1BF5;
	p2 =	por !p2, p0  }
0x20: {  	[sflag:s8] =	ssyncset.s32 @!p0 $0xFFFFF086;
	s6 =	sadd.s32 @!p0 s3, s7;
	s7 =	simm.s32 @!p0 $0x108  }
0x21: {  	s3 =	sadd.s32 s3, s9;
	s6 =	sadd.s32 @!p0 $0x88, s6;
	s7 =	simm.s32 @p2 $0x1082  }
0x22: {  	[simem:s7], [sflag:s8] =	dma.local @!p0 [hbm:s6], $0xF7A  }
0x23: {  	s9 =	sor.u32 $0xD0000000, s2;
	s6 =	simm.s32 $0x108;
	_ =	swait.ge @!p0 [sflag:s8], $0x0  }
0x24: {  	s3 =	sadd.s32 $0x88, s3;
	s6 =	simm.s32 @!p1 $0x1082;
	[sflag:s4] =	ssyncset.s32 $0xFFFFF086  }
0x25: {  	[simem:s6], [sflag:s4] =	dma.local [hbm:s3], $0xF7A  }
0x26: {  	[smem:$0x3F97] =	sst s1;
	(tag) =	ssettag s2;
	_ =	strace s9  }
0x27: {  	s1 =	sld [smem:$0x3FA7]  }
0x28: {  	s2 =	sld [smem:$0x3FA8]  }
0x29: {  	s4 =	sld [smem:$0x3FAA]  }
0x2a: {  	p0 =	seq.s32 s5, $0x0;
	s5 =	sld [smem:$0x3FAB]  }
0x2b: {  	s6 =	sld [smem:$0x3FAC]  }
0x2c: {  	s7 =	sld [smem:$0x3FAD]  }
0x2d: {  	s3 =	simm.s32 $0x108;
	s8 =	sld [smem:$0x3FAE]  }
0x2e: {  	s3 =	simm.s32 @!p0 $0x1082;
	s9 =	sld [smem:$0x3FAF]  }
0x2f: {  	lr =	sadd.s32 s0, s3;
	s0 =	sld [smem:$0x3FA6]  }
0x30: {  	s3 =	sld [smem:$0x3FA9]  }
0x31: {  	[smem:$0x3FB2] =	sst s10  }
0x32: {  	s10 =	sld [smem:$0x3FB0];
	_ =	sdelay $0x3  }
0x33: {  	p0 =	seq.s32 s10, $0x1;
	s10 =	sld [smem:$0x3FB2];
	_ =	sdelay $0x3  }
0x34: {  	[smem:$0x3FB2] =	sst s10  }
0x35: {  	s10 =	sld [smem:$0x3FB1];
	_ =	sdelay $0x3  }
0x36: {  	p1 =	seq.s32 s10, $0x1;
	s10 =	sld [smem:$0x3FB2];
	_ =	sdelay $0x3  }
0x37: {  	[smem:$0x3FB2] =	sst s10  }
0x38: {  	s10 =	sld [smem:$0x3FB3]  }
0x39: {  	_ = 	snop;
	(pc) =	sbr.ind lr, $3  }
0x3a: {  	_ = 	snop  }
0x3b: {  	_ = 	snop  }
0x3c: {  	p2 =	seq.s32 s10, $0x1;
	s10 =	sld [smem:$0x3FB2]  }
0x3d: {  	_ =	shalt  }
0x3e: {  	_ =	shalt  }
0x3f: {  	_ =	shalt  }
0x40: {  	_ =	shalt  }
0x41: {  	_ =	shalt  }
0x42: {  	_ =	shalt  }
0x43: {  	_ =	shalt  }
0x44: {  	_ =	shalt  }
0x45: {  	_ =	shalt  }
0x46: {  	_ =	shalt  }
0x47: {  	_ =	shalt  }
0x48: {  	_ =	shalt  }
0x49: {  	_ =	shalt  }
0x4a: {  	_ =	shalt  }
0x4b: {  	_ =	shalt  }
0x4c: {  	_ =	shalt  }
0x4d: {  	_ =	shalt  }
0x4e: {  	_ =	shalt  }
0x4f: {  	_ =	shalt  }
0x50: {  	_ =	shalt  }
0x51: {  	_ =	shalt  }
0x52: {  	_ =	shalt  }
0x53: {  	_ =	shalt  }
0x54: {  	_ =	shalt  }
0x55: {  	_ =	shalt  }
0x56: {  	_ =	shalt  }
0x57: {  	_ =	shalt  }
0x58: {  	_ =	shalt  }
0x59: {  	_ =	shalt  }
0x5a: {  	_ =	shalt  }
0x5b: {  	_ =	shalt  }
0x5c: {  	_ =	shalt  }
0x5d: {  	_ =	shalt  }
0x5e: {  	_ =	shalt  }
0x5f: {  	_ =	shalt  }
0x60: {  	_ =	shalt  }
0x61: {  	_ =	shalt  }
0x62: {  	_ =	shalt  }
0x63: {  	_ =	shalt  }
0x64: {  	_ =	shalt  }
0x65: {  	_ =	shalt  }
0x66: {  	_ =	shalt  }
0x67: {  	_ =	shalt  }
0x68: {  	_ =	shalt  }
0x69: {  	_ =	shalt  }
0x6a: {  	_ =	shalt  }
0x6b: {  	_ =	shalt  }
0x6c: {  	_ =	shalt  }
0x6d: {  	_ =	shalt  }
0x6e: {  	_ =	shalt  }
0x6f: {  	_ =	shalt  }
0x70: {  	_ =	shalt  }
0x71: {  	_ =	shalt  }
0x72: {  	_ =	shalt  }
0x73: {  	_ =	shalt  }
0x74: {  	_ =	shalt  }
0x75: {  	_ =	shalt  }
0x76: {  	_ =	shalt  }
0x77: {  	_ =	shalt  }
0x78: {  	_ =	shalt  }
0x79: {  	_ =	shalt  }
0x7a: {  	_ =	shalt  }
0x7b: {  	_ =	shalt  }
0x7c: {  	_ =	shalt  }
0x7d: {  	_ =	shalt  }
0x7e: {  	_ =	shalt  }
0x7f: {  	_ =	shalt  }
0x80: {  	_ =	shalt  }
0x81: {  	_ =	shalt  }
0x82: {  	_ =	shalt  }
0x83: {  	_ =	shalt  }
0x84: {  	_ =	shalt  }
0x85: {  	_ =	shalt  }
0x86: {  	_ =	shalt  }
0x87: {  	_ =	shalt  }
.Lfunc_end0:
.L_simem_size_0:
called_computation_lowered:
.L_overlay_start_0:
0x88: {  	s2 =	sld [smem:$0x3FD9]  }
0x89: {  	s3 =	sld [smem:$0x3FFE];
	_ =	sdelay $0x1  }
0x8a: {  	s1 =	srdreg.scid  }
0x8b: {  	s0 =	sand.u32 $0x1, s1  }
0x8c: {  	s17 =	sshll.u32 s0, $0xA;
	s2 =	sadd.s32 s3, s2  }
0x8d: {  	s2 =	sadd.s32 s2, s17  }
0x8e: {  	[smem:$0x3FBE] =	sst s2  }
0x8f: {  	_ = 	snop  }
0x90: {  	s2 =	sld [smem:$0x3FC8]  }
0x91: {  	s18 =	sld [smem:$0x3FC7]  }
0x92: {  	s4 =	sld [smem:$0x3FD0];
	(tm) =	ssettm $0x1  }
0x93: {  	s5 =	sld [smem:$0x3FFB];
	_ =	sdelay $0x3  }
0x94: {  	_ =	strace s5  }
0x95: {  	s5 =	sld [smem:$0x3FFC];
	_ =	sdelay $0x3  }
0x96: {  	_ =	strace s5  }
0x97: {  	s5 =	sld [smem:$0x3FFD];
	_ =	sdelay $0x3  }
0x98: {  	_ =	strace s5  }
0x99: {  	_ =	strace $0x8FFFFFFF  }
0x9a: {  	s19 =	sld [smem:$0x3FDB];
	_ =	sdelay $0x1  }
0x9b: {  	s6 =	simm.s32 $_scs_section_size  }
0x9c: {  	s7 =	simm.s32 $_size__tile_overlayer_lowered;
	s8 =	simm.s32 $_tile_overlayer_lowered  }
0x9d: {  	s22 =	simm.s32 $0x1BFF;
	s21 =	sshll.u32 s8, $0x1;
	s5 =	sadd.s32 s6, s19  }
0x9e: {  	s9 =	simm.s32 $0x0;
	s20 =	sshll.u32 s7, $0x1;
	s7 =	sadd.s32 s21, s5  }
0x9f: {  	[timem:s9], [sflag:s22] =	dma.local [hbm:s7], s20  }
0xa0: {  	_ =	swait.ge [sflag:s22], s20  }
0xa1: {  	s6 =	ssub.s32 $0x0, s20;
	[sflag:s22] =	ssyncset.done $0x0  }
0xa2: {  	[sflag:s22] =	ssyncadd.s32 s6;
	_ =	sdelay $0x1  }
0xa3: {  	s23 =	simm.s32 $0x1B8B  }
0xa4: {  	_ =	swait.ge [sflag:s23], $0x1  }
0xa5: {  	[sflag:s23] =	ssyncset.done $0x0  }
0xa6: {  	s25 =	simm.s32 $0x1B8E;
	s24 =	sld [smem:$0x3FFE];
	[sflag:s23] =	ssyncadd.s32 $0xFFFFFFFF  }
0xa7: {  	s26 =	simm.s32 $execute0_lowered;
	[smem:$0x3FD2] =	sst s25  }
0xa8: {  	s7 =	sshll.u32 s26, $0x1;
	_ =	strace $0x80000046;
	[dreg:$0x1] =	wrdreg $0xFFFFFFFF  }
0xa9: {  	s28 =	simm.s32 $_size_execute0_lowered;
	s5 =	sadd.s32 s5, s7;
	[dreg:$0x0] =	wrdreg $0x0  }
0xaa: {  	s7 =	sshll.u32 s28, $0x1;
	[dreg:$0x2] =	wrdreg s5  }
0xab: {  	[dreg:$0x3] =	wrdreg s7  }
0xac: {  	[dreg:$0x4] =	wrdreg $0xC0  }
0xad: {  	_ =	task [dreg:s9], $0x5FFFF  }
0xae: {  	[dreg:$0x1] =	wrdreg $0xFFFFFFFF  }
0xaf: {  	[dreg:$0x0] =	wrdreg $0x60  }
0xb0: {  	[dreg:$0x2] =	wrdreg s4  }
0xb1: {  	[dreg:$0x3] =	wrdreg s24  }
0xb2: {  	[dreg:$0x4] =	wrdreg s2  }
0xb3: {  	[dreg:$0x5] =	wrdreg s18  }
0xb4: {  	[dreg:$0x6] =	wrdreg $0x85C00  }
0xb5: {  	[dreg:$0x7] =	wrdreg $0x1C5C00  }
0xb6: {  	[dreg:$0x8] =	wrdreg $0x9  }
0xb7: {  	_ =	task.clear_ibuf [dreg:s9], $0x9FFFF;
	_ =	strace $0x90000046  }
0xb8: {  	s29 =	simm.s32 $0x9;
	_ =	strace $0x80000048  }
0xb9: {  	_ =	swait.ge [sflag:s29], $0x1  }
0xba: {  	[sflag:s29] =	ssyncadd.s32 $0xFFFFFFFF  }
0xbb: {  	_ =	strace $0x90000048  }
0xbc: {  	_ =	sfence  }
0xbd: {  	s30 =	sld [smem:$0x0];
	_ =	sdelay $0x2  }
0xbe: {  	s31 =	sshll.u32 s1, $0xD;
	s1 =	sshrl.u32 s1, $0x2  }
0xbf: {  	s3 =	sand.u32 $0x4000, s31;
	s1 =	sadd.s32 s1, s30  }
0xc0: {  	s0 =	sor.u32 s3, s0;
	s1 =	sshll.u32 s1, $0x11  }
0xc1: {  	s0 =	sor.u32 s1, s0  }
0xc2: {  	s0 =	sadd.s32 $0x8F2B, s0  }
0xc3: {  	[sflag:s0] =	ssyncadd.remote.s32 $0x1  }
0xc4: {  	_ =	sfence.sel $0xFFFF  }
0xc5: {  	[dreg:$0x0] =	wrdreg $0xFFFFFFFF;
	(pc) =	sbr.abs _section_cstart, $3  }
0xc6: {  	[dreg:$0x1] =	wrdreg $0xFFFFFFFF  }
0xc7: {  	_ =	task.clear_ibuf [dreg:s9], $0x2FFFF;
	_ =	strace $0x9FFFFFFF  }
0xc8: {  	(tm) =	ssettm $0x7FFFFFFF  }
0xc9: {  	_ =	shalt  }
tec
execute0_lowered:
.L_overlay_start_1:
0x0: {  	(tag) =	ssettag $0x1  }
0x1: {  	s0 =	srdreg.scid  }
0x2: {  	s2 =	rddreg [dreg:$0x1];
	s25 =	stileid.u32  }
0x3: {  	s1 =	simm.s32 $0x0;
	s28 =	simm.s32 $0x2;
	s4 =	smul.u32 $0x14000, s25  }
0x4: {  	s0 =	sand.u32 $0x1, s0;
	[smem:$0x7FF] =	sst s1;
	s6 =	sadd.s32 $0x41C00, s2  }
0x5: {  	s31 =	sadd.s32 $0x19C00, s2;
	s30 =	sadd.s32 $0x16800, s2;
	s13 =	sshrl.u32 s4, $0x3  }
0x6: {  	s3 =	ssub.s32 $0x2, s0;
	p0 =	sne.s32 s0, $0x0;
	s10 =	sadd.s32 s6, s13  }
0x7: {  	s5 =	sshrl.u32 s3, $0x1;
	s7 =	sadd.s32 $0x5000, s4;
	[dreg:$0x7] =	wrdreg s10  }
0x8: {  	s8 =	sadd.s32 $0x7800, s4;
	s13 =	sadd.s32 s31, s13;
	s10 =	rddreg [dreg:$0x0]  }
0x9: {  	s9 =	sadd.s32 $0xA000, s4;
	s16 =	sshrl.u32 s7, $0x3;
	[dreg:$0xf] =	wrdreg s13  }
0xa: {  	s17 =	sshrl.u32 s8, $0x3;
	s21 =	sadd.s32 s6, s16;
	s13 =	rddreg [dreg:$0x2]  }
0xb: {  	s18 =	sshrl.u32 s9, $0x3;
	s22 =	sadd.s32 s6, s17;
	[dreg:$0x9] =	wrdreg s21  }
0xc: {  	s11 =	sadd.s32 $0xC800, s4;
	s23 =	sadd.s32 s6, s18;
	[dreg:$0xa] =	wrdreg s22  }
0xd: {  	s12 =	sadd.s32 $0xF000, s4;
	s16 =	sadd.s32 s31, s16;
	[dreg:$0xb] =	wrdreg s23  }
0xe: {  	s14 =	sadd.s32 $0x11800, s4;
	s19 =	sadd.s32 s31, s17;
	[dreg:$0x11] =	wrdreg s16  }
0xf: {  	s5 =	ssub.s32 s3, s5;
	s3 =	sor.u32 $0x2800, s4;
	[dreg:$0x12] =	wrdreg s19  }
0x10: {  	s15 =	sshrl.u32 s3, $0x3;
	s17 =	sadd.s32 $0x16E00, s2;
	s16 =	rddreg [dreg:$0x3]  }
0x11: {  	s5 =	smax.u32 s5, $0x1;
	s20 =	sadd.s32 s6, s15;
	s19 =	rddreg [dreg:$0x4]  }
0x12: {  	s21 =	sshrl.u32 s12, $0x3;
	s15 =	sadd.s32 s31, s15;
	[dreg:$0x8] =	wrdreg s20  }
0x13: {  	s23 =	sshrl.u32 s14, $0x3;
	s22 =	sadd.s32 s31, s18;
	[dreg:$0x10] =	wrdreg s15  }
0x14: {  	s18 =	sadd.s32 $0x17200, s2;
	s20 =	sshrl.u32 s11, $0x3;
	[dreg:$0x13] =	wrdreg s22  }
0x15: {  	s26 =	sadd.s32 s6, s21;
	s15 =	smul.u32 $0x1400, s25;
	s22 =	rddreg [dreg:$0x5]  }
0x16: {  	s29 =	sadd.s32 s4, s19;
	s0 =	sadd.s32 s9, s19;
	s4 =	sadd.s32 s14, s19  }
0x17: {  	s9 =	smul.u32 $0x4E20, s25;
	s24 =	sadd.s32 s6, s20;
	[dreg:$0xd] =	wrdreg s26  }
0x18: {  	s6 =	sadd.s32 s6, s23;
	s26 =	sadd.s32 s31, s21;
	[dreg:$0xc] =	wrdreg s24  }
0x19: {  	s21 =	sadd.s32 s3, s19;
	s3 =	sadd.s32 s12, s19;
	[dreg:$0xe] =	wrdreg s6  }
0x1a: {  	s12 =	simm.s32 $0x3;
	s24 =	sadd.s32 s31, s20;
	[dreg:$0x15] =	wrdreg s26  }
0x1b: {  	s6 =	sadd.s32 s31, s23;
	s31 =	sshrl.u32 s15, $0x3;
	[dreg:$0x14] =	wrdreg s24  }
0x1c: {  	s20 =	smul.u32 $0x5000, s25;
	s23 =	sadd.s32 s7, s19;
	[dreg:$0x16] =	wrdreg s6  }
0x1d: {  	s6 =	sadd.s32 s31, s2;
	_ =	strace $0x80000047;
	[dreg:$0x18] =	wrdreg s17  }
0x1e: {  	s24 =	sadd.s32 $0x2E00, s2;
	s2 =	sadd.s32 s11, s19;
	[dreg:$0x19] =	wrdreg s18  }
0x1f: {  	s31 =	sadd.s32 s15, s22;
	s11 =	simm.s32 $0x49C0;
	[dreg:$0x1a] =	wrdreg s21  }
0x20: {  	s15 =	simm.s32 $0x4740;
	[dreg:$0x1b] =	wrdreg s23;
	s18 =	sadd.s32 s8, s19  }
.Ltmp0:
0x21: {  	s26 =	sshrl.u32 s20, $0x2;
	[dreg:$0x1d] =	wrdreg s31;
	(pc) =	sbr.rel .LBB2_1-.Ltmp0, $4  }
0x22: {  	s6 =	sadd.s32 $0x17400, s6;
	[dreg:$0x1f] =	wrdreg s5;
	s17 =	simm.s32 $0xFA0  }
0x23: {  	s20 =	simm.s32 $0x50;
	s21 =	simm.s32 $0x1F40;
	[dreg:$0x17] =	wrdreg s30  }
0x24: {  	s23 =	simm.s32 $0x3340;
	s7 =	sadd.s32 s26, s22;
	[dreg:$0x1e] =	wrdreg s6  }
0x25: {  	s5 =	simm.s32 $0x0;
	s26 =	simm.s32 $0x1;
	[dreg:$0x1c] =	wrdreg s7  }
.LBB2_12:
0x26: {  	s5 =	sadd.s32 $0x1, s5;
	s6 =	rddreg [dreg:$0x1f]  }
0x27: {  	p1 =	sne.s32 s5, s6  }
.Ltmp1:
0x28: {  	_ = 	snop;
	(pc) =	sbr.rel @!p1 .LBB2_13-.Ltmp1, $1  }
0x29: {  	_ =	sdelay $0x3  }
.LBB2_1:
0x2a: {  	[tilespmem:s11], [sflag:$0x3] =	stream.linear.gather [hbm4b:s30+s1], $0x2800, $0x38;
	[tilespmem:$0x1D9C0] =	vst v63  }
0x2b: {  	_ =	swait.ge [sflag:s12], $0x2800  }
0x2c: {  	[sflag:s12] =	ssyncset.done $0x0  }
0x2d: {  	[sflag:s12] =	ssyncadd.s32 $0xFFFFD800  }
0x2e: {  	[spmem:s29] =	stream.linear.scatter [tilespmem:s11], [sflag:$0x3], $0x2800, $0x38;
	[tilespmem:$0x1D9C0] =	vst v63  }
0x2f: {  	_ =	swait.ge [sflag:s12], $0x2800  }
0x30: {  	[sflag:s12] =	ssyncset.done $0x0  }
0x31: {  	s6 =	rddreg [dreg:$0x1a];
	[sflag:s12] =	ssyncadd.s32 $0xFFFFD800  }
0x32: {  	[spmem:s6] =	stream.linear.scatter [tilespmem:s11], [sflag:$0x3], $0x2800, $0x38;
	[tilespmem:$0x1D9C0] =	vst v63  }
0x33: {  	_ =	swait.ge [sflag:s12], $0x2800  }
0x34: {  	[sflag:s12] =	ssyncset.done $0x0  }
0x35: {  	s31 =	smov.u32 s29;
	s29 =	rddreg [dreg:$0x1b];
	[sflag:s12] =	ssyncadd.s32 $0xFFFFD800  }
0x36: {  	[spmem:s29] =	stream.linear.scatter [tilespmem:s11], [sflag:$0x3], $0x2800, $0x38;
	[tilespmem:$0x1D9C0] =	vst v63  }
0x37: {  	_ =	swait.ge [sflag:s12], $0x2800  }
0x38: {  	[sflag:s12] =	ssyncset.done $0x0  }
0x39: {  	[sflag:s12] =	ssyncadd.s32 $0xFFFFD800  }
0x3a: {  	[spmem:s18] =	stream.linear.scatter [tilespmem:s11], [sflag:$0x3], $0x2800, $0x38;
	[tilespmem:$0x1D9C0] =	vst v63  }
0x3b: {  	_ =	swait.ge [sflag:s12], $0x2800  }
0x3c: {  	[sflag:s12] =	ssyncset.done $0x0  }
0x3d: {  	[sflag:s12] =	ssyncadd.s32 $0xFFFFD800  }
0x3e: {  	[spmem:s0] =	stream.linear.scatter [tilespmem:s11], [sflag:$0x3], $0x2800, $0x38;
	[tilespmem:$0x1D9C0] =	vst v63  }
0x3f: {  	_ =	swait.ge [sflag:s12], $0x2800  }
0x40: {  	[sflag:s12] =	ssyncset.done $0x0  }
0x41: {  	[sflag:s12] =	ssyncadd.s32 $0xFFFFD800  }
0x42: {  	[spmem:s2] =	stream.linear.scatter [tilespmem:s11], [sflag:$0x3], $0x2800, $0x38;
	[tilespmem:$0x1D9C0] =	vst v63  }
0x43: {  	_ =	swait.ge [sflag:s12], $0x2800  }
0x44: {  	[sflag:s12] =	ssyncset.done $0x0  }
0x45: {  	[sflag:s12] =	ssyncadd.s32 $0xFFFFD800  }
0x46: {  	[spmem:s3] =	stream.linear.scatter [tilespmem:s11], [sflag:$0x3], $0x2800, $0x38;
	[tilespmem:$0x1D9C0] =	vst v63  }
0x47: {  	_ =	swait.ge [sflag:s12], $0x2800  }
0x48: {  	[sflag:s12] =	ssyncset.done $0x0  }
.Ltmp2:
0x49: {  	[sflag:s12] =	ssyncadd.s32 $0xFFFFD800;
	(pc) =	sbr.rel @p0 .LBB2_7-.Ltmp2, $4  }
0x4a: {  	[spmem:s4] =	stream.linear.scatter [tilespmem:s11], [sflag:$0x3], $0x2800, $0x38;
	[tilespmem:$0x1D9C0] =	vst v63  }
0x4b: {  	_ =	swait.ge [sflag:s12], $0x2800  }
0x4c: {  	[sflag:s12] =	ssyncset.done $0x0  }
0x4d: {  	[sflag:s12] =	ssyncadd.s32 $0xFFFFD800  }
0x4e: {  	s6 =	simm.s32 $0x0;
	s7 =	rddreg [dreg:$0x18];
	s8 =	simm.s32 $0x71C0  }
0x4f: {  	[tilespmem:s8], [sflag:$0x3] =	stream.linear.gather [hbm4b:s7+s6], $0x1400, $0x38;
	[tilespmem:$0x1D9C0] =	vst v63  }
0x50: {  	_ =	swait.ge [sflag:s12], $0x1400  }
0x51: {  	[sflag:s12] =	ssyncset.done $0x0  }
0x52: {  	s29 =	rddreg [dreg:$0x1c];
	[sflag:s12] =	ssyncadd.s32 $0xFFFFEC00  }
0x53: {  	[spmem:s29] =	stream.linear.scatter [tilespmem:s8], [sflag:$0x3], $0x1400, $0x38;
	[tilespmem:$0x1D9C0] =	vst v63  }
0x54: {  	_ =	swait.ge [sflag:s12], $0x1400  }
0x55: {  	[sflag:s12] =	ssyncset.done $0x0  }
0x56: {  	s30 =	rddreg [dreg:$0x19];
	[sflag:s12] =	ssyncadd.s32 $0xFFFFEC00  }
0x57: {  	[tilespmem:s15], [sflag:$0x3] =	stream.linear.gather [hbm4b:s30+s6], $0x280, $0x38;
	[tilespmem:$0x1D9C0] =	vst v63  }
0x58: {  	_ =	swait.ge [sflag:s12], $0x280  }
0x59: {  	[sflag:s12] =	ssyncset.done $0x0  }
0x5a: {  	[sflag:s12] =	ssyncadd.s32 $0xFFFFFD80  }
0x5b: {  	s7 =	simm.s32 $0x0;
	[bflag:$0x0] =	sbarrier.arrive $0xFFFF  }
.LBB2_3:
0x5c: {  	s14 =	smul.u32 $0xFA0, s7;
	_ =	sdelay $0x1  }
0x5d: {  	s14 =	sadd.s32 s9, s14  }
0x5e: {  	s14 =	sshrl.u32 s14, $0x3  }
0x5f: {  	s25 =	sadd.s32 s13, s14  }
0x60: {  	[tilespmem:s6], [sflag:$0x3] =	stream.linear.gather [hbm4b:s25+s6], $0xFA0, $0x38;
	[tilespmem:$0x1D9C0] =	vst v63  }
0x61: {  	_ =	swait.ge [sflag:s12], $0xFA0  }
0x62: {  	[sflag:s12] =	ssyncset.done $0x0  }
0x63: {  	s14 =	sadd.s32 s16, s14;
	[sflag:s12] =	ssyncadd.s32 $0xFFFFF060  }
0x64: {  	[tilespmem:s17], [sflag:$0x3] =	stream.linear.gather [hbm4b:s14+s6], $0xFA0, $0x38;
	[tilespmem:$0x1D9C0] =	vst v63  }
0x65: {  	_ =	swait.ge [sflag:s12], $0xFA0  }
0x66: {  	[sflag:s12] =	ssyncset.done $0x0  }
0x67: {  	s25 =	simm.s32 $0x0;
	[sflag:s12] =	ssyncadd.s32 $0xFFFFF060  }
0x68: {  	[tilespmem:s21], [sflag:$0x1] =	stream.indirect.gather [hbm4b:s10+s20], $0x40, s25, s20, $0xb8;
	[tilespmem:$0x1D9C0] =	vst v63  }
0x69: {  	s29 =	simm.s32 $0x50  }
0x6a: {  	[tilespmem:s23], [sflag:$0x2] =	stream.indirect.gather [hbm4b:s10+s20], $0x40, s29, s20, $0xb8;
	[tilespmem:$0x1D9C0] =	vst v63  }
0x6b: {  	_ =	swait.ge [sflag:s26], $0x1400  }
0x6c: {  	[sflag:s26] =	ssyncset.done $0x0  }
0x6d: {  	s8 =	simm.s32 $0xFA0;
	[sflag:s26] =	ssyncadd.s32 $0xFFFFEC00  }
0x6e: {  	[spmem:s19] =	stream.indirect.scatter.add.f32 [tilespmem:s21], [sflag:$0x3], $0x40, s8, s20, $0xb8;
	[tilespmem:$0x1D9C0] =	vst v63  }
0x6f: {  	_ =	swait.ge [sflag:s12], $0x1400  }
0x70: {  	[sflag:s12] =	ssyncset.done $0x0  }
0x71: {  	[sflag:s12] =	ssyncadd.s32 $0xFFFFEC00  }
0x72: {  	[spmem:s22] =	stream.indirect.scatter.add.f32 [tilespmem:s15], [sflag:$0x3], $0x8, s25, s20, $0xb8;
	[tilespmem:$0x1D9C0] =	vst v63  }
0x73: {  	_ =	swait.ge [sflag:s12], $0x280  }
0x74: {  	[sflag:s12] =	ssyncset.done $0x0  }
0x75: {  	[sflag:s12] =	ssyncadd.s32 $0xFFFFFD80  }
0x76: {  	_ =	swait.ge [sflag:s28], $0x1400  }
0x77: {  	[sflag:s28] =	ssyncset.done $0x0  }
0x78: {  	s30 =	simm.s32 $0xFF0;
	[sflag:s28] =	ssyncadd.s32 $0xFFFFEC00  }
0x79: {  	[spmem:s19] =	stream.indirect.scatter.add.f32 [tilespmem:s23], [sflag:$0x3], $0x40, s30, s20, $0xb8;
	[tilespmem:$0x1D9C0] =	vst v63  }
0x7a: {  	_ =	swait.ge [sflag:s12], $0x1400  }
0x7b: {  	[sflag:s12] =	ssyncset.done $0x0  }
0x7c: {  	[sflag:s12] =	ssyncadd.s32 $0xFFFFEC00  }
0x7d: {  	[spmem:s22] =	stream.indirect.scatter.add.f32 [tilespmem:s15], [sflag:$0x3], $0x8, s29, s20, $0xb8;
	[tilespmem:$0x1D9C0] =	vst v63  }
0x7e: {  	_ =	swait.ge [sflag:s12], $0x280  }
0x7f: {  	s14 =	simm.s32 $0x500;
	s25 =	simm.s32 $0x280;
	[sflag:s12] =	ssyncset.done $0x0  }
.LBB2_4:
0x80: {  	s8 =	sshra.s32 s25, $0x2  }
0x81: {  	[sflag:s12] =	ssyncadd.s32 $0xFFFFFD80;
	s25 =	smov.u32 s14;
	s29 =	sadd.s32 $0x280, s14  }
0x82: {  	[tilespmem:s21], [sflag:$0x1] =	stream.indirect.gather [hbm4b:s10+s20], $0x40, s8, s20, $0xb8;
	[tilespmem:$0x1D9C0] =	vst v63  }
0x83: {  	p1 =	sne.s32 s14, $0x3C00;
	s14 =	sadd.s32 $0x50, s8  }
0x84: {  	[tilespmem:s23], [sflag:$0x2] =	stream.indirect.gather [hbm4b:s10+s20], $0x40, s14, s20, $0xb8;
	[tilespmem:$0x1D9C0] =	vst v63  }
0x85: {  	_ =	swait.ge [sflag:s26], $0x1400  }
0x86: {  	[sflag:s26] =	ssyncset.done $0x0  }
0x87: {  	s30 =	sadd.s32 $0xFA0, s8;
	[sflag:s26] =	ssyncadd.s32 $0xFFFFEC00  }
0x88: {  	[spmem:s19] =	stream.indirect.scatter.add.f32 [tilespmem:s21], [sflag:$0x3], $0x40, s30, s20, $0xb8;
	[tilespmem:$0x1D9C0] =	vst v63  }
0x89: {  	_ =	swait.ge [sflag:s12], $0x1400  }
0x8a: {  	[sflag:s12] =	ssyncset.done $0x0  }
0x8b: {  	[sflag:s12] =	ssyncadd.s32 $0xFFFFEC00  }
0x8c: {  	[spmem:s22] =	stream.indirect.scatter.add.f32 [tilespmem:s15], [sflag:$0x3], $0x8, s8, s20, $0xb8;
	[tilespmem:$0x1D9C0] =	vst v63  }
0x8d: {  	_ =	swait.ge [sflag:s12], $0x280  }
0x8e: {  	[sflag:s12] =	ssyncset.done $0x0  }
0x8f: {  	[sflag:s12] =	ssyncadd.s32 $0xFFFFFD80  }
0x90: {  	_ =	swait.ge [sflag:s28], $0x1400  }
0x91: {  	[sflag:s28] =	ssyncset.done $0x0  }
0x92: {  	s8 =	sadd.s32 $0xFF0, s8;
	[sflag:s28] =	ssyncadd.s32 $0xFFFFEC00  }
0x93: {  	[spmem:s19] =	stream.indirect.scatter.add.f32 [tilespmem:s23], [sflag:$0x3], $0x40, s8, s20, $0xb8;
	[tilespmem:$0x1D9C0] =	vst v63  }
0x94: {  	_ =	swait.ge [sflag:s12], $0x1400  }
.Ltmp3:
0x95: {  	[sflag:s12] =	ssyncset.done $0x0;
	(pc) =	sbr.rel @p1 .LBB2_4-.Ltmp3, $4  }
0x96: {  	[sflag:s12] =	ssyncadd.s32 $0xFFFFEC00  }
0x97: {  	[spmem:s22] =	stream.indirect.scatter.add.f32 [tilespmem:s15], [sflag:$0x3], $0x8, s14, s20, $0xb8;
	[tilespmem:$0x1D9C0] =	vst v63  }
0x98: {  	_ =	swait.ge [sflag:s12], $0x280  }
0x99: {  	s14 =	smov.u32 s29;
	[sflag:s12] =	ssyncset.done $0x0  }
0x9a: {  	s8 =	sshra.s32 s25, $0x2;
	[sflag:s12] =	ssyncadd.s32 $0xFFFFFD80  }
0x9b: {  	[tilespmem:s21], [sflag:$0x1] =	stream.indirect.gather [hbm4b:s10+s20], $0x40, s8, s20, $0xb8;
	[tilespmem:$0x1D9C0] =	vst v63  }
0x9c: {  	s14 =	sadd.s32 $0x50, s8  }
0x9d: {  	[tilespmem:s23], [sflag:$0x2] =	stream.indirect.gather [hbm4b:s10+s20], $0x40, s14, s20, $0xb8;
	[tilespmem:$0x1D9C0] =	vst v63  }
0x9e: {  	_ =	swait.ge [sflag:s26], $0x1400  }
0x9f: {  	[sflag:s26] =	ssyncset.done $0x0  }
0xa0: {  	s25 =	sadd.s32 $0xFA0, s8;
	[sflag:s26] =	ssyncadd.s32 $0xFFFFEC00  }
0xa1: {  	[spmem:s19] =	stream.indirect.scatter.add.f32 [tilespmem:s21], [sflag:$0x3], $0x40, s25, s20, $0xb8;
	[tilespmem:$0x1D9C0] =	vst v63  }
0xa2: {  	_ =	swait.ge [sflag:s12], $0x1400  }
0xa3: {  	[sflag:s12] =	ssyncset.done $0x0  }
0xa4: {  	[sflag:s12] =	ssyncadd.s32 $0xFFFFEC00  }
0xa5: {  	[spmem:s22] =	stream.indirect.scatter.add.f32 [tilespmem:s15], [sflag:$0x3], $0x8, s8, s20, $0xb8;
	[tilespmem:$0x1D9C0] =	vst v63  }
0xa6: {  	_ =	swait.ge [sflag:s12], $0x280  }
0xa7: {  	[sflag:s12] =	ssyncset.done $0x0  }
0xa8: {  	[sflag:s12] =	ssyncadd.s32 $0xFFFFFD80  }
0xa9: {  	_ =	swait.ge [sflag:s28], $0x1400  }
0xaa: {  	[sflag:s28] =	ssyncset.done $0x0  }
0xab: {  	s8 =	sadd.s32 $0xFF0, s8;
	[sflag:s28] =	ssyncadd.s32 $0xFFFFEC00  }
0xac: {  	[spmem:s19] =	stream.indirect.scatter.add.f32 [tilespmem:s23], [sflag:$0x3], $0x40, s8, s20, $0xb8;
	[tilespmem:$0x1D9C0] =	vst v63  }
0xad: {  	s7 =	sadd.s32 $0x1, s7;
	_ =	swait.ge [sflag:s12], $0x1400  }
0xae: {  	p1 =	seq.s32 s7, $0x5;
	[sflag:s12] =	ssyncset.done $0x0  }
.Ltmp4:
0xaf: {  	[sflag:s12] =	ssyncadd.s32 $0xFFFFEC00;
	(pc) =	sbr.rel @!p1 .LBB2_3-.Ltmp4, $4  }
0xb0: {  	[spmem:s22] =	stream.indirect.scatter.add.f32 [tilespmem:s15], [sflag:$0x3], $0x8, s14, s20, $0xb8;
	[tilespmem:$0x1D9C0] =	vst v63  }
0xb1: {  	_ =	swait.ge [sflag:s12], $0x280  }
0xb2: {  	[sflag:s12] =	ssyncset.done $0x0  }
0xb3: {  	[sflag:s12] =	ssyncadd.s32 $0xFFFFFD80  }
0xb4: {  	[bflag:$0x0] =	sbarrier.arrive $0xFFFF  }
0xb5: {  	[tilespmem:s11], [sflag:$0x3] =	stream.linear.gather [spmem:s31], $0x2800, $0x38;
	[tilespmem:$0x1D9C0] =	vst v63  }
0xb6: {  	_ =	swait.ge [sflag:s12], $0x2800  }
0xb7: {  	[sflag:s12] =	ssyncset.done $0x0  }
0xb8: {  	s6 =	rddreg [dreg:$0xf];
	[sflag:s12] =	ssyncadd.s32 $0xFFFFD800  }
0xb9: {  	[hbm4b:s6+s1] =	stream.linear.scatter [tilespmem:s11], [sflag:$0x3], $0x2800, $0x38;
	[tilespmem:$0x1D9C0] =	vst v63  }
0xba: {  	_ =	swait.ge [sflag:s12], $0x2800  }
0xbb: {  	[sflag:s12] =	ssyncset.done $0x0  }
0xbc: {  	s29 =	smov.u32 s31;
	s31 =	rddreg [dreg:$0x1a];
	[sflag:s12] =	ssyncadd.s32 $0xFFFFD800  }
0xbd: {  	[tilespmem:s11], [sflag:$0x3] =	stream.linear.gather [spmem:s31], $0x2800, $0x38;
	[tilespmem:$0x1D9C0] =	vst v63  }
0xbe: {  	_ =	swait.ge [sflag:s12], $0x2800  }
0xbf: {  	[sflag:s12] =	ssyncset.done $0x0  }
0xc0: {  	s7 =	rddreg [dreg:$0x10];
	[sflag:s12] =	ssyncadd.s32 $0xFFFFD800  }
0xc1: {  	[hbm4b:s7+s1] =	stream.linear.scatter [tilespmem:s11], [sflag:$0x3], $0x2800, $0x38;
	[tilespmem:$0x1D9C0] =	vst v63  }
0xc2: {  	_ =	swait.ge [sflag:s12], $0x2800  }
0xc3: {  	[sflag:s12] =	ssyncset.done $0x0  }
0xc4: {  	s8 =	rddreg [dreg:$0x1b];
	[sflag:s12] =	ssyncadd.s32 $0xFFFFD800  }
0xc5: {  	[tilespmem:s11], [sflag:$0x3] =	stream.linear.gather [spmem:s8], $0x2800, $0x38;
	[tilespmem:$0x1D9C0] =	vst v63  }
0xc6: {  	_ =	swait.ge [sflag:s12], $0x2800  }
0xc7: {  	[sflag:s12] =	ssyncset.done $0x0  }
0xc8: {  	s14 =	rddreg [dreg:$0x11];
	[sflag:s12] =	ssyncadd.s32 $0xFFFFD800  }
0xc9: {  	[hbm4b:s14+s1] =	stream.linear.scatter [tilespmem:s11], [sflag:$0x3], $0x2800, $0x38;
	[tilespmem:$0x1D9C0] =	vst v63  }
0xca: {  	_ =	swait.ge [sflag:s12], $0x2800  }
0xcb: {  	[sflag:s12] =	ssyncset.done $0x0  }
0xcc: {  	[sflag:s12] =	ssyncadd.s32 $0xFFFFD800  }
0xcd: {  	[tilespmem:s11], [sflag:$0x3] =	stream.linear.gather [spmem:s18], $0x2800, $0x38;
	[tilespmem:$0x1D9C0] =	vst v63  }
0xce: {  	_ =	swait.ge [sflag:s12], $0x2800  }
0xcf: {  	[sflag:s12] =	ssyncset.done $0x0  }
0xd0: {  	s25 =	rddreg [dreg:$0x12];
	[sflag:s12] =	ssyncadd.s32 $0xFFFFD800  }
0xd1: {  	[hbm4b:s25+s1] =	stream.linear.scatter [tilespmem:s11], [sflag:$0x3], $0x2800, $0x38;
	[tilespmem:$0x1D9C0] =	vst v63  }
0xd2: {  	_ =	swait.ge [sflag:s12], $0x2800  }
0xd3: {  	[sflag:s12] =	ssyncset.done $0x0  }
0xd4: {  	[sflag:s12] =	ssyncadd.s32 $0xFFFFD800  }
0xd5: {  	[tilespmem:s11], [sflag:$0x3] =	stream.linear.gather [spmem:s0], $0x2800, $0x38;
	[tilespmem:$0x1D9C0] =	vst v63  }
0xd6: {  	_ =	swait.ge [sflag:s12], $0x2800  }
0xd7: {  	[sflag:s12] =	ssyncset.done $0x0  }
0xd8: {  	s31 =	rddreg [dreg:$0x13];
	[sflag:s12] =	ssyncadd.s32 $0xFFFFD800  }
0xd9: {  	[hbm4b:s31+s1] =	stream.linear.scatter [tilespmem:s11], [sflag:$0x3], $0x2800, $0x38;
	[tilespmem:$0x1D9C0] =	vst v63  }
0xda: {  	_ =	swait.ge [sflag:s12], $0x2800  }
0xdb: {  	[sflag:s12] =	ssyncset.done $0x0  }
0xdc: {  	[sflag:s12] =	ssyncadd.s32 $0xFFFFD800  }
0xdd: {  	[tilespmem:s11], [sflag:$0x3] =	stream.linear.gather [spmem:s2], $0x2800, $0x38;
	[tilespmem:$0x1D9C0] =	vst v63  }
0xde: {  	_ =	swait.ge [sflag:s12], $0x2800  }
0xdf: {  	[sflag:s12] =	ssyncset.done $0x0  }
0xe0: {  	s7 =	rddreg [dreg:$0x14];
	[sflag:s12] =	ssyncadd.s32 $0xFFFFD800  }
0xe1: {  	[hbm4b:s7+s1] =	stream.linear.scatter [tilespmem:s11], [sflag:$0x3], $0x2800, $0x38;
	[tilespmem:$0x1D9C0] =	vst v63  }
0xe2: {  	_ =	swait.ge [sflag:s12], $0x2800  }
0xe3: {  	[sflag:s12] =	ssyncset.done $0x0  }
0xe4: {  	[sflag:s12] =	ssyncadd.s32 $0xFFFFD800  }
0xe5: {  	[tilespmem:s11], [sflag:$0x3] =	stream.linear.gather [spmem:s3], $0x2800, $0x38;
	[tilespmem:$0x1D9C0] =	vst v63  }
0xe6: {  	_ =	swait.ge [sflag:s12], $0x2800  }
0xe7: {  	[sflag:s12] =	ssyncset.done $0x0  }
0xe8: {  	s8 =	rddreg [dreg:$0x15];
	[sflag:s12] =	ssyncadd.s32 $0xFFFFD800  }
0xe9: {  	[hbm4b:s8+s1] =	stream.linear.scatter [tilespmem:s11], [sflag:$0x3], $0x2800, $0x38;
	[tilespmem:$0x1D9C0] =	vst v63  }
0xea: {  	_ =	swait.ge [sflag:s12], $0x2800  }
0xeb: {  	[sflag:s12] =	ssyncset.done $0x0  }
0xec: {  	[sflag:s12] =	ssyncadd.s32 $0xFFFFD800  }
0xed: {  	[tilespmem:s11], [sflag:$0x3] =	stream.linear.gather [spmem:s4], $0x2800, $0x38;
	[tilespmem:$0x1D9C0] =	vst v63  }
0xee: {  	_ =	swait.ge [sflag:s12], $0x2800  }
0xef: {  	[sflag:s12] =	ssyncset.done $0x0  }
0xf0: {  	s14 =	rddreg [dreg:$0x16];
	[sflag:s12] =	ssyncadd.s32 $0xFFFFD800  }
0xf1: {  	[hbm4b:s14+s1] =	stream.linear.scatter [tilespmem:s11], [sflag:$0x3], $0x2800, $0x38;
	[tilespmem:$0x1D9C0] =	vst v63  }
0xf2: {  	_ =	swait.ge [sflag:s12], $0x2800  }
0xf3: {  	[sflag:s12] =	ssyncset.done $0x0  }
0xf4: {  	s7 =	simm.s32 $0x71C0;
	s25 =	rddreg [dreg:$0x1d];
	[sflag:s12] =	ssyncadd.s32 $0xFFFFD800  }
0xf5: {  	[tilespmem:s7], [sflag:$0x3] =	stream.linear.gather [spmem:s25], $0x1400, $0x38;
	[tilespmem:$0x1D9C0] =	vst v63  }
0xf6: {  	_ =	swait.ge [sflag:s12], $0x1400  }
0xf7: {  	[sflag:s12] =	ssyncset.done $0x0  }
.Ltmp5:
0xf8: {  	s31 =	rddreg [dreg:$0x1e];
	[sflag:s12] =	ssyncadd.s32 $0xFFFFEC00;
	(pc) =	sbr.rel .LBB2_12-.Ltmp5, $4  }
0xf9: {  	[hbm4b:s31+s1] =	stream.linear.scatter [tilespmem:s7], [sflag:$0x3], $0x1400, $0x38;
	[tilespmem:$0x1D9C0] =	vst v63  }
0xfa: {  	_ =	swait.ge [sflag:s12], $0x1400  }
0xfb: {  	[sflag:s12] =	ssyncset.done $0x0  }
0xfc: {  	s30 =	rddreg [dreg:$0x17];
	[sflag:s12] =	ssyncadd.s32 $0xFFFFEC00  }
.LBB2_7:
0xfd: {  	[bflag:$0x0] =	sbarrier.arrive $0xFFFF;
	s6 =	simm.s32 $0x0;
	s7 =	simm.s32 $0x0  }
.LBB2_8:
0xfe: {  	s8 =	smul.u32 $0xFA0, s7;
	_ =	sdelay $0x1  }
0xff: {  	s8 =	sadd.s32 s9, s8  }
0x100: {  	s8 =	sshrl.u32 s8, $0x3  }
0x101: {  	s14 =	sadd.s32 s13, s8  }
0x102: {  	[tilespmem:s6], [sflag:$0x3] =	stream.linear.gather [hbm4b:s14+s6], $0xFA0, $0x38;
	[tilespmem:$0x1D9C0] =	vst v63  }
0x103: {  	_ =	swait.ge [sflag:s12], $0xFA0  }
0x104: {  	[sflag:s12] =	ssyncset.done $0x0  }
0x105: {  	s8 =	sadd.s32 s16, s8;
	[sflag:s12] =	ssyncadd.s32 $0xFFFFF060  }
0x106: {  	[tilespmem:s17], [sflag:$0x3] =	stream.linear.gather [hbm4b:s8+s6], $0xFA0, $0x38;
	[tilespmem:$0x1D9C0] =	vst v63  }
0x107: {  	_ =	swait.ge [sflag:s12], $0xFA0  }
0x108: {  	[sflag:s12] =	ssyncset.done $0x0  }
0x109: {  	s29 =	simm.s32 $0x0;
	[sflag:s12] =	ssyncadd.s32 $0xFFFFF060  }
0x10a: {  	[tilespmem:s21], [sflag:$0x1] =	stream.indirect.gather [hbm4b:s24+s20], $0x40, s29, s20, $0xb8;
	[tilespmem:$0x1D9C0] =	vst v63  }
0x10b: {  	s14 =	simm.s32 $0x50  }
0x10c: {  	[tilespmem:s23], [sflag:$0x2] =	stream.indirect.gather [hbm4b:s24+s20], $0x40, s14, s20, $0xb8;
	[tilespmem:$0x1D9C0] =	vst v63  }
0x10d: {  	_ =	swait.ge [sflag:s26], $0x1400  }
0x10e: {  	[sflag:s26] =	ssyncset.done $0x0  }
0x10f: {  	s25 =	simm.s32 $0xFA0;
	[sflag:s26] =	ssyncadd.s32 $0xFFFFEC00  }
0x110: {  	[spmem:s19] =	stream.indirect.scatter.add.f32 [tilespmem:s21], [sflag:$0x3], $0x40, s25, s20, $0xb8;
	[tilespmem:$0x1D9C0] =	vst v63  }
0x111: {  	_ =	swait.ge [sflag:s12], $0x1400  }
0x112: {  	[sflag:s12] =	ssyncset.done $0x0  }
0x113: {  	[sflag:s12] =	ssyncadd.s32 $0xFFFFEC00  }
0x114: {  	_ =	swait.ge [sflag:s28], $0x1400  }
0x115: {  	[sflag:s28] =	ssyncset.done $0x0  }
0x116: {  	s29 =	simm.s32 $0xFF0;
	[sflag:s28] =	ssyncadd.s32 $0xFFFFEC00  }
0x117: {  	[spmem:s19] =	stream.indirect.scatter.add.f32 [tilespmem:s23], [sflag:$0x3], $0x40, s29, s20, $0xb8;
	[tilespmem:$0x1D9C0] =	vst v63  }
0x118: {  	_ =	swait.ge [sflag:s12], $0x1400  }
0x119: {  	s14 =	simm.s32 $0x500;
	s25 =	simm.s32 $0x280;
	[sflag:s12] =	ssyncset.done $0x0  }
.LBB2_9:
0x11a: {  	s8 =	sshra.s32 s25, $0x2  }
0x11b: {  	[sflag:s12] =	ssyncadd.s32 $0xFFFFEC00;
	s25 =	smov.u32 s14;
	s29 =	sadd.s32 $0x280, s14  }
0x11c: {  	[tilespmem:s21], [sflag:$0x1] =	stream.indirect.gather [hbm4b:s24+s20], $0x40, s8, s20, $0xb8;
	[tilespmem:$0x1D9C0] =	vst v63  }
0x11d: {  	p1 =	sne.s32 s14, $0x3C00;
	s14 =	sadd.s32 $0x50, s8  }
0x11e: {  	[tilespmem:s23], [sflag:$0x2] =	stream.indirect.gather [hbm4b:s24+s20], $0x40, s14, s20, $0xb8;
	[tilespmem:$0x1D9C0] =	vst v63  }
0x11f: {  	_ =	swait.ge [sflag:s26], $0x1400  }
0x120: {  	[sflag:s26] =	ssyncset.done $0x0  }
0x121: {  	s14 =	sadd.s32 $0xFA0, s8;
	[sflag:s26] =	ssyncadd.s32 $0xFFFFEC00  }
0x122: {  	[spmem:s19] =	stream.indirect.scatter.add.f32 [tilespmem:s21], [sflag:$0x3], $0x40, s14, s20, $0xb8;
	[tilespmem:$0x1D9C0] =	vst v63  }
0x123: {  	_ =	swait.ge [sflag:s12], $0x1400  }
0x124: {  	[sflag:s12] =	ssyncset.done $0x0  }
0x125: {  	[sflag:s12] =	ssyncadd.s32 $0xFFFFEC00  }
0x126: {  	_ =	swait.ge [sflag:s28], $0x1400  }
.Ltmp6:
0x127: {  	[sflag:s28] =	ssyncset.done $0x0;
	(pc) =	sbr.rel @p1 .LBB2_9-.Ltmp6, $4  }
0x128: {  	s8 =	sadd.s32 $0xFF0, s8;
	[sflag:s28] =	ssyncadd.s32 $0xFFFFEC00  }
0x129: {  	[spmem:s19] =	stream.indirect.scatter.add.f32 [tilespmem:s23], [sflag:$0x3], $0x40, s8, s20, $0xb8;
	[tilespmem:$0x1D9C0] =	vst v63  }
0x12a: {  	_ =	swait.ge [sflag:s12], $0x1400  }
0x12b: {  	s14 =	smov.u32 s29;
	[sflag:s12] =	ssyncset.done $0x0  }
0x12c: {  	s8 =	sshra.s32 s25, $0x2;
	[sflag:s12] =	ssyncadd.s32 $0xFFFFEC00  }
0x12d: {  	[tilespmem:s21], [sflag:$0x1] =	stream.indirect.gather [hbm4b:s24+s20], $0x40, s8, s20, $0xb8;
	[tilespmem:$0x1D9C0] =	vst v63  }
0x12e: {  	s14 =	sadd.s32 $0x50, s8  }
0x12f: {  	[tilespmem:s23], [sflag:$0x2] =	stream.indirect.gather [hbm4b:s24+s20], $0x40, s14, s20, $0xb8;
	[tilespmem:$0x1D9C0] =	vst v63  }
0x130: {  	_ =	swait.ge [sflag:s26], $0x1400  }
0x131: {  	[sflag:s26] =	ssyncset.done $0x0  }
0x132: {  	s29 =	sadd.s32 $0xFA0, s8;
	[sflag:s26] =	ssyncadd.s32 $0xFFFFEC00  }
0x133: {  	[spmem:s19] =	stream.indirect.scatter.add.f32 [tilespmem:s21], [sflag:$0x3], $0x40, s29, s20, $0xb8;
	[tilespmem:$0x1D9C0] =	vst v63  }
0x134: {  	_ =	swait.ge [sflag:s12], $0x1400  }
0x135: {  	[sflag:s12] =	ssyncset.done $0x0  }
0x136: {  	[sflag:s12] =	ssyncadd.s32 $0xFFFFEC00  }
0x137: {  	s7 =	sadd.s32 $0x1, s7;
	_ =	swait.ge [sflag:s28], $0x1400  }
0x138: {  	p1 =	sne.s32 s7, $0x5;
	[sflag:s28] =	ssyncset.done $0x0  }
.Ltmp7:
0x139: {  	s8 =	sadd.s32 $0xFF0, s8;
	[sflag:s28] =	ssyncadd.s32 $0xFFFFEC00;
	(pc) =	sbr.rel @p1 .LBB2_8-.Ltmp7, $4  }
0x13a: {  	[spmem:s19] =	stream.indirect.scatter.add.f32 [tilespmem:s23], [sflag:$0x3], $0x40, s8, s20, $0xb8;
	[tilespmem:$0x1D9C0] =	vst v63  }
0x13b: {  	_ =	swait.ge [sflag:s12], $0x1400  }
0x13c: {  	[sflag:s12] =	ssyncset.done $0x0  }
0x13d: {  	[sflag:s12] =	ssyncadd.s32 $0xFFFFEC00  }
0x13e: {  	[bflag:$0x0] =	sbarrier.arrive $0xFFFF  }
0x13f: {  	[tilespmem:s11], [sflag:$0x3] =	stream.linear.gather [spmem:s31], $0x2800, $0x38;
	[tilespmem:$0x1D9C0] =	vst v63  }
0x140: {  	_ =	swait.ge [sflag:s12], $0x2800  }
0x141: {  	[sflag:s12] =	ssyncset.done $0x0  }
0x142: {  	s6 =	rddreg [dreg:$0x7];
	[sflag:s12] =	ssyncadd.s32 $0xFFFFD800  }
0x143: {  	[hbm4b:s6+s1] =	stream.linear.scatter [tilespmem:s11], [sflag:$0x3], $0x2800, $0x38;
	[tilespmem:$0x1D9C0] =	vst v63  }
0x144: {  	_ =	swait.ge [sflag:s12], $0x2800  }
0x145: {  	[sflag:s12] =	ssyncset.done $0x0  }
0x146: {  	s8 =	rddreg [dreg:$0x1a];
	[sflag:s12] =	ssyncadd.s32 $0xFFFFD800  }
0x147: {  	[tilespmem:s11], [sflag:$0x3] =	stream.linear.gather [spmem:s8], $0x2800, $0x38;
	[tilespmem:$0x1D9C0] =	vst v63  }
0x148: {  	_ =	swait.ge [sflag:s12], $0x2800  }
0x149: {  	[sflag:s12] =	ssyncset.done $0x0  }
0x14a: {  	s14 =	rddreg [dreg:$0x8];
	[sflag:s12] =	ssyncadd.s32 $0xFFFFD800  }
0x14b: {  	[hbm4b:s14+s1] =	stream.linear.scatter [tilespmem:s11], [sflag:$0x3], $0x2800, $0x38;
	[tilespmem:$0x1D9C0] =	vst v63  }
0x14c: {  	_ =	swait.ge [sflag:s12], $0x2800  }
0x14d: {  	[sflag:s12] =	ssyncset.done $0x0  }
0x14e: {  	s25 =	rddreg [dreg:$0x1b];
	[sflag:s12] =	ssyncadd.s32 $0xFFFFD800  }
0x14f: {  	[tilespmem:s11], [sflag:$0x3] =	stream.linear.gather [spmem:s25], $0x2800, $0x38;
	[tilespmem:$0x1D9C0] =	vst v63  }
0x150: {  	_ =	swait.ge [sflag:s12], $0x2800  }
0x151: {  	[sflag:s12] =	ssyncset.done $0x0  }
0x152: {  	s29 =	smov.u32 s31;
	s31 =	rddreg [dreg:$0x9];
	[sflag:s12] =	ssyncadd.s32 $0xFFFFD800  }
0x153: {  	[hbm4b:s31+s1] =	stream.linear.scatter [tilespmem:s11], [sflag:$0x3], $0x2800, $0x38;
	[tilespmem:$0x1D9C0] =	vst v63  }
0x154: {  	_ =	swait.ge [sflag:s12], $0x2800  }
0x155: {  	[sflag:s12] =	ssyncset.done $0x0  }
0x156: {  	[sflag:s12] =	ssyncadd.s32 $0xFFFFD800  }
0x157: {  	[tilespmem:s11], [sflag:$0x3] =	stream.linear.gather [spmem:s18], $0x2800, $0x38;
	[tilespmem:$0x1D9C0] =	vst v63  }
0x158: {  	_ =	swait.ge [sflag:s12], $0x2800  }
0x159: {  	[sflag:s12] =	ssyncset.done $0x0  }
0x15a: {  	s7 =	rddreg [dreg:$0xa];
	[sflag:s12] =	ssyncadd.s32 $0xFFFFD800  }
0x15b: {  	[hbm4b:s7+s1] =	stream.linear.scatter [tilespmem:s11], [sflag:$0x3], $0x2800, $0x38;
	[tilespmem:$0x1D9C0] =	vst v63  }
0x15c: {  	_ =	swait.ge [sflag:s12], $0x2800  }
0x15d: {  	[sflag:s12] =	ssyncset.done $0x0  }
0x15e: {  	[sflag:s12] =	ssyncadd.s32 $0xFFFFD800  }
0x15f: {  	[tilespmem:s11], [sflag:$0x3] =	stream.linear.gather [spmem:s0], $0x2800, $0x38;
	[tilespmem:$0x1D9C0] =	vst v63  }
0x160: {  	_ =	swait.ge [sflag:s12], $0x2800  }
0x161: {  	[sflag:s12] =	ssyncset.done $0x0  }
0x162: {  	s8 =	rddreg [dreg:$0xb];
	[sflag:s12] =	ssyncadd.s32 $0xFFFFD800  }
0x163: {  	[hbm4b:s8+s1] =	stream.linear.scatter [tilespmem:s11], [sflag:$0x3], $0x2800, $0x38;
	[tilespmem:$0x1D9C0] =	vst v63  }
0x164: {  	_ =	swait.ge [sflag:s12], $0x2800  }
0x165: {  	[sflag:s12] =	ssyncset.done $0x0  }
0x166: {  	[sflag:s12] =	ssyncadd.s32 $0xFFFFD800  }
0x167: {  	[tilespmem:s11], [sflag:$0x3] =	stream.linear.gather [spmem:s2], $0x2800, $0x38;
	[tilespmem:$0x1D9C0] =	vst v63  }
0x168: {  	_ =	swait.ge [sflag:s12], $0x2800  }
0x169: {  	[sflag:s12] =	ssyncset.done $0x0  }
0x16a: {  	s14 =	rddreg [dreg:$0xc];
	[sflag:s12] =	ssyncadd.s32 $0xFFFFD800  }
0x16b: {  	[hbm4b:s14+s1] =	stream.linear.scatter [tilespmem:s11], [sflag:$0x3], $0x2800, $0x38;
	[tilespmem:$0x1D9C0] =	vst v63  }
0x16c: {  	_ =	swait.ge [sflag:s12], $0x2800  }
0x16d: {  	[sflag:s12] =	ssyncset.done $0x0  }
0x16e: {  	[sflag:s12] =	ssyncadd.s32 $0xFFFFD800  }
0x16f: {  	[tilespmem:s11], [sflag:$0x3] =	stream.linear.gather [spmem:s3], $0x2800, $0x38;
	[tilespmem:$0x1D9C0] =	vst v63  }
0x170: {  	_ =	swait.ge [sflag:s12], $0x2800  }
0x171: {  	[sflag:s12] =	ssyncset.done $0x0  }
0x172: {  	s25 =	rddreg [dreg:$0xd];
	[sflag:s12] =	ssyncadd.s32 $0xFFFFD800  }
0x173: {  	[hbm4b:s25+s1] =	stream.linear.scatter [tilespmem:s11], [sflag:$0x3], $0x2800, $0x38;
	[tilespmem:$0x1D9C0] =	vst v63  }
0x174: {  	_ =	swait.ge [sflag:s12], $0x2800  }
0x175: {  	[sflag:s12] =	ssyncset.done $0x0  }
0x176: {  	[sflag:s12] =	ssyncadd.s32 $0xFFFFD800  }
0x177: {  	[tilespmem:s11], [sflag:$0x3] =	stream.linear.gather [spmem:s4], $0x2800, $0x38;
	[tilespmem:$0x1D9C0] =	vst v63  }
0x178: {  	_ =	swait.ge [sflag:s12], $0x2800  }
0x179: {  	[sflag:s12] =	ssyncset.done $0x0  }
.Ltmp8:
0x17a: {  	s31 =	rddreg [dreg:$0xe];
	[sflag:s12] =	ssyncadd.s32 $0xFFFFD800;
	(pc) =	sbr.rel .LBB2_12-.Ltmp8, $4  }
0x17b: {  	[hbm4b:s31+s1] =	stream.linear.scatter [tilespmem:s11], [sflag:$0x3], $0x2800, $0x38;
	[tilespmem:$0x1D9C0] =	vst v63  }
0x17c: {  	_ =	swait.ge [sflag:s12], $0x2800  }
0x17d: {  	[sflag:s12] =	ssyncset.done $0x0  }
0x17e: {  	[sflag:s12] =	ssyncadd.s32 $0xFFFFD800  }
.LBB2_13:
0x17f: {  	_ =	sfence.sel $0x180000  }
0x180: {  	[bflag:$0x0] =	sbarrier.arrive $0xFFFF  }
0x181: {  	_ =	strace $0x90000047  }
0x182: {  	s0 =	stileid.u32;
	[bflag:$0x2] =	sbarrier.arrive $0xFFFF  }
0x183: {  	p0 =	sne.s32 s0, $0x0;
	s0 =	rddreg [dreg:$0x6]  }
0x184: {  	s0 =	sadd.s32 @!p0 $0x100000, s0  }
0x185: {  	[sflag:s0] =	ssyncadd.tile.s32 @!p0 $0x1;
	_ =	shalt  }
.Lfunc_end2:
_tile_overlayer_lowered:
.L_overlay_start_2:
0x186: {  	(tag) =	ssettag $0x2  }
0x187: {  	s0 =	rddreg [dreg:$0x0];
	s2 =	stileid.u32  }
0x188: {  	s1 =	rddreg [dreg:$0x1];
	p0 =	sne.s32 s2, $0x0  }
0x189: {  	s3 =	rddreg [dreg:$0x2];
	[bflag:$0x3] =	sbarrier.arrive $0xFFFF;
	s2 =	simm.s32 @!p0 $0x1C03  }
0x18a: {  	[timem:s3], [sflag:s2] =	dma.local @!p0 [hbm:s0], s1  }
0x18b: {  	s0 =	simm.s32 @!p0 $0x3  }
0x18c: {  	_ =	swait.ge @!p0 [sflag:s0], s1  }
0x18d: {  	s1 =	ssub.s32 @!p0 $0x0, s1;
	[sflag:s0] =	ssyncset.done @!p0 $0x0  }
0x18e: {  	[sflag:s0] =	ssyncadd.s32 @!p0 s1  }
0x18f: {  	[bflag:$0x3] =	sbarrier.arrive $0xFFFF  }
0x190: {  	_ =	shalt  }

// kernel: kernel.9.cloned.1.call-start
scs
__scs_entry_jumppad:
0x0: {  	(pc) =	sbr.rel $0x88, $3  }
0x1: {  	(tag) =	ssettag $0x0;
	lr =	simm.s32 $0x1  }
0x2: {  	[smem:$0x3F97] =	sst lr;
	_ =	strace $0xD0000000  }
0x3: {  	_ = 	snop  }
0x4: {  	_ = 	snop  }
0x5: {  	_ = 	snop  }
0x6: {  	_ = 	snop  }
0x7: {  	_ = 	snop  }
__scs_overlays_trampoline_lowered:
0x8: {  	[smem:$0x3FA6] =	sst s0  }
0x9: {  	[smem:$0x3FA7] =	sst s1  }
0xa: {  	[smem:$0x3FA8] =	sst s2  }
0xb: {  	[smem:$0x3FA9] =	sst s3  }
0xc: {  	[smem:$0x3FAA] =	sst s4  }
0xd: {  	[smem:$0x3FAB] =	sst s5  }
0xe: {  	[smem:$0x3FAC] =	sst s6  }
0xf: {  	[smem:$0x3FAD] =	sst s7  }
0x10: {  	[smem:$0x3FAE] =	sst s8  }
0x11: {  	[smem:$0x3FAF] =	sst s9;
	s0 =	simm.s32 @!p0 $0x0  }
0x12: {  	s1 =	sld [smem:$0x3F95];
	s0 =	simm.s32 @p0 $0x1  }
0x13: {  	[smem:$0x3FB0] =	sst s0;
	s0 =	simm.s32 @!p1 $0x0  }
0x14: {  	s2 =	sld [smem:$0x3F94];
	s0 =	simm.s32 @p1 $0x1  }
0x15: {  	[smem:$0x3FB1] =	sst s0;
	s0 =	simm.s32 @!p2 $0x0  }
0x16: {  	s3 =	sld [smem:$0x3FDB];
	s0 =	simm.s32 @p2 $0x1  }
0x17: {  	s4 =	simm.s32 $0x1BF5;
	[smem:$0x3FB3] =	sst s0  }
0x18: {  	s0 =	sld [smem:$0x3F96];
	_ =	swait.ge [sflag:s4], $0x0  }
0x19: {  	s7 =	sld [smem:$0x3F97]  }
0x1a: {  	s8 =	sadd.s32 $0xFFFFE003, lr  }
0x1b: {  	s9 =	sadd.s32 $0xFFFFFEF7, lr;
	s5 =	simm.s32 $0xFFFFFFFF;
	p2 =	slt.u32 s8, $0xFFFFF086  }
0x1c: {  	p1 =	slt.u32 s9, $0xF7A;
	s5 =	simm.s32 @!p2 $0x0  }
0x1d: {  	s5 =	simm.s32 @p1 $0x1;
	p0 =	seq.s32 s7, s2  }
0x1e: {  	s7 =	smul.u32 @!p0 $0xF7A, s2;
	p2 =	seq.s32 @!p0 s5, $0x0  }
0x1f: {  	s9 =	smul.u32 $0xF7A, s1;
	s8 =	simm.s32 @!p0 $0x1BF5;
	p2 =	por !p2, p0  }
0x20: {  	[sflag:s8] =	ssyncset.s32 @!p0 $0xFFFFF086;
	s6 =	sadd.s32 @!p0 s3, s7;
	s7 =	simm.s32 @!p0 $0x108  }
0x21: {  	s3 =	sadd.s32 s3, s9;
	s6 =	sadd.s32 @!p0 $0x88, s6;
	s7 =	simm.s32 @p2 $0x1082  }
0x22: {  	[simem:s7], [sflag:s8] =	dma.local @!p0 [hbm:s6], $0xF7A  }
0x23: {  	s9 =	sor.u32 $0xD0000000, s2;
	s6 =	simm.s32 $0x108;
	_ =	swait.ge @!p0 [sflag:s8], $0x0  }
0x24: {  	s3 =	sadd.s32 $0x88, s3;
	s6 =	simm.s32 @!p1 $0x1082;
	[sflag:s4] =	ssyncset.s32 $0xFFFFF086  }
0x25: {  	[simem:s6], [sflag:s4] =	dma.local [hbm:s3], $0xF7A  }
0x26: {  	[smem:$0x3F97] =	sst s1;
	(tag) =	ssettag s2;
	_ =	strace s9  }
0x27: {  	s1 =	sld [smem:$0x3FA7]  }
0x28: {  	s2 =	sld [smem:$0x3FA8]  }
0x29: {  	s4 =	sld [smem:$0x3FAA]  }
0x2a: {  	p0 =	seq.s32 s5, $0x0;
	s5 =	sld [smem:$0x3FAB]  }
0x2b: {  	s6 =	sld [smem:$0x3FAC]  }
0x2c: {  	s7 =	sld [smem:$0x3FAD]  }
0x2d: {  	s3 =	simm.s32 $0x108;
	s8 =	sld [smem:$0x3FAE]  }
0x2e: {  	s3 =	simm.s32 @!p0 $0x1082;
	s9 =	sld [smem:$0x3FAF]  }
0x2f: {  	lr =	sadd.s32 s0, s3;
	s0 =	sld [smem:$0x3FA6]  }
0x30: {  	s3 =	sld [smem:$0x3FA9]  }
0x31: {  	[smem:$0x3FB2] =	sst s10  }
0x32: {  	s10 =	sld [smem:$0x3FB0];
	_ =	sdelay $0x3  }
0x33: {  	p0 =	seq.s32 s10, $0x1;
	s10 =	sld [smem:$0x3FB2];
	_ =	sdelay $0x3  }
0x34: {  	[smem:$0x3FB2] =	sst s10  }
0x35: {  	s10 =	sld [smem:$0x3FB1];
	_ =	sdelay $0x3  }
0x36: {  	p1 =	seq.s32 s10, $0x1;
	s10 =	sld [smem:$0x3FB2];
	_ =	sdelay $0x3  }
0x37: {  	[smem:$0x3FB2] =	sst s10  }
0x38: {  	s10 =	sld [smem:$0x3FB3]  }
0x39: {  	_ = 	snop;
	(pc) =	sbr.ind lr, $3  }
0x3a: {  	_ = 	snop  }
0x3b: {  	_ = 	snop  }
0x3c: {  	p2 =	seq.s32 s10, $0x1;
	s10 =	sld [smem:$0x3FB2]  }
0x3d: {  	_ =	shalt  }
0x3e: {  	_ =	shalt  }
0x3f: {  	_ =	shalt  }
0x40: {  	_ =	shalt  }
0x41: {  	_ =	shalt  }
0x42: {  	_ =	shalt  }
0x43: {  	_ =	shalt  }
0x44: {  	_ =	shalt  }
0x45: {  	_ =	shalt  }
0x46: {  	_ =	shalt  }
0x47: {  	_ =	shalt  }
0x48: {  	_ =	shalt  }
0x49: {  	_ =	shalt  }
0x4a: {  	_ =	shalt  }
0x4b: {  	_ =	shalt  }
0x4c: {  	_ =	shalt  }
0x4d: {  	_ =	shalt  }
0x4e: {  	_ =	shalt  }
0x4f: {  	_ =	shalt  }
0x50: {  	_ =	shalt  }
0x51: {  	_ =	shalt  }
0x52: {  	_ =	shalt  }
0x53: {  	_ =	shalt  }
0x54: {  	_ =	shalt  }
0x55: {  	_ =	shalt  }
0x56: {  	_ =	shalt  }
0x57: {  	_ =	shalt  }
0x58: {  	_ =	shalt  }
0x59: {  	_ =	shalt  }
0x5a: {  	_ =	shalt  }
0x5b: {  	_ =	shalt  }
0x5c: {  	_ =	shalt  }
0x5d: {  	_ =	shalt  }
0x5e: {  	_ =	shalt  }
0x5f: {  	_ =	shalt  }
0x60: {  	_ =	shalt  }
0x61: {  	_ =	shalt  }
0x62: {  	_ =	shalt  }
0x63: {  	_ =	shalt  }
0x64: {  	_ =	shalt  }
0x65: {  	_ =	shalt  }
0x66: {  	_ =	shalt  }
0x67: {  	_ =	shalt  }
0x68: {  	_ =	shalt  }
0x69: {  	_ =	shalt  }
0x6a: {  	_ =	shalt  }
0x6b: {  	_ =	shalt  }
0x6c: {  	_ =	shalt  }
0x6d: {  	_ =	shalt  }
0x6e: {  	_ =	shalt  }
0x6f: {  	_ =	shalt  }
0x70: {  	_ =	shalt  }
0x71: {  	_ =	shalt  }
0x72: {  	_ =	shalt  }
0x73: {  	_ =	shalt  }
0x74: {  	_ =	shalt  }
0x75: {  	_ =	shalt  }
0x76: {  	_ =	shalt  }
0x77: {  	_ =	shalt  }
0x78: {  	_ =	shalt  }
0x79: {  	_ =	shalt  }
0x7a: {  	_ =	shalt  }
0x7b: {  	_ =	shalt  }
0x7c: {  	_ =	shalt  }
0x7d: {  	_ =	shalt  }
0x7e: {  	_ =	shalt  }
0x7f: {  	_ =	shalt  }
0x80: {  	_ =	shalt  }
0x81: {  	_ =	shalt  }
0x82: {  	_ =	shalt  }
0x83: {  	_ =	shalt  }
0x84: {  	_ =	shalt  }
0x85: {  	_ =	shalt  }
0x86: {  	_ =	shalt  }
0x87: {  	_ =	shalt  }
.Lfunc_end0:
.L_simem_size_0:
called_computation.1_lowered:
.L_overlay_start_0:
0x88: {  	s2 =	sld [smem:$0x3FD9]  }
0x89: {  	s3 =	sld [smem:$0x3FFE];
	_ =	sdelay $0x1  }
0x8a: {  	s1 =	srdreg.scid  }
0x8b: {  	s0 =	sand.u32 $0x1, s1  }
0x8c: {  	s17 =	sshll.u32 s0, $0xA;
	s2 =	sadd.s32 s3, s2  }
0x8d: {  	s2 =	sadd.s32 s2, s17  }
0x8e: {  	[smem:$0x3FBE] =	sst s2  }
0x8f: {  	_ = 	snop  }
0x90: {  	s2 =	sld [smem:$0x3FC8]  }
0x91: {  	s18 =	sld [smem:$0x3FC7]  }
0x92: {  	s4 =	sld [smem:$0x3FD0];
	(tm) =	ssettm $0x1  }
0x93: {  	s5 =	sld [smem:$0x3FFB];
	_ =	sdelay $0x3  }
0x94: {  	_ =	strace s5  }
0x95: {  	s5 =	sld [smem:$0x3FFC];
	_ =	sdelay $0x3  }
0x96: {  	_ =	strace s5  }
0x97: {  	s5 =	sld [smem:$0x3FFD];
	_ =	sdelay $0x3  }
0x98: {  	_ =	strace s5  }
0x99: {  	_ =	strace $0x8FFFFFFF  }
0x9a: {  	s19 =	sld [smem:$0x3FDB];
	_ =	sdelay $0x1  }
0x9b: {  	s6 =	simm.s32 $_scs_section_size  }
0x9c: {  	s7 =	simm.s32 $_size__tile_overlayer_lowered;
	s8 =	simm.s32 $_tile_overlayer_lowered  }
0x9d: {  	s22 =	simm.s32 $0x1BFF;
	s21 =	sshll.u32 s8, $0x1;
	s5 =	sadd.s32 s6, s19  }
0x9e: {  	s9 =	simm.s32 $0x0;
	s20 =	sshll.u32 s7, $0x1;
	s7 =	sadd.s32 s21, s5  }
0x9f: {  	[timem:s9], [sflag:s22] =	dma.local [hbm:s7], s20  }
0xa0: {  	_ =	swait.ge [sflag:s22], s20  }
0xa1: {  	s6 =	ssub.s32 $0x0, s20;
	[sflag:s22] =	ssyncset.done $0x0  }
0xa2: {  	[sflag:s22] =	ssyncadd.s32 s6;
	_ =	sdelay $0x1  }
0xa3: {  	s23 =	simm.s32 $0x1B8B  }
0xa4: {  	_ =	swait.ge [sflag:s23], $0x1  }
0xa5: {  	[sflag:s23] =	ssyncset.done $0x0  }
0xa6: {  	s25 =	simm.s32 $0x1B8E;
	s24 =	sld [smem:$0x3FFE];
	[sflag:s23] =	ssyncadd.s32 $0xFFFFFFFF  }
0xa7: {  	s26 =	simm.s32 $execute0_lowered;
	[smem:$0x3FD2] =	sst s25  }
0xa8: {  	s7 =	sshll.u32 s26, $0x1;
	_ =	strace $0x80000049;
	[dreg:$0x1] =	wrdreg $0xFFFFFFFF  }
0xa9: {  	s28 =	simm.s32 $_size_execute0_lowered;
	s5 =	sadd.s32 s5, s7;
	[dreg:$0x0] =	wrdreg $0x0  }
0xaa: {  	s7 =	sshll.u32 s28, $0x1;
	[dreg:$0x2] =	wrdreg s5  }
0xab: {  	[dreg:$0x3] =	wrdreg s7  }
0xac: {  	[dreg:$0x4] =	wrdreg $0xC0  }
0xad: {  	_ =	task [dreg:s9], $0x5FFFF  }
0xae: {  	[dreg:$0x1] =	wrdreg $0xFFFFFFFF  }
0xaf: {  	[dreg:$0x0] =	wrdreg $0x60  }
0xb0: {  	[dreg:$0x2] =	wrdreg s24  }
0xb1: {  	[dreg:$0x3] =	wrdreg s2  }
0xb2: {  	[dreg:$0x4] =	wrdreg s18  }
0xb3: {  	[dreg:$0x5] =	wrdreg s4  }
0xb4: {  	[dreg:$0x6] =	wrdreg $0x6F400  }
0xb5: {  	[dreg:$0x7] =	wrdreg $0x9  }
0xb6: {  	_ =	task.clear_ibuf [dreg:s9], $0x8FFFF;
	_ =	strace $0x90000049  }
0xb7: {  	s29 =	simm.s32 $0x9;
	_ =	strace $0x8000004B  }
0xb8: {  	_ =	swait.ge [sflag:s29], $0x1  }
0xb9: {  	[sflag:s29] =	ssyncadd.s32 $0xFFFFFFFF  }
0xba: {  	_ =	strace $0x9000004B  }
0xbb: {  	_ =	sfence  }
0xbc: {  	s30 =	sld [smem:$0x0];
	_ =	sdelay $0x2  }
0xbd: {  	s31 =	sshll.u32 s1, $0xD;
	s1 =	sshrl.u32 s1, $0x2  }
0xbe: {  	s3 =	sand.u32 $0x4000, s31;
	s1 =	sadd.s32 s1, s30  }
0xbf: {  	s0 =	sor.u32 s3, s0;
	s1 =	sshll.u32 s1, $0x11  }
0xc0: {  	s0 =	sor.u32 s1, s0  }
0xc1: {  	s0 =	sadd.s32 $0x8F2B, s0  }
0xc2: {  	[sflag:s0] =	ssyncadd.remote.s32 $0x1  }
0xc3: {  	_ =	sfence.sel $0xFFFF  }
0xc4: {  	[dreg:$0x0] =	wrdreg $0xFFFFFFFF;
	(pc) =	sbr.abs _section_cstart, $3  }
0xc5: {  	[dreg:$0x1] =	wrdreg $0xFFFFFFFF  }
0xc6: {  	_ =	task.clear_ibuf [dreg:s9], $0x2FFFF;
	_ =	strace $0x9FFFFFFF  }
0xc7: {  	(tm) =	ssettm $0x7FFFFFFF  }
tec
execute0_lowered:
.L_overlay_start_1:
0x0: {  	(tag) =	ssettag $0x1  }
0x1: {  	s0 =	rddreg [dreg:$0x0]  }
0x2: {  	s1 =	rddreg [dreg:$0x1]  }
0x3: {  	s2 =	rddreg [dreg:$0x2]  }
0x4: {  	s4 =	rddreg [dreg:$0x4];
	s5 =	simm.s32 $0x0  }
0x5: {  	s6 =	srdreg.scid;
	s3 =	stileid.u32;
	s21 =	simm.s32 $0x4740  }
0x6: {  	s22 =	simm.s32 $0x3;
	s23 =	simm.s32 $0xFA0;
	s24 =	simm.s32 $0x50  }
0x7: {  	s25 =	simm.s32 $0x1F40;
	s26 =	simm.s32 $0x3340;
	s28 =	simm.s32 $0x1  }
0x8: {  	s29 =	simm.s32 $0x2;
	s30 =	simm.s32 $0x0;
	[smem:$0x7FF] =	sst s5  }
0x9: {  	s7 =	sadd.s32 $0x19C00, s0;
	s6 =	sand.u32 $0x1, s6;
	s8 =	sadd.s32 $0x41C00, s0  }
0xa: {  	s16 =	smul.u32 $0xA000, s3;
	s9 =	sadd.s32 $0x16800, s0;
	s0 =	sadd.s32 $0x69C00, s0  }
0xb: {  	s15 =	smul.u32 $0x4E20, s3;
	_ =	strace $0x8000004A;
	[dreg:$0x6] =	wrdreg s9  }
0xc: {  	s11 =	ssub.s32 $0x2, s6;
	[dreg:$0x7] =	wrdreg s0;
	p0 =	sne.s32 s6, $0x0  }
.Ltmp0:
0xd: {  	s31 =	sshrl.u32 s11, $0x1;
	s17 =	sadd.s32 $0x2800, s16;
	(pc) =	sbr.rel .LBB2_1-.Ltmp0, $4  }
0xe: {  	s18 =	sadd.s32 $0x5000, s16;
	s19 =	sadd.s32 $0x7800, s16;
	s0 =	ssub.s32 s11, s31  }
0xf: {  	s11 =	sadd.s32 s16, s4;
	s12 =	sadd.s32 s17, s4;
	s13 =	sadd.s32 s18, s4  }
0x10: {  	s14 =	sadd.s32 s19, s4;
	s16 =	sshrl.u32 s16, $0x3;
	s17 =	sshrl.u32 s17, $0x3  }
0x11: {  	s18 =	sshrl.u32 s18, $0x3;
	s19 =	sshrl.u32 s19, $0x3;
	s20 =	smax.u32 s0, $0x1  }
.LBB2_10:
0x12: {  	[bflag:$0x0] =	sbarrier.arrive $0xFFFF  }
0x13: {  	[tilespmem:s21], [sflag:$0x3] =	stream.linear.gather [spmem:s11], $0x2800, $0x38;
	[tilespmem:$0x10F40] =	vst v63  }
0x14: {  	_ =	swait.ge [sflag:s22], $0x2800  }
0x15: {  	[sflag:s22] =	ssyncset.done $0x0  }
0x16: {  	s3 =	sadd.s32 s0, s16;
	[sflag:s22] =	ssyncadd.s32 $0xFFFFD800  }
0x17: {  	[hbm4b:s3+s5] =	stream.linear.scatter [tilespmem:s21], [sflag:$0x3], $0x2800, $0x38;
	[tilespmem:$0x10F40] =	vst v63  }
0x18: {  	_ =	swait.ge [sflag:s22], $0x2800  }
0x19: {  	[sflag:s22] =	ssyncset.done $0x0  }
0x1a: {  	[sflag:s22] =	ssyncadd.s32 $0xFFFFD800  }
0x1b: {  	[tilespmem:s21], [sflag:$0x3] =	stream.linear.gather [spmem:s12], $0x2800, $0x38;
	[tilespmem:$0x10F40] =	vst v63  }
0x1c: {  	_ =	swait.ge [sflag:s22], $0x2800  }
0x1d: {  	[sflag:s22] =	ssyncset.done $0x0  }
0x1e: {  	s9 =	sadd.s32 s0, s17;
	[sflag:s22] =	ssyncadd.s32 $0xFFFFD800  }
0x1f: {  	[hbm4b:s9+s5] =	stream.linear.scatter [tilespmem:s21], [sflag:$0x3], $0x2800, $0x38;
	[tilespmem:$0x10F40] =	vst v63  }
0x20: {  	_ =	swait.ge [sflag:s22], $0x2800  }
0x21: {  	[sflag:s22] =	ssyncset.done $0x0  }
0x22: {  	[sflag:s22] =	ssyncadd.s32 $0xFFFFD800  }
0x23: {  	[tilespmem:s21], [sflag:$0x3] =	stream.linear.gather [spmem:s13], $0x2800, $0x38;
	[tilespmem:$0x10F40] =	vst v63  }
0x24: {  	_ =	swait.ge [sflag:s22], $0x2800  }
0x25: {  	[sflag:s22] =	ssyncset.done $0x0  }
0x26: {  	s10 =	sadd.s32 s0, s18;
	[sflag:s22] =	ssyncadd.s32 $0xFFFFD800  }
0x27: {  	[hbm4b:s10+s5] =	stream.linear.scatter [tilespmem:s21], [sflag:$0x3], $0x2800, $0x38;
	[tilespmem:$0x10F40] =	vst v63  }
0x28: {  	_ =	swait.ge [sflag:s22], $0x2800  }
0x29: {  	[sflag:s22] =	ssyncset.done $0x0  }
0x2a: {  	[sflag:s22] =	ssyncadd.s32 $0xFFFFD800  }
0x2b: {  	[tilespmem:s21], [sflag:$0x3] =	stream.linear.gather [spmem:s14], $0x2800, $0x38;
	[tilespmem:$0x10F40] =	vst v63  }
0x2c: {  	s30 =	sadd.s32 $0x1, s30;
	_ =	swait.ge [sflag:s22], $0x2800  }
0x2d: {  	p1 =	sne.s32 s30, s20;
	[sflag:s22] =	ssyncset.done $0x0  }
.Ltmp1:
0x2e: {  	s31 =	sadd.s32 s0, s19;
	[sflag:s22] =	ssyncadd.s32 $0xFFFFD800;
	(pc) =	sbr.rel @!p1 .LBB2_11-.Ltmp1, $4  }
0x2f: {  	[hbm4b:s31+s5] =	stream.linear.scatter [tilespmem:s21], [sflag:$0x3], $0x2800, $0x38;
	[tilespmem:$0x10F40] =	vst v63  }
0x30: {  	_ =	swait.ge [sflag:s22], $0x2800  }
0x31: {  	[sflag:s22] =	ssyncset.done $0x0  }
0x32: {  	[sflag:s22] =	ssyncadd.s32 $0xFFFFD800  }
.LBB2_1:
0x33: {  	s0 =	rddreg [dreg:$0x6]  }
0x34: {  	[tilespmem:s21], [sflag:$0x3] =	stream.linear.gather [hbm4b:s0+s5], $0x2800, $0x38;
	[tilespmem:$0x10F40] =	vst v63  }
0x35: {  	_ =	swait.ge [sflag:s22], $0x2800  }
0x36: {  	[sflag:s22] =	ssyncset.done $0x0  }
0x37: {  	[sflag:s22] =	ssyncadd.s32 $0xFFFFD800  }
0x38: {  	[spmem:s11] =	stream.linear.scatter [tilespmem:s21], [sflag:$0x3], $0x2800, $0x38;
	[tilespmem:$0x10F40] =	vst v63  }
0x39: {  	_ =	swait.ge [sflag:s22], $0x2800  }
0x3a: {  	[sflag:s22] =	ssyncset.done $0x0  }
0x3b: {  	[sflag:s22] =	ssyncadd.s32 $0xFFFFD800  }
0x3c: {  	[spmem:s12] =	stream.linear.scatter [tilespmem:s21], [sflag:$0x3], $0x2800, $0x38;
	[tilespmem:$0x10F40] =	vst v63  }
0x3d: {  	_ =	swait.ge [sflag:s22], $0x2800  }
0x3e: {  	[sflag:s22] =	ssyncset.done $0x0  }
0x3f: {  	[sflag:s22] =	ssyncadd.s32 $0xFFFFD800  }
0x40: {  	[spmem:s13] =	stream.linear.scatter [tilespmem:s21], [sflag:$0x3], $0x2800, $0x38;
	[tilespmem:$0x10F40] =	vst v63  }
0x41: {  	_ =	swait.ge [sflag:s22], $0x2800  }
0x42: {  	[sflag:s22] =	ssyncset.done $0x0  }
0x43: {  	[sflag:s22] =	ssyncadd.s32 $0xFFFFD800  }
0x44: {  	[spmem:s14] =	stream.linear.scatter [tilespmem:s21], [sflag:$0x3], $0x2800, $0x38;
	[tilespmem:$0x10F40] =	vst v63  }
.Ltmp2:
0x45: {  	_ =	swait.ge [sflag:s22], $0x2800;
	(pc) =	sbr.rel @p0 .LBB2_6-.Ltmp2, $4  }
0x46: {  	[sflag:s22] =	ssyncset.done $0x0  }
0x47: {  	[sflag:s22] =	ssyncadd.s32 $0xFFFFD800  }
0x48: {  	[bflag:$0x0] =	sbarrier.arrive $0xFFFF  }
0x49: {  	s31 =	simm.s32 $0x0;
	s0 =	simm.s32 $0x0  }
.LBB2_2:
0x4a: {  	s0 =	smul.u32 $0xFA0, s31;
	_ =	sdelay $0x1  }
0x4b: {  	s0 =	sadd.s32 s15, s0  }
0x4c: {  	s0 =	sshrl.u32 s0, $0x3  }
0x4d: {  	s3 =	simm.s32 $0x0;
	s6 =	sadd.s32 s1, s0  }
0x4e: {  	[tilespmem:s3], [sflag:$0x3] =	stream.linear.gather [hbm4b:s6+s3], $0xFA0, $0x38;
	[tilespmem:$0x10F40] =	vst v63  }
0x4f: {  	_ =	swait.ge [sflag:s22], $0xFA0  }
0x50: {  	[sflag:s22] =	ssyncset.done $0x0  }
0x51: {  	s0 =	sadd.s32 s2, s0;
	[sflag:s22] =	ssyncadd.s32 $0xFFFFF060  }
0x52: {  	[tilespmem:s23], [sflag:$0x3] =	stream.linear.gather [hbm4b:s0+s3], $0xFA0, $0x38;
	[tilespmem:$0x10F40] =	vst v63  }
0x53: {  	_ =	swait.ge [sflag:s22], $0xFA0  }
0x54: {  	[sflag:s22] =	ssyncset.done $0x0  }
0x55: {  	s3 =	simm.s32 $0xFA0;
	[sflag:s22] =	ssyncadd.s32 $0xFFFFF060  }
0x56: {  	[tilespmem:s25], [sflag:$0x1] =	stream.indirect.gather [hbm4b:s7+s24], $0x40, s3, s24, $0xb8;
	[tilespmem:$0x10F40] =	vst v63  }
0x57: {  	s6 =	simm.s32 $0xFF0  }
0x58: {  	[tilespmem:s26], [sflag:$0x2] =	stream.indirect.gather [hbm4b:s7+s24], $0x40, s6, s24, $0xb8;
	[tilespmem:$0x10F40] =	vst v63  }
0x59: {  	_ =	swait.ge [sflag:s28], $0x1400  }
0x5a: {  	[sflag:s28] =	ssyncset.done $0x0  }
0x5b: {  	s9 =	simm.s32 $0x0;
	[sflag:s28] =	ssyncadd.s32 $0xFFFFEC00  }
0x5c: {  	[spmem:s4] =	stream.indirect.scatter.add.f32 [tilespmem:s25], [sflag:$0x3], $0x40, s9, s24, $0xb8;
	[tilespmem:$0x10F40] =	vst v63  }
0x5d: {  	_ =	swait.ge [sflag:s22], $0x1400  }
0x5e: {  	[sflag:s22] =	ssyncset.done $0x0  }
0x5f: {  	[sflag:s22] =	ssyncadd.s32 $0xFFFFEC00  }
0x60: {  	_ =	swait.ge [sflag:s29], $0x1400  }
0x61: {  	[sflag:s29] =	ssyncset.done $0x0  }
0x62: {  	s10 =	simm.s32 $0x50;
	[sflag:s29] =	ssyncadd.s32 $0xFFFFEC00  }
0x63: {  	[spmem:s4] =	stream.indirect.scatter.add.f32 [tilespmem:s26], [sflag:$0x3], $0x40, s10, s24, $0xb8;
	[tilespmem:$0x10F40] =	vst v63  }
0x64: {  	_ =	swait.ge [sflag:s22], $0x1400  }
0x65: {  	s0 =	simm.s32 $0xA0;
	s6 =	simm.s32 $0x500;
	[sflag:s22] =	ssyncset.done $0x0  }
.LBB2_3:
0x66: {  	s3 =	sadd.s32 $0xFA0, s0  }
0x67: {  	[sflag:s22] =	ssyncadd.s32 $0xFFFFEC00;
	s10 =	smov.u32 s6;
	s9 =	sadd.s32 $0x280, s6  }
0x68: {  	[tilespmem:s25], [sflag:$0x1] =	stream.indirect.gather [hbm4b:s7+s24], $0x40, s3, s24, $0xb8;
	[tilespmem:$0x10F40] =	vst v63  }
0x69: {  	p1 =	sne.s32 s6, $0x3C00;
	s3 =	sadd.s32 $0xFF0, s0  }
0x6a: {  	[tilespmem:s26], [sflag:$0x2] =	stream.indirect.gather [hbm4b:s7+s24], $0x40, s3, s24, $0xb8;
	[tilespmem:$0x10F40] =	vst v63  }
0x6b: {  	_ =	swait.ge [sflag:s28], $0x1400  }
0x6c: {  	[sflag:s28] =	ssyncset.done $0x0  }
0x6d: {  	[sflag:s28] =	ssyncadd.s32 $0xFFFFEC00  }
0x6e: {  	[spmem:s4] =	stream.indirect.scatter.add.f32 [tilespmem:s25], [sflag:$0x3], $0x40, s0, s24, $0xb8;
	[tilespmem:$0x10F40] =	vst v63  }
0x6f: {  	_ =	swait.ge [sflag:s22], $0x1400  }
0x70: {  	[sflag:s22] =	ssyncset.done $0x0  }
0x71: {  	[sflag:s22] =	ssyncadd.s32 $0xFFFFEC00  }
0x72: {  	_ =	swait.ge [sflag:s29], $0x1400  }
.Ltmp3:
0x73: {  	[sflag:s29] =	ssyncset.done $0x0;
	(pc) =	sbr.rel @p1 .LBB2_3-.Ltmp3, $4  }
0x74: {  	s0 =	sadd.s32 $0x50, s0;
	[sflag:s29] =	ssyncadd.s32 $0xFFFFEC00  }
0x75: {  	[spmem:s4] =	stream.indirect.scatter.add.f32 [tilespmem:s26], [sflag:$0x3], $0x40, s0, s24, $0xb8;
	[tilespmem:$0x10F40] =	vst v63  }
0x76: {  	_ =	swait.ge [sflag:s22], $0x1400  }
0x77: {  	s6 =	smov.u32 s9;
	s0 =	sshra.s32 s10, $0x2;
	[sflag:s22] =	ssyncset.done $0x0  }
0x78: {  	s3 =	sadd.s32 $0xFA0, s0;
	[sflag:s22] =	ssyncadd.s32 $0xFFFFEC00  }
0x79: {  	[tilespmem:s25], [sflag:$0x1] =	stream.indirect.gather [hbm4b:s7+s24], $0x40, s3, s24, $0xb8;
	[tilespmem:$0x10F40] =	vst v63  }
0x7a: {  	s9 =	sadd.s32 $0xFF0, s0  }
0x7b: {  	[tilespmem:s26], [sflag:$0x2] =	stream.indirect.gather [hbm4b:s7+s24], $0x40, s9, s24, $0xb8;
	[tilespmem:$0x10F40] =	vst v63  }
0x7c: {  	_ =	swait.ge [sflag:s28], $0x1400  }
0x7d: {  	[sflag:s28] =	ssyncset.done $0x0  }
0x7e: {  	[sflag:s28] =	ssyncadd.s32 $0xFFFFEC00  }
0x7f: {  	[spmem:s4] =	stream.indirect.scatter.add.f32 [tilespmem:s25], [sflag:$0x3], $0x40, s0, s24, $0xb8;
	[tilespmem:$0x10F40] =	vst v63  }
0x80: {  	_ =	swait.ge [sflag:s22], $0x1400  }
0x81: {  	[sflag:s22] =	ssyncset.done $0x0  }
0x82: {  	[sflag:s22] =	ssyncadd.s32 $0xFFFFEC00  }
0x83: {  	s31 =	sadd.s32 $0x1, s31;
	_ =	swait.ge [sflag:s29], $0x1400  }
0x84: {  	p1 =	seq.s32 s31, $0x5;
	[sflag:s29] =	ssyncset.done $0x0  }
.Ltmp4:
0x85: {  	s10 =	sadd.s32 $0x50, s0;
	[sflag:s29] =	ssyncadd.s32 $0xFFFFEC00;
	(pc) =	sbr.rel @!p1 .LBB2_2-.Ltmp4, $4  }
0x86: {  	[spmem:s4] =	stream.indirect.scatter.add.f32 [tilespmem:s26], [sflag:$0x3], $0x40, s10, s24, $0xb8;
	[tilespmem:$0x10F40] =	vst v63  }
0x87: {  	_ =	swait.ge [sflag:s22], $0x1400  }
0x88: {  	[sflag:s22] =	ssyncset.done $0x0  }
0x89: {  	[sflag:s22] =	ssyncadd.s32 $0xFFFFEC00  }
.Ltmp5:
0x8a: {  	(pc) =	sbr.rel .LBB2_10-.Ltmp5, $2  }
0x8b: {  	_ =	sdelay $0x2  }
0x8c: {  	s0 =	rddreg [dreg:$0x3]  }
.LBB2_6:
0x8d: {  	s3 =	smul.u32 $0xFA0, s0;
	_ =	sdelay $0x1  }
0x8e: {  	s3 =	sadd.s32 s15, s3  }
0x8f: {  	s3 =	sshrl.u32 s3, $0x3  }
0x90: {  	s9 =	simm.s32 $0x0;
	s6 =	sadd.s32 s1, s3  }
0x91: {  	[tilespmem:s9], [sflag:$0x3] =	stream.linear.gather [hbm4b:s6+s9], $0xFA0, $0x38;
	[tilespmem:$0x10F40] =	vst v63  }
0x92: {  	_ =	swait.ge [sflag:s22], $0xFA0  }
0x93: {  	[sflag:s22] =	ssyncset.done $0x0  }
0x94: {  	s3 =	sadd.s32 s2, s3;
	[sflag:s22] =	ssyncadd.s32 $0xFFFFF060  }
0x95: {  	[tilespmem:s23], [sflag:$0x3] =	stream.linear.gather [hbm4b:s3+s9], $0xFA0, $0x38;
	[tilespmem:$0x10F40] =	vst v63  }
0x96: {  	_ =	swait.ge [sflag:s22], $0xFA0  }
0x97: {  	[sflag:s22] =	ssyncset.done $0x0  }
0x98: {  	s10 =	simm.s32 $0xFA0;
	[sflag:s22] =	ssyncadd.s32 $0xFFFFF060  }
0x99: {  	[tilespmem:s25], [sflag:$0x1] =	stream.indirect.gather [hbm4b:s8+s24], $0x40, s10, s24, $0xb8;
	[tilespmem:$0x10F40] =	vst v63  }
0x9a: {  	s6 =	simm.s32 $0xFF0  }
0x9b: {  	[tilespmem:s26], [sflag:$0x2] =	stream.indirect.gather [hbm4b:s8+s24], $0x40, s6, s24, $0xb8;
	[tilespmem:$0x10F40] =	vst v63  }
0x9c: {  	_ =	swait.ge [sflag:s28], $0x1400  }
0x9d: {  	[sflag:s28] =	ssyncset.done $0x0  }
0x9e: {  	s9 =	simm.s32 $0x0;
	[sflag:s28] =	ssyncadd.s32 $0xFFFFEC00  }
0x9f: {  	[spmem:s4] =	stream.indirect.scatter.add.f32 [tilespmem:s25], [sflag:$0x3], $0x40, s9, s24, $0xb8;
	[tilespmem:$0x10F40] =	vst v63  }
0xa0: {  	_ =	swait.ge [sflag:s22], $0x1400  }
0xa1: {  	[sflag:s22] =	ssyncset.done $0x0  }
0xa2: {  	[sflag:s22] =	ssyncadd.s32 $0xFFFFEC00  }
0xa3: {  	_ =	swait.ge [sflag:s29], $0x1400  }
0xa4: {  	[sflag:s29] =	ssyncset.done $0x0  }
0xa5: {  	s10 =	simm.s32 $0x50;
	[sflag:s29] =	ssyncadd.s32 $0xFFFFEC00  }
0xa6: {  	[spmem:s4] =	stream.indirect.scatter.add.f32 [tilespmem:s26], [sflag:$0x3], $0x40, s10, s24, $0xb8;
	[tilespmem:$0x10F40] =	vst v63  }
0xa7: {  	_ =	swait.ge [sflag:s22], $0x1400  }
0xa8: {  	s31 =	simm.s32 $0xA0;
	s6 =	simm.s32 $0x500;
	[sflag:s22] =	ssyncset.done $0x0  }
.LBB2_7:
0xa9: {  	s3 =	sadd.s32 $0xFA0, s31  }
0xaa: {  	[sflag:s22] =	ssyncadd.s32 $0xFFFFEC00;
	s9 =	smov.u32 s6;
	s10 =	sadd.s32 $0x280, s6  }
0xab: {  	[tilespmem:s25], [sflag:$0x1] =	stream.indirect.gather [hbm4b:s8+s24], $0x40, s3, s24, $0xb8;
	[tilespmem:$0x10F40] =	vst v63  }
0xac: {  	p1 =	sne.s32 s6, $0x3C00;
	s3 =	sadd.s32 $0xFF0, s31  }
0xad: {  	[tilespmem:s26], [sflag:$0x2] =	stream.indirect.gather [hbm4b:s8+s24], $0x40, s3, s24, $0xb8;
	[tilespmem:$0x10F40] =	vst v63  }
0xae: {  	_ =	swait.ge [sflag:s28], $0x1400  }
0xaf: {  	[sflag:s28] =	ssyncset.done $0x0  }
0xb0: {  	[sflag:s28] =	ssyncadd.s32 $0xFFFFEC00  }
0xb1: {  	[spmem:s4] =	stream.indirect.scatter.add.f32 [tilespmem:s25], [sflag:$0x3], $0x40, s31, s24, $0xb8;
	[tilespmem:$0x10F40] =	vst v63  }
0xb2: {  	_ =	swait.ge [sflag:s22], $0x1400  }
0xb3: {  	[sflag:s22] =	ssyncset.done $0x0  }
0xb4: {  	[sflag:s22] =	ssyncadd.s32 $0xFFFFEC00  }
0xb5: {  	_ =	swait.ge [sflag:s29], $0x1400  }
.Ltmp6:
0xb6: {  	[sflag:s29] =	ssyncset.done $0x0;
	(pc) =	sbr.rel @p1 .LBB2_7-.Ltmp6, $4  }
0xb7: {  	s3 =	sadd.s32 $0x50, s31;
	[sflag:s29] =	ssyncadd.s32 $0xFFFFEC00  }
0xb8: {  	[spmem:s4] =	stream.indirect.scatter.add.f32 [tilespmem:s26], [sflag:$0x3], $0x40, s3, s24, $0xb8;
	[tilespmem:$0x10F40] =	vst v63  }
0xb9: {  	_ =	swait.ge [sflag:s22], $0x1400  }
0xba: {  	s6 =	smov.u32 s10;
	s31 =	sshra.s32 s9, $0x2;
	[sflag:s22] =	ssyncset.done $0x0  }
0xbb: {  	s3 =	sadd.s32 $0xFA0, s31;
	[sflag:s22] =	ssyncadd.s32 $0xFFFFEC00  }
0xbc: {  	[tilespmem:s25], [sflag:$0x1] =	stream.indirect.gather [hbm4b:s8+s24], $0x40, s3, s24, $0xb8;
	[tilespmem:$0x10F40] =	vst v63  }
0xbd: {  	s10 =	sadd.s32 $0xFF0, s31  }
0xbe: {  	[tilespmem:s26], [sflag:$0x2] =	stream.indirect.gather [hbm4b:s8+s24], $0x40, s10, s24, $0xb8;
	[tilespmem:$0x10F40] =	vst v63  }
0xbf: {  	_ =	swait.ge [sflag:s28], $0x1400  }
0xc0: {  	[sflag:s28] =	ssyncset.done $0x0  }
0xc1: {  	[sflag:s28] =	ssyncadd.s32 $0xFFFFEC00  }
0xc2: {  	[spmem:s4] =	stream.indirect.scatter.add.f32 [tilespmem:s25], [sflag:$0x3], $0x40, s31, s24, $0xb8;
	[tilespmem:$0x10F40] =	vst v63  }
0xc3: {  	_ =	swait.ge [sflag:s22], $0x1400  }
0xc4: {  	[sflag:s22] =	ssyncset.done $0x0  }
0xc5: {  	[sflag:s22] =	ssyncadd.s32 $0xFFFFEC00  }
0xc6: {  	s0 =	sadd.s32 $0x1, s0;
	_ =	swait.ge [sflag:s29], $0x1400  }
0xc7: {  	p1 =	sne.s32 s0, $0x5;
	[sflag:s29] =	ssyncset.done $0x0  }
.Ltmp7:
0xc8: {  	s31 =	sadd.s32 $0x50, s31;
	[sflag:s29] =	ssyncadd.s32 $0xFFFFEC00;
	(pc) =	sbr.rel @p1 .LBB2_6-.Ltmp7, $4  }
0xc9: {  	[spmem:s4] =	stream.indirect.scatter.add.f32 [tilespmem:s26], [sflag:$0x3], $0x40, s31, s24, $0xb8;
	[tilespmem:$0x10F40] =	vst v63  }
0xca: {  	_ =	swait.ge [sflag:s22], $0x1400  }
0xcb: {  	[sflag:s22] =	ssyncset.done $0x0  }
0xcc: {  	[sflag:s22] =	ssyncadd.s32 $0xFFFFEC00  }
.Ltmp8:
0xcd: {  	(pc) =	sbr.rel .LBB2_10-.Ltmp8, $2  }
0xce: {  	_ =	sdelay $0x2  }
0xcf: {  	s0 =	rddreg [dreg:$0x7]  }
.LBB2_11:
0xd0: {  	_ =	sfence.sel $0x180000  }
0xd1: {  	[bflag:$0x0] =	sbarrier.arrive $0xFFFF  }
0xd2: {  	_ =	strace $0x9000004A  }
0xd3: {  	s0 =	stileid.u32;
	[bflag:$0x2] =	sbarrier.arrive $0xFFFF  }
0xd4: {  	p0 =	sne.s32 s0, $0x0;
	s0 =	rddreg [dreg:$0x5]  }
0xd5: {  	s0 =	sadd.s32 @!p0 $0x100000, s0  }
0xd6: {  	[sflag:s0] =	ssyncadd.tile.s32 @!p0 $0x1;
	_ =	shalt  }
.Lfunc_end2:
_tile_overlayer_lowered:
.L_overlay_start_2:
0xd7: {  	(tag) =	ssettag $0x2  }
0xd8: {  	s0 =	rddreg [dreg:$0x0];
	s2 =	stileid.u32  }
0xd9: {  	s1 =	rddreg [dreg:$0x1];
	p0 =	sne.s32 s2, $0x0  }
0xda: {  	s3 =	rddreg [dreg:$0x2];
	[bflag:$0x3] =	sbarrier.arrive $0xFFFF;
	s2 =	simm.s32 @!p0 $0x1C03  }
0xdb: {  	[timem:s3], [sflag:s2] =	dma.local @!p0 [hbm:s0], s1  }
0xdc: {  	s0 =	simm.s32 @!p0 $0x3  }
0xdd: {  	_ =	swait.ge @!p0 [sflag:s0], s1  }
0xde: {  	s1 =	ssub.s32 @!p0 $0x0, s1;
	[sflag:s0] =	ssyncset.done @!p0 $0x0  }
0xdf: {  	[sflag:s0] =	ssyncadd.s32 @!p0 s1  }
0xe0: {  	[bflag:$0x3] =	sbarrier.arrive $0xFFFF  }
0xe1: {  	_ =	shalt  }

</sc_bundles>
